<compile_context>
chip_gen: v7x
topology: tpu7x:2x2x1
jax: 0.10.2.dev20260603
libtpu: 0.0.44.dev20260713+nightly
codegen_flags: <defaults>
</compile_context>

<pallas_src>
import functools

import jax
import jax.numpy as jnp
from jax import lax
from jax.experimental import pallas as pl
from jax.experimental.pallas import tpu as pltpu
from jax.experimental.pallas import tpu_sc as plsc

N = 10000
E = 320000
D = 128
OUT = 128
H = 4
HD = 32
NEG_SLOPE = 0.2

NC = 2
NS = 16
NW = NC * NS
ET = E // NW
C = 80
NCHUNK = ET // C
NT = N // NS
DW = 8
BN = 1000


def _tc_head(x_ref, st_ref, w1_ref, w2_ref, at_ref, h_ref, s_ref):
    h = jnp.dot(x_ref[...], w1_ref[...], preferred_element_type=jnp.float32)
    h = h + jnp.dot(st_ref[...], w2_ref[...], preferred_element_type=jnp.float32)
    h_ref[...] = h
    s_ref[...] = jnp.dot(h, at_ref[...], preferred_element_type=jnp.float32)


def _tc_tail(p_ref, d_ref, h_ref, o_ref):
    acc = p_ref[0] + p_ref[1]
    den = d_ref[0] + d_ref[1]
    cols = []
    for hh in range(H):
        num = acc[:, hh * HD:(hh + 1) * HD]
        cols.append(num / (den[:, hh][:, None] + 1e-12))
    o = jnp.concatenate(cols, axis=1) + h_ref[...]
    o_ref[...] = jnp.where(o > 0, o, jnp.exp(jnp.minimum(o, 0.0)) - 1.0)


def _splat(val):
    return jnp.full((16,), val, jnp.int32)


def _sc_body(h_hbm, stab_hbm, src_hbm, dst_hbm, acc_out, den_out,
             acc_sh, den_sh, sidx, didx, ssrc, sdst, hrows, msg, wmsg,
             zbuf, zbufd, sem_i, sem_g, sem_s):
    c = lax.axis_index("c")
    s = lax.axis_index("s")
    gid = c * NS + s
    row0 = gid * NCHUNK
    zero16 = jnp.zeros((16,), jnp.float32)

    for r in range(5):
        for k in range(OUT // 16):
            zbuf[r, pl.ds(k * 16, 16)] = zero16
    for col in range(DW):
        plsc.store_scatter(zbufd, [lax.iota(jnp.int32, 16), _splat(col)],
                           zero16)
    for p in range(2):
        for g in range(C // 16):
            ev = lax.iota(jnp.int32, 16) + g * 16
            for col in range(H, DW):
                plsc.store_scatter(wmsg.at[p], [ev, _splat(col)], zero16)

    @pl.loop(0, NT // 5)
    def _zero(i):
        pltpu.sync_copy(zbuf, acc_sh.at[pl.ds(s * NT + i * 5, 5)])

    @pl.loop(0, NT // 5 // 5)
    def _zerod(i):
        pltpu.sync_copy(zbufd.at[pl.ds(0, 16)],
                        den_sh.at[pl.ds(s * NT + i * 25, 16)])
        pltpu.sync_copy(zbufd.at[pl.ds(0, 9)],
                        den_sh.at[pl.ds(s * NT + i * 25 + 16, 9)])

    plsc.subcore_barrier()

    def _issue_idx(j):
        pltpu.async_copy(src_hbm.at[pl.ds(row0 + j, 1)],
                         sidx.at[lax.rem(j, 4)], sem_i)
        pltpu.async_copy(dst_hbm.at[pl.ds(row0 + j, 1)],
                         didx.at[lax.rem(j, 4)], sem_i)

    def _wait_idx(j):
        pltpu.make_async_copy(src_hbm.at[pl.ds(row0 + j, 1)],
                              sidx.at[lax.rem(j, 4)], sem_i).wait()
        pltpu.make_async_copy(dst_hbm.at[pl.ds(row0 + j, 1)],
                              didx.at[lax.rem(j, 4)], sem_i).wait()

    def _issue_gathers(j):
        p = lax.rem(j, 2)
        r4 = lax.rem(j, 4)
        pltpu.async_copy(stab_hbm.at[sidx.at[r4, 0]], ssrc, sem_g)
        pltpu.async_copy(stab_hbm.at[didx.at[r4, 0]], sdst, sem_g)
        pltpu.async_copy(h_hbm.at[sidx.at[r4, 0]], hrows.at[p], sem_g)

    _issue_idx(0)
    _issue_idx(1)
    _wait_idx(0)
    _issue_gathers(0)

    @pl.loop(0, NCHUNK)
    def _chunk(j):
        p = lax.rem(j, 2)
        r4 = lax.rem(j, 4)
        pltpu.make_async_copy(stab_hbm.at[sidx.at[r4, 0]], ssrc, sem_g).wait()
        pltpu.make_async_copy(stab_hbm.at[didx.at[r4, 0]], sdst, sem_g).wait()
        pltpu.make_async_copy(h_hbm.at[sidx.at[r4, 0]], hrows.at[p],
                              sem_g).wait()
        @pl.when(j >= 2)
        def _():
            r4p = lax.rem(j + 2, 4)
            pltpu.make_async_copy(msg.at[p], acc_sh.at[didx.at[r4p, 0]],
                                  sem_s).wait()
            pltpu.make_async_copy(wmsg.at[p], den_sh.at[didx.at[r4p, 0]],
                                  sem_s).wait()

        for g in range(C // 16):
            ev = lax.iota(jnp.int32, 16) + g * 16
            for hh in range(H):
                s1 = plsc.load_gather(ssrc, [ev, _splat(hh)])
                s2 = plsc.load_gather(sdst, [ev, _splat(4 + hh)])
                logit = s1 + s2
                logit = jnp.where(logit >= 0, logit, NEG_SLOPE * logit)
                plsc.store_scatter(wmsg.at[p], [ev, _splat(hh)],
                                   jnp.exp(logit))

        @pl.when(j < NCHUNK - 1)
        def _():
            _wait_idx(j + 1)
            _issue_gathers(j + 1)

        @pl.when(j < NCHUNK - 2)
        def _():
            _issue_idx(j + 2)

        @pl.loop(0, C, unroll=4)
        def _row(i):
            ii = jnp.zeros((16,), jnp.int32) + i
            for hh in range(H):
                wv = plsc.load_gather(wmsg.at[p], [ii, _splat(hh)])
                for q in range(2):
                    off = hh * HD + q * 16
                    msg[p, i, pl.ds(off, 16)] = (
                        hrows[p, i, pl.ds(off, 16)] * wv)

        pltpu.async_copy(msg.at[p], acc_sh.at[didx.at[r4, 0]], sem_s,
                         add=True)
        pltpu.async_copy(wmsg.at[p], den_sh.at[didx.at[r4, 0]], sem_s,
                         add=True)

    for j in (NCHUNK - 2, NCHUNK - 1):
        p = j % 2
        r4 = j % 4
        pltpu.make_async_copy(msg.at[p], acc_sh.at[didx.at[r4, 0]],
                              sem_s).wait()
        pltpu.make_async_copy(wmsg.at[p], den_sh.at[didx.at[r4, 0]],
                              sem_s).wait()

    plsc.subcore_barrier()
    pltpu.sync_copy(acc_sh.at[pl.ds(s * NT, NT)],
                    acc_out.at[c, pl.ds(s * NT, NT)])
    pltpu.sync_copy(den_sh.at[pl.ds(s * NT, NT)],
                    den_out.at[c, pl.ds(s * NT, NT)])


@jax.jit
def kernel(x, state, edge_index, edge_weight, W, attn_src, attn_dst):
    del edge_weight
    eye = jnp.eye(H, dtype=jnp.float32)
    a_src = (attn_src[:, :, None] * eye[:, None, :]).reshape(OUT, H)
    a_dst = (attn_dst[:, :, None] * eye[:, None, :]).reshape(OUT, H)
    at = jnp.concatenate([a_src, a_dst], axis=1)
    w1 = W[:D]
    w2 = W[D:]

    h, stab = pl.pallas_call(
        _tc_head,
        grid=(N // BN,),
        in_specs=[
            pl.BlockSpec((BN, D), lambda i: (i, 0)),
            pl.BlockSpec((BN, D), lambda i: (i, 0)),
            pl.BlockSpec((D, OUT), lambda i: (0, 0)),
            pl.BlockSpec((D, OUT), lambda i: (0, 0)),
            pl.BlockSpec((OUT, 2 * H), lambda i: (0, 0)),
        ],
        out_specs=[
            pl.BlockSpec((BN, OUT), lambda i: (i, 0)),
            pl.BlockSpec((BN, 2 * H), lambda i: (i, 0)),
        ],
        out_shape=[
            jax.ShapeDtypeStruct((N, OUT), jnp.float32),
            jax.ShapeDtypeStruct((N, 2 * H), jnp.float32),
        ],
    )(x, state, w1, w2, at)

    src2 = edge_index[0].reshape(E // C, C)
    dst2 = edge_index[1].reshape(E // C, C)

    sc = functools.partial(
        pl.kernel,
        mesh=plsc.VectorSubcoreMesh(core_axis_name="c", subcore_axis_name="s"),
        compiler_params=pltpu.CompilerParams(
            use_tc_tiling_on_sc=False, needs_layout_passes=False),
        out_type=[
            jax.ShapeDtypeStruct((NC, N, OUT), jnp.float32),
            jax.ShapeDtypeStruct((NC, N, DW), jnp.float32),
        ],
        scratch_types=[
            pltpu.VMEM_SHARED((N, OUT), jnp.float32),
            pltpu.VMEM_SHARED((N, DW), jnp.float32),
            pltpu.VMEM((4, 1, C), jnp.int32),
            pltpu.VMEM((4, 1, C), jnp.int32),
            pltpu.VMEM((C, 2 * H), jnp.float32),
            pltpu.VMEM((C, 2 * H), jnp.float32),
            pltpu.VMEM((2, C, OUT), jnp.float32),
            pltpu.VMEM((2, C, OUT), jnp.float32),
            pltpu.VMEM((2, C, DW), jnp.float32),
            pltpu.VMEM((5, OUT), jnp.float32),
            pltpu.VMEM((16, DW), jnp.float32),
            pltpu.SemaphoreType.DMA,
            pltpu.SemaphoreType.DMA,
            pltpu.SemaphoreType.DMA,
        ],
    )(_sc_body)
    parts, dens = sc(h, stab, src2, dst2)

    out = pl.pallas_call(
        _tc_tail,
        grid=(N // BN,),
        in_specs=[
            pl.BlockSpec((NC, BN, OUT), lambda i: (0, i, 0)),
            pl.BlockSpec((NC, BN, DW), lambda i: (0, i, 0)),
            pl.BlockSpec((BN, OUT), lambda i: (i, 0)),
        ],
        out_specs=pl.BlockSpec((BN, OUT), lambda i: (i, 0)),
        out_shape=jax.ShapeDtypeStruct((N, OUT), jnp.float32),
    )(parts, dens, h)
    return out

# --- scband reference (transcript-rebuilt; emitter-appended) ---
"""Pipeline reference for scband-graph-attention-pos-enc-7043746365720 (READ-ONLY COPY).

The authoritative reference and input builder live on the scoring server;
editing this copy changes nothing except your own understanding.
"""

import jax, jax.numpy as jnp
import numpy as np

N = 10000
E = 320000
D = 128
IN_DIM = 2 * D
OUT = 128
H = 4
HD = OUT // H
NEG_SLOPE = 0.2


def setup_inputs(seed: int = 0) -> dict:
    key = jax.random.key(seed)
    ks = jax.random.split(key, 7)
    x = jax.random.normal(ks[0], (N, D), dtype=jnp.float32)
    state = jax.random.normal(ks[1], (N, D), dtype=jnp.float32)
    edge_index = jax.random.randint(ks[2], (2, E), 0, N, dtype=jnp.int32)
    edge_weight = jax.random.normal(ks[3], (E,), dtype=jnp.float32)
    # learned parameters (xavier-ish scale)
    W = jax.random.normal(ks[4], (IN_DIM, OUT), dtype=jnp.float32) * (2.0 / (IN_DIM + OUT)) ** 0.5
    attn_src = jax.random.normal(ks[5], (H, HD), dtype=jnp.float32) * (2.0 / (H + HD)) ** 0.5
    attn_dst = jax.random.normal(ks[6], (H, HD), dtype=jnp.float32) * (2.0 / (H + HD)) ** 0.5
    return {"x": x, "state": state, "edge_index": edge_index, "edge_weight": edge_weight,
            "W": W, "attn_src": attn_src, "attn_dst": attn_dst}


def reference(x, state, edge_index, edge_weight, W, attn_src, attn_dst):
    # edge_weight is ignored by design (pure attention behavior)
    _ = edge_weight
    x_and_state = jnp.concatenate([x, state], axis=-1)          # [N, 2D]
    h_flat = x_and_state @ W                                    # [N, OUT]
    h = h_flat.reshape(N, H, HD)                                # [N, H, HD]
    src = edge_index[0].astype(jnp.int32)
    dst = edge_index[1].astype(jnp.int32)
    h_src = h[src]                                              # [E, H, HD] gather
    h_dst = h[dst]                                              # [E, H, HD] gather
    logits = (h_src * attn_src[None, :, :]).sum(-1) + (h_dst * attn_dst[None, :, :]).sum(-1)  # [E, H]
    logits = jnp.where(logits >= 0, logits, NEG_SLOPE * logits)  # leaky_relu
    # edge softmax by destination node
    max_by_dst = jax.ops.segment_max(logits, dst, num_segments=N)  # [N, H]
    shifted = logits - max_by_dst[dst]
    exp_shifted = jnp.exp(shifted)
    denom = jax.ops.segment_sum(exp_shifted, dst, num_segments=N)  # [N, H]
    alpha = exp_shifted / (denom[dst] + 1e-12)                  # [E, H]
    msg = h_src * alpha[:, :, None]                             # [E, H, HD]
    msg_flat = msg.reshape(E, OUT)
    out_flat = jnp.zeros_like(h_flat).at[dst].add(msg_flat)     # scatter-add
    out_flat = out_flat + h_flat                                # residual (dims match)
    out_flat = jax.nn.elu(out_flat)                             # activation
    return out_flat

if __name__ == "__main__":
    import jax
    _d = setup_inputs()
    print(jax.jit(kernel)(*tuple(_d.values())))

</pallas_src>

<mosaic_0001>
#map = affine_map<(d0, d1) -> (0, 0)>
#map1 = affine_map<(d0, d1) -> (0, 0, 0)>
module attributes {stable_mosaic.version = 14 : i64} {
  func.func @_sc_body(%arg0: i32, %arg1: i32, %arg2: memref<10000x128xf32, #tpu.memory_space<hbm>>, %arg3: memref<10000x8xf32, #tpu.memory_space<hbm>>, %arg4: memref<4000x80xi32, #tpu.memory_space<hbm>>, %arg5: memref<4000x80xi32, #tpu.memory_space<hbm>>, %arg6: memref<2x10000x128xf32, #tpu.memory_space<hbm>>, %arg7: memref<2x10000x8xf32, #tpu.memory_space<hbm>>, %arg8: memref<10000x128xf32, #tpu.memory_space<vmem_shared>>, %arg9: memref<10000x8xf32, #tpu.memory_space<vmem_shared>>, %arg10: memref<4x1x80xi32, #tpu.memory_space<vmem>>, %arg11: memref<4x1x80xi32, #tpu.memory_space<vmem>>, %arg12: memref<80x8xf32, #tpu.memory_space<vmem>>, %arg13: memref<80x8xf32, #tpu.memory_space<vmem>>, %arg14: memref<2x80x128xf32, #tpu.memory_space<vmem>>, %arg15: memref<2x80x128xf32, #tpu.memory_space<vmem>>, %arg16: memref<2x80x8xf32, #tpu.memory_space<vmem>>, %arg17: memref<5x128xf32, #tpu.memory_space<vmem>>, %arg18: memref<16x8xf32, #tpu.memory_space<vmem>>, %arg19: memref<!tpu.dma_semaphore, #tpu.memory_space<semaphore_mem>>, %arg20: memref<!tpu.dma_semaphore, #tpu.memory_space<semaphore_mem>>, %arg21: memref<!tpu.dma_semaphore, #tpu.memory_space<semaphore_mem>>) attributes {dimension_semantics = [#tpu.dimension_semantics<core_parallel>, #tpu.dimension_semantics<subcore_parallel>], iteration_bounds = array<i64: 2, 16>, scalar_prefetch = 0 : i64, scratch_operands = 14 : i64, tpu.core_type = #tpu.core_type<sc_vector_subcore>, window_params = [{transform_indices = #map}, {transform_indices = #map}, {transform_indices = #map}, {transform_indices = #map}, {transform_indices = #map1}, {transform_indices = #map1}]} {
    %mul3A = arith.constant 16 : i32
    %mul3A_0 = arith.muli %arg0, %mul3A : i32
    %add3A = arith.addi %mul3A_0, %arg1 : i32
    %mul3A_1 = arith.constant 125 : i32
    %mul3A_2 = arith.muli %add3A, %mul3A_1 : i32
    %broadcast_in_dim3A = arith.constant 0.000000e+00 : f32
    %broadcast_in_dim3A_3 = vector.broadcast %broadcast_in_dim3A : f32 to vector<16xf32>
    %swap3A = arith.constant 0 : i32
    %swap3A_4 = arith.index_cast %swap3A : i32 to index
    %swap3A_5 = arith.constant 0 : index
    %swap3A_6 = tpu.vector_load %arg17[%swap3A_4, %swap3A_5] {strides = array<i32>} : memref<5x128xf32, #tpu.memory_space<vmem>>, vector<16xf32>,
    tpu.vector_store %arg17[%swap3A_4, %swap3A_5], %broadcast_in_dim3A_3 {strides = array<i32>} : memref<5x128xf32, #tpu.memory_space<vmem>>, vector<16xf32>,
    %swap3A_7 = arith.constant 0 : i32
    %swap3A_8 = arith.index_cast %swap3A_7 : i32 to index
    %swap3A_9 = arith.constant 16 : index
    %swap3A_10 = tpu.vector_load %arg17[%swap3A_8, %swap3A_9] {strides = array<i32>} : memref<5x128xf32, #tpu.memory_space<vmem>>, vector<16xf32>,
    tpu.vector_store %arg17[%swap3A_8, %swap3A_9], %broadcast_in_dim3A_3 {strides = array<i32>} : memref<5x128xf32, #tpu.memory_space<vmem>>, vector<16xf32>,
    %swap3A_11 = arith.constant 0 : i32
    %swap3A_12 = arith.index_cast %swap3A_11 : i32 to index
    %swap3A_13 = arith.constant 32 : index
    %swap3A_14 = tpu.vector_load %arg17[%swap3A_12, %swap3A_13] {strides = array<i32>} : memref<5x128xf32, #tpu.memory_space<vmem>>, vector<16xf32>,
    tpu.vector_store %arg17[%swap3A_12, %swap3A_13], %broadcast_in_dim3A_3 {strides = array<i32>} : memref<5x128xf32, #tpu.memory_space<vmem>>, vector<16xf32>,
    %swap3A_15 = arith.constant 0 : i32
    %swap3A_16 = arith.index_cast %swap3A_15 : i32 to index
    %swap3A_17 = arith.constant 48 : index
    %swap3A_18 = tpu.vector_load %arg17[%swap3A_16, %swap3A_17] {strides = array<i32>} : memref<5x128xf32, #tpu.memory_space<vmem>>, vector<16xf32>,
    tpu.vector_store %arg17[%swap3A_16, %swap3A_17], %broadcast_in_dim3A_3 {strides = array<i32>} : memref<5x128xf32, #tpu.memory_space<vmem>>, vector<16xf32>,
    %swap3A_19 = arith.constant 0 : i32
    %swap3A_20 = arith.index_cast %swap3A_19 : i32 to index
    %swap3A_21 = arith.constant 64 : index
    %swap3A_22 = tpu.vector_load %arg17[%swap3A_20, %swap3A_21] {strides = array<i32>} : memref<5x128xf32, #tpu.memory_space<vmem>>, vector<16xf32>,
    tpu.vector_store %arg17[%swap3A_20, %swap3A_21], %broadcast_in_dim3A_3 {strides = array<i32>} : memref<5x128xf32, #tpu.memory_space<vmem>>, vector<16xf32>,
    %swap3A_23 = arith.constant 0 : i32
    %swap3A_24 = arith.index_cast %swap3A_23 : i32 to index
    %swap3A_25 = arith.constant 80 : index
    %swap3A_26 = tpu.vector_load %arg17[%swap3A_24, %swap3A_25] {strides = array<i32>} : memref<5x128xf32, #tpu.memory_space<vmem>>, vector<16xf32>,
    tpu.vector_store %arg17[%swap3A_24, %swap3A_25], %broadcast_in_dim3A_3 {strides = array<i32>} : memref<5x128xf32, #tpu.memory_space<vmem>>, vector<16xf32>,
    %swap3A_27 = arith.constant 0 : i32
    %swap3A_28 = arith.index_cast %swap3A_27 : i32 to index
    %swap3A_29 = arith.constant 96 : index
    %swap3A_30 = tpu.vector_load %arg17[%swap3A_28, %swap3A_29] {strides = array<i32>} : memref<5x128xf32, #tpu.memory_space<vmem>>, vector<16xf32>,
    tpu.vector_store %arg17[%swap3A_28, %swap3A_29], %broadcast_in_dim3A_3 {strides = array<i32>} : memref<5x128xf32, #tpu.memory_space<vmem>>, vector<16xf32>,
    %swap3A_31 = arith.constant 0 : i32
    %swap3A_32 = arith.index_cast %swap3A_31 : i32 to index
    %swap3A_33 = arith.constant 112 : index
    %swap3A_34 = tpu.vector_load %arg17[%swap3A_32, %swap3A_33] {strides = array<i32>} : memref<5x128xf32, #tpu.memory_space<vmem>>, vector<16xf32>,
    tpu.vector_store %arg17[%swap3A_32, %swap3A_33], %broadcast_in_dim3A_3 {strides = array<i32>} : memref<5x128xf32, #tpu.memory_space<vmem>>, vector<16xf32>,
    %swap3A_35 = arith.constant 1 : i32
    %swap3A_36 = arith.index_cast %swap3A_35 : i32 to index
    %swap3A_37 = arith.constant 0 : index
    %swap3A_38 = tpu.vector_load %arg17[%swap3A_36, %swap3A_37] {strides = array<i32>} : memref<5x128xf32, #tpu.memory_space<vmem>>, vector<16xf32>,
    tpu.vector_store %arg17[%swap3A_36, %swap3A_37], %broadcast_in_dim3A_3 {strides = array<i32>} : memref<5x128xf32, #tpu.memory_space<vmem>>, vector<16xf32>,
    %swap3A_39 = arith.constant 1 : i32
    %swap3A_40 = arith.index_cast %swap3A_39 : i32 to index
    %swap3A_41 = arith.constant 16 : index
    %swap3A_42 = tpu.vector_load %arg17[%swap3A_40, %swap3A_41] {strides = array<i32>} : memref<5x128xf32, #tpu.memory_space<vmem>>, vector<16xf32>,
    tpu.vector_store %arg17[%swap3A_40, %swap3A_41], %broadcast_in_dim3A_3 {strides = array<i32>} : memref<5x128xf32, #tpu.memory_space<vmem>>, vector<16xf32>,
    %swap3A_43 = arith.constant 1 : i32
    %swap3A_44 = arith.index_cast %swap3A_43 : i32 to index
    %swap3A_45 = arith.constant 32 : index
    %swap3A_46 = tpu.vector_load %arg17[%swap3A_44, %swap3A_45] {strides = array<i32>} : memref<5x128xf32, #tpu.memory_space<vmem>>, vector<16xf32>,
    tpu.vector_store %arg17[%swap3A_44, %swap3A_45], %broadcast_in_dim3A_3 {strides = array<i32>} : memref<5x128xf32, #tpu.memory_space<vmem>>, vector<16xf32>,
    %swap3A_47 = arith.constant 1 : i32
    %swap3A_48 = arith.index_cast %swap3A_47 : i32 to index
    %swap3A_49 = arith.constant 48 : index
    %swap3A_50 = tpu.vector_load %arg17[%swap3A_48, %swap3A_49] {strides = array<i32>} : memref<5x128xf32, #tpu.memory_space<vmem>>, vector<16xf32>,
    tpu.vector_store %arg17[%swap3A_48, %swap3A_49], %broadcast_in_dim3A_3 {strides = array<i32>} : memref<5x128xf32, #tpu.memory_space<vmem>>, vector<16xf32>,
    %swap3A_51 = arith.constant 1 : i32
    %swap3A_52 = arith.index_cast %swap3A_51 : i32 to index
    %swap3A_53 = arith.constant 64 : index
    %swap3A_54 = tpu.vector_load %arg17[%swap3A_52, %swap3A_53] {strides = array<i32>} : memref<5x128xf32, #tpu.memory_space<vmem>>, vector<16xf32>,
    tpu.vector_store %arg17[%swap3A_52, %swap3A_53], %broadcast_in_dim3A_3 {strides = array<i32>} : memref<5x128xf32, #tpu.memory_space<vmem>>, vector<16xf32>,
    %swap3A_55 = arith.constant 1 : i32
    %swap3A_56 = arith.index_cast %swap3A_55 : i32 to index
    %swap3A_57 = arith.constant 80 : index
    %swap3A_58 = tpu.vector_load %arg17[%swap3A_56, %swap3A_57] {strides = array<i32>} : memref<5x128xf32, #tpu.memory_space<vmem>>, vector<16xf32>,
    tpu.vector_store %arg17[%swap3A_56, %swap3A_57], %broadcast_in_dim3A_3 {strides = array<i32>} : memref<5x128xf32, #tpu.memory_space<vmem>>, vector<16xf32>,
    %swap3A_59 = arith.constant 1 : i32
    %swap3A_60 = arith.index_cast %swap3A_59 : i32 to index
    %swap3A_61 = arith.constant 96 : index
    %swap3A_62 = tpu.vector_load %arg17[%swap3A_60, %swap3A_61] {strides = array<i32>} : memref<5x128xf32, #tpu.memory_space<vmem>>, vector<16xf32>,
    tpu.vector_store %arg17[%swap3A_60, %swap3A_61], %broadcast_in_dim3A_3 {strides = array<i32>} : memref<5x128xf32, #tpu.memory_space<vmem>>, vector<16xf32>,
    %swap3A_63 = arith.constant 1 : i32
    %swap3A_64 = arith.index_cast %swap3A_63 : i32 to index
    %swap3A_65 = arith.constant 112 : index
    %swap3A_66 = tpu.vector_load %arg17[%swap3A_64, %swap3A_65] {strides = array<i32>} : memref<5x128xf32, #tpu.memory_space<vmem>>, vector<16xf32>,
    tpu.vector_store %arg17[%swap3A_64, %swap3A_65], %broadcast_in_dim3A_3 {strides = array<i32>} : memref<5x128xf32, #tpu.memory_space<vmem>>, vector<16xf32>,
    %swap3A_67 = arith.constant 2 : i32
    %swap3A_68 = arith.index_cast %swap3A_67 : i32 to index
    %swap3A_69 = arith.constant 0 : index
    %swap3A_70 = tpu.vector_load %arg17[%swap3A_68, %swap3A_69] {strides = array<i32>} : memref<5x128xf32, #tpu.memory_space<vmem>>, vector<16xf32>,
    tpu.vector_store %arg17[%swap3A_68, %swap3A_69], %broadcast_in_dim3A_3 {strides = array<i32>} : memref<5x128xf32, #tpu.memory_space<vmem>>, vector<16xf32>,
    %swap3A_71 = arith.constant 2 : i32
    %swap3A_72 = arith.index_cast %swap3A_71 : i32 to index
    %swap3A_73 = arith.constant 16 : index
    %swap3A_74 = tpu.vector_load %arg17[%swap3A_72, %swap3A_73] {strides = array<i32>} : memref<5x128xf32, #tpu.memory_space<vmem>>, vector<16xf32>,
    tpu.vector_store %arg17[%swap3A_72, %swap3A_73], %broadcast_in_dim3A_3 {strides = array<i32>} : memref<5x128xf32, #tpu.memory_space<vmem>>, vector<16xf32>,
    %swap3A_75 = arith.constant 2 : i32
    %swap3A_76 = arith.index_cast %swap3A_75 : i32 to index
    %swap3A_77 = arith.constant 32 : index
    %swap3A_78 = tpu.vector_load %arg17[%swap3A_76, %swap3A_77] {strides = array<i32>} : memref<5x128xf32, #tpu.memory_space<vmem>>, vector<16xf32>,
    tpu.vector_store %arg17[%swap3A_76, %swap3A_77], %broadcast_in_dim3A_3 {strides = array<i32>} : memref<5x128xf32, #tpu.memory_space<vmem>>, vector<16xf32>,
    %swap3A_79 = arith.constant 2 : i32
    %swap3A_80 = arith.index_cast %swap3A_79 : i32 to index
    %swap3A_81 = arith.constant 48 : index
    %swap3A_82 = tpu.vector_load %arg17[%swap3A_80, %swap3A_81] {strides = array<i32>} : memref<5x128xf32, #tpu.memory_space<vmem>>, vector<16xf32>,
    tpu.vector_store %arg17[%swap3A_80, %swap3A_81], %broadcast_in_dim3A_3 {strides = array<i32>} : memref<5x128xf32, #tpu.memory_space<vmem>>, vector<16xf32>,
    %swap3A_83 = arith.constant 2 : i32
    %swap3A_84 = arith.index_cast %swap3A_83 : i32 to index
    %swap3A_85 = arith.constant 64 : index
    %swap3A_86 = tpu.vector_load %arg17[%swap3A_84, %swap3A_85] {strides = array<i32>} : memref<5x128xf32, #tpu.memory_space<vmem>>, vector<16xf32>,
    tpu.vector_store %arg17[%swap3A_84, %swap3A_85], %broadcast_in_dim3A_3 {strides = array<i32>} : memref<5x128xf32, #tpu.memory_space<vmem>>, vector<16xf32>,
    %swap3A_87 = arith.constant 2 : i32
    %swap3A_88 = arith.index_cast %swap3A_87 : i32 to index
    %swap3A_89 = arith.constant 80 : index
    %swap3A_90 = tpu.vector_load %arg17[%swap3A_88, %swap3A_89] {strides = array<i32>} : memref<5x128xf32, #tpu.memory_space<vmem>>, vector<16xf32>,
    tpu.vector_store %arg17[%swap3A_88, %swap3A_89], %broadcast_in_dim3A_3 {strides = array<i32>} : memref<5x128xf32, #tpu.memory_space<vmem>>, vector<16xf32>,
    %swap3A_91 = arith.constant 2 : i32
    %swap3A_92 = arith.index_cast %swap3A_91 : i32 to index
    %swap3A_93 = arith.constant 96 : index
    %swap3A_94 = tpu.vector_load %arg17[%swap3A_92, %swap3A_93] {strides = array<i32>} : memref<5x128xf32, #tpu.memory_space<vmem>>, vector<16xf32>,
    tpu.vector_store %arg17[%swap3A_92, %swap3A_93], %broadcast_in_dim3A_3 {strides = array<i32>} : memref<5x128xf32, #tpu.memory_space<vmem>>, vector<16xf32>,
    %swap3A_95 = arith.constant 2 : i32
    %swap3A_96 = arith.index_cast %swap3A_95 : i32 to index
    %swap3A_97 = arith.constant 112 : index
    %swap3A_98 = tpu.vector_load %arg17[%swap3A_96, %swap3A_97] {strides = array<i32>} : memref<5x128xf32, #tpu.memory_space<vmem>>, vector<16xf32>,
    tpu.vector_store %arg17[%swap3A_96, %swap3A_97], %broadcast_in_dim3A_3 {strides = array<i32>} : memref<5x128xf32, #tpu.memory_space<vmem>>, vector<16xf32>,
    %swap3A_99 = arith.constant 3 : i32
    %swap3A_100 = arith.index_cast %swap3A_99 : i32 to index
    %swap3A_101 = arith.constant 0 : index
    %swap3A_102 = tpu.vector_load %arg17[%swap3A_100, %swap3A_101] {strides = array<i32>} : memref<5x128xf32, #tpu.memory_space<vmem>>, vector<16xf32>,
    tpu.vector_store %arg17[%swap3A_100, %swap3A_101], %broadcast_in_dim3A_3 {strides = array<i32>} : memref<5x128xf32, #tpu.memory_space<vmem>>, vector<16xf32>,
    %swap3A_103 = arith.constant 3 : i32
    %swap3A_104 = arith.index_cast %swap3A_103 : i32 to index
    %swap3A_105 = arith.constant 16 : index
    %swap3A_106 = tpu.vector_load %arg17[%swap3A_104, %swap3A_105] {strides = array<i32>} : memref<5x128xf32, #tpu.memory_space<vmem>>, vector<16xf32>,
    tpu.vector_store %arg17[%swap3A_104, %swap3A_105], %broadcast_in_dim3A_3 {strides = array<i32>} : memref<5x128xf32, #tpu.memory_space<vmem>>, vector<16xf32>,
    %swap3A_107 = arith.constant 3 : i32
    %swap3A_108 = arith.index_cast %swap3A_107 : i32 to index
    %swap3A_109 = arith.constant 32 : index
    %swap3A_110 = tpu.vector_load %arg17[%swap3A_108, %swap3A_109] {strides = array<i32>} : memref<5x128xf32, #tpu.memory_space<vmem>>, vector<16xf32>,
    tpu.vector_store %arg17[%swap3A_108, %swap3A_109], %broadcast_in_dim3A_3 {strides = array<i32>} : memref<5x128xf32, #tpu.memory_space<vmem>>, vector<16xf32>,
    %swap3A_111 = arith.constant 3 : i32
    %swap3A_112 = arith.index_cast %swap3A_111 : i32 to index
    %swap3A_113 = arith.constant 48 : index
    %swap3A_114 = tpu.vector_load %arg17[%swap3A_112, %swap3A_113] {strides = array<i32>} : memref<5x128xf32, #tpu.memory_space<vmem>>, vector<16xf32>,
    tpu.vector_store %arg17[%swap3A_112, %swap3A_113], %broadcast_in_dim3A_3 {strides = array<i32>} : memref<5x128xf32, #tpu.memory_space<vmem>>, vector<16xf32>,
    %swap3A_115 = arith.constant 3 : i32
    %swap3A_116 = arith.index_cast %swap3A_115 : i32 to index
    %swap3A_117 = arith.constant 64 : index
    %swap3A_118 = tpu.vector_load %arg17[%swap3A_116, %swap3A_117] {strides = array<i32>} : memref<5x128xf32, #tpu.memory_space<vmem>>, vector<16xf32>,
    tpu.vector_store %arg17[%swap3A_116, %swap3A_117], %broadcast_in_dim3A_3 {strides = array<i32>} : memref<5x128xf32, #tpu.memory_space<vmem>>, vector<16xf32>,
    %swap3A_119 = arith.constant 3 : i32
    %swap3A_120 = arith.index_cast %swap3A_119 : i32 to index
    %swap3A_121 = arith.constant 80 : index
    %swap3A_122 = tpu.vector_load %arg17[%swap3A_120, %swap3A_121] {strides = array<i32>} : memref<5x128xf32, #tpu.memory_space<vmem>>, vector<16xf32>,
    tpu.vector_store %arg17[%swap3A_120, %swap3A_121], %broadcast_in_dim3A_3 {strides = array<i32>} : memref<5x128xf32, #tpu.memory_space<vmem>>, vector<16xf32>,
    %swap3A_123 = arith.constant 3 : i32
    %swap3A_124 = arith.index_cast %swap3A_123 : i32 to index
    %swap3A_125 = arith.constant 96 : index
    %swap3A_126 = tpu.vector_load %arg17[%swap3A_124, %swap3A_125] {strides = array<i32>} : memref<5x128xf32, #tpu.memory_space<vmem>>, vector<16xf32>,
    tpu.vector_store %arg17[%swap3A_124, %swap3A_125], %broadcast_in_dim3A_3 {strides = array<i32>} : memref<5x128xf32, #tpu.memory_space<vmem>>, vector<16xf32>,
    %swap3A_127 = arith.constant 3 : i32
    %swap3A_128 = arith.index_cast %swap3A_127 : i32 to index
    %swap3A_129 = arith.constant 112 : index
    %swap3A_130 = tpu.vector_load %arg17[%swap3A_128, %swap3A_129] {strides = array<i32>} : memref<5x128xf32, #tpu.memory_space<vmem>>, vector<16xf32>,
    tpu.vector_store %arg17[%swap3A_128, %swap3A_129], %broadcast_in_dim3A_3 {strides = array<i32>} : memref<5x128xf32, #tpu.memory_space<vmem>>, vector<16xf32>,
    %swap3A_131 = arith.constant 4 : i32
    %swap3A_132 = arith.index_cast %swap3A_131 : i32 to index
    %swap3A_133 = arith.constant 0 : index
    %swap3A_134 = tpu.vector_load %arg17[%swap3A_132, %swap3A_133] {strides = array<i32>} : memref<5x128xf32, #tpu.memory_space<vmem>>, vector<16xf32>,
    tpu.vector_store %arg17[%swap3A_132, %swap3A_133], %broadcast_in_dim3A_3 {strides = array<i32>} : memref<5x128xf32, #tpu.memory_space<vmem>>, vector<16xf32>,
    %swap3A_135 = arith.constant 4 : i32
    %swap3A_136 = arith.index_cast %swap3A_135 : i32 to index
    %swap3A_137 = arith.constant 16 : index
    %swap3A_138 = tpu.vector_load %arg17[%swap3A_136, %swap3A_137] {strides = array<i32>} : memref<5x128xf32, #tpu.memory_space<vmem>>, vector<16xf32>,
    tpu.vector_store %arg17[%swap3A_136, %swap3A_137], %broadcast_in_dim3A_3 {strides = array<i32>} : memref<5x128xf32, #tpu.memory_space<vmem>>, vector<16xf32>,
    %swap3A_139 = arith.constant 4 : i32
    %swap3A_140 = arith.index_cast %swap3A_139 : i32 to index
    %swap3A_141 = arith.constant 32 : index
    %swap3A_142 = tpu.vector_load %arg17[%swap3A_140, %swap3A_141] {strides = array<i32>} : memref<5x128xf32, #tpu.memory_space<vmem>>, vector<16xf32>,
    tpu.vector_store %arg17[%swap3A_140, %swap3A_141], %broadcast_in_dim3A_3 {strides = array<i32>} : memref<5x128xf32, #tpu.memory_space<vmem>>, vector<16xf32>,
    %swap3A_143 = arith.constant 4 : i32
    %swap3A_144 = arith.index_cast %swap3A_143 : i32 to index
    %swap3A_145 = arith.constant 48 : index
    %swap3A_146 = tpu.vector_load %arg17[%swap3A_144, %swap3A_145] {strides = array<i32>} : memref<5x128xf32, #tpu.memory_space<vmem>>, vector<16xf32>,
    tpu.vector_store %arg17[%swap3A_144, %swap3A_145], %broadcast_in_dim3A_3 {strides = array<i32>} : memref<5x128xf32, #tpu.memory_space<vmem>>, vector<16xf32>,
    %swap3A_147 = arith.constant 4 : i32
    %swap3A_148 = arith.index_cast %swap3A_147 : i32 to index
    %swap3A_149 = arith.constant 64 : index
    %swap3A_150 = tpu.vector_load %arg17[%swap3A_148, %swap3A_149] {strides = array<i32>} : memref<5x128xf32, #tpu.memory_space<vmem>>, vector<16xf32>,
    tpu.vector_store %arg17[%swap3A_148, %swap3A_149], %broadcast_in_dim3A_3 {strides = array<i32>} : memref<5x128xf32, #tpu.memory_space<vmem>>, vector<16xf32>,
    %swap3A_151 = arith.constant 4 : i32
    %swap3A_152 = arith.index_cast %swap3A_151 : i32 to index
    %swap3A_153 = arith.constant 80 : index
    %swap3A_154 = tpu.vector_load %arg17[%swap3A_152, %swap3A_153] {strides = array<i32>} : memref<5x128xf32, #tpu.memory_space<vmem>>, vector<16xf32>,
    tpu.vector_store %arg17[%swap3A_152, %swap3A_153], %broadcast_in_dim3A_3 {strides = array<i32>} : memref<5x128xf32, #tpu.memory_space<vmem>>, vector<16xf32>,
    %swap3A_155 = arith.constant 4 : i32
    %swap3A_156 = arith.index_cast %swap3A_155 : i32 to index
    %swap3A_157 = arith.constant 96 : index
    %swap3A_158 = tpu.vector_load %arg17[%swap3A_156, %swap3A_157] {strides = array<i32>} : memref<5x128xf32, #tpu.memory_space<vmem>>, vector<16xf32>,
    tpu.vector_store %arg17[%swap3A_156, %swap3A_157], %broadcast_in_dim3A_3 {strides = array<i32>} : memref<5x128xf32, #tpu.memory_space<vmem>>, vector<16xf32>,
    %swap3A_159 = arith.constant 4 : i32
    %swap3A_160 = arith.index_cast %swap3A_159 : i32 to index
    %swap3A_161 = arith.constant 112 : index
    %swap3A_162 = tpu.vector_load %arg17[%swap3A_160, %swap3A_161] {strides = array<i32>} : memref<5x128xf32, #tpu.memory_space<vmem>>, vector<16xf32>,
    tpu.vector_store %arg17[%swap3A_160, %swap3A_161], %broadcast_in_dim3A_3 {strides = array<i32>} : memref<5x128xf32, #tpu.memory_space<vmem>>, vector<16xf32>,
    %iota3A = tpu.iota {dimensions = array<i32: 0>} : vector<16xi32>
    %broadcast_in_dim3A_163 = arith.constant 0 : i32
    %broadcast_in_dim3A_164 = vector.broadcast %broadcast_in_dim3A_163 : i32 to vector<16xi32>
    tpu.vector_store_idx %arg18[%iota3A, %broadcast_in_dim3A_164], %broadcast_in_dim3A_3 : memref<16x8xf32, #tpu.memory_space<vmem>>[vector<16xi32>, vector<16xi32>], vector<16xf32>,
    %iota3A_165 = tpu.iota {dimensions = array<i32: 0>} : vector<16xi32>
    %broadcast_in_dim3A_166 = arith.constant 1 : i32
    %broadcast_in_dim3A_167 = vector.broadcast %broadcast_in_dim3A_166 : i32 to vector<16xi32>
    tpu.vector_store_idx %arg18[%iota3A_165, %broadcast_in_dim3A_167], %broadcast_in_dim3A_3 : memref<16x8xf32, #tpu.memory_space<vmem>>[vector<16xi32>, vector<16xi32>], vector<16xf32>,
    %iota3A_168 = tpu.iota {dimensions = array<i32: 0>} : vector<16xi32>
    %broadcast_in_dim3A_169 = arith.constant 2 : i32
    %broadcast_in_dim3A_170 = vector.broadcast %broadcast_in_dim3A_169 : i32 to vector<16xi32>
    tpu.vector_store_idx %arg18[%iota3A_168, %broadcast_in_dim3A_170], %broadcast_in_dim3A_3 : memref<16x8xf32, #tpu.memory_space<vmem>>[vector<16xi32>, vector<16xi32>], vector<16xf32>,
    %iota3A_171 = tpu.iota {dimensions = array<i32: 0>} : vector<16xi32>
    %broadcast_in_dim3A_172 = arith.constant 3 : i32
    %broadcast_in_dim3A_173 = vector.broadcast %broadcast_in_dim3A_172 : i32 to vector<16xi32>
    tpu.vector_store_idx %arg18[%iota3A_171, %broadcast_in_dim3A_173], %broadcast_in_dim3A_3 : memref<16x8xf32, #tpu.memory_space<vmem>>[vector<16xi32>, vector<16xi32>], vector<16xf32>,
    %iota3A_174 = tpu.iota {dimensions = array<i32: 0>} : vector<16xi32>
    %broadcast_in_dim3A_175 = arith.constant 4 : i32
    %broadcast_in_dim3A_176 = vector.broadcast %broadcast_in_dim3A_175 : i32 to vector<16xi32>
    tpu.vector_store_idx %arg18[%iota3A_174, %broadcast_in_dim3A_176], %broadcast_in_dim3A_3 : memref<16x8xf32, #tpu.memory_space<vmem>>[vector<16xi32>, vector<16xi32>], vector<16xf32>,
    %iota3A_177 = tpu.iota {dimensions = array<i32: 0>} : vector<16xi32>
    %broadcast_in_dim3A_178 = arith.constant 5 : i32
    %broadcast_in_dim3A_179 = vector.broadcast %broadcast_in_dim3A_178 : i32 to vector<16xi32>
    tpu.vector_store_idx %arg18[%iota3A_177, %broadcast_in_dim3A_179], %broadcast_in_dim3A_3 : memref<16x8xf32, #tpu.memory_space<vmem>>[vector<16xi32>, vector<16xi32>], vector<16xf32>,
    %iota3A_180 = tpu.iota {dimensions = array<i32: 0>} : vector<16xi32>
    %broadcast_in_dim3A_181 = arith.constant 6 : i32
    %broadcast_in_dim3A_182 = vector.broadcast %broadcast_in_dim3A_181 : i32 to vector<16xi32>
    tpu.vector_store_idx %arg18[%iota3A_180, %broadcast_in_dim3A_182], %broadcast_in_dim3A_3 : memref<16x8xf32, #tpu.memory_space<vmem>>[vector<16xi32>, vector<16xi32>], vector<16xf32>,
    %iota3A_183 = tpu.iota {dimensions = array<i32: 0>} : vector<16xi32>
    %broadcast_in_dim3A_184 = arith.constant 7 : i32
    %broadcast_in_dim3A_185 = vector.broadcast %broadcast_in_dim3A_184 : i32 to vector<16xi32>
    tpu.vector_store_idx %arg18[%iota3A_183, %broadcast_in_dim3A_185], %broadcast_in_dim3A_3 : memref<16x8xf32, #tpu.memory_space<vmem>>[vector<16xi32>, vector<16xi32>], vector<16xf32>,
    %iota3A_186 = tpu.iota {dimensions = array<i32: 0>} : vector<16xi32>
    %add3A_187 = arith.constant 0 : i32
    %add3A_188 = vector.broadcast %add3A_187 : i32 to vector<16xi32>
    %add3A_189 = arith.addi %iota3A_186, %add3A_188 : vector<16xi32>
    %broadcast_in_dim3A_190 = arith.constant 4 : i32
    %broadcast_in_dim3A_191 = vector.broadcast %broadcast_in_dim3A_190 : i32 to vector<16xi32>
    %scatter3A = arith.constant 0 : i32
    %scatter3A_192 = arith.constant 0 : i32
    %scatter3A_193 = arith.constant 0 : i32
    %scatter3A_194 = tpu.memref_slice %arg16[%scatter3A, %scatter3A_192, %scatter3A_193] : memref<2x80x8xf32, #tpu.memory_space<vmem>> -> memref<1x80x8xf32, #tpu.memory_space<vmem>>
    %scatter3A_195 = tpu.memref_squeeze %scatter3A_194 : memref<1x80x8xf32, #tpu.memory_space<vmem>> -> memref<80x8xf32, #tpu.memory_space<vmem>>
    tpu.vector_store_idx %scatter3A_195[%add3A_189, %broadcast_in_dim3A_191], %broadcast_in_dim3A_3 : memref<80x8xf32, #tpu.memory_space<vmem>>[vector<16xi32>, vector<16xi32>], vector<16xf32>,
    %broadcast_in_dim3A_196 = arith.constant 5 : i32
    %broadcast_in_dim3A_197 = vector.broadcast %broadcast_in_dim3A_196 : i32 to vector<16xi32>
    %scatter3A_198 = arith.constant 0 : i32
    %scatter3A_199 = arith.constant 0 : i32
    %scatter3A_200 = arith.constant 0 : i32
    %scatter3A_201 = tpu.memref_slice %arg16[%scatter3A_198, %scatter3A_199, %scatter3A_200] : memref<2x80x8xf32, #tpu.memory_space<vmem>> -> memref<1x80x8xf32, #tpu.memory_space<vmem>>
    %scatter3A_202 = tpu.memref_squeeze %scatter3A_201 : memref<1x80x8xf32, #tpu.memory_space<vmem>> -> memref<80x8xf32, #tpu.memory_space<vmem>>
    tpu.vector_store_idx %scatter3A_202[%add3A_189, %broadcast_in_dim3A_197], %broadcast_in_dim3A_3 : memref<80x8xf32, #tpu.memory_space<vmem>>[vector<16xi32>, vector<16xi32>], vector<16xf32>,
    %broadcast_in_dim3A_203 = arith.constant 6 : i32
    %broadcast_in_dim3A_204 = vector.broadcast %broadcast_in_dim3A_203 : i32 to vector<16xi32>
    %scatter3A_205 = arith.constant 0 : i32
    %scatter3A_206 = arith.constant 0 : i32
    %scatter3A_207 = arith.constant 0 : i32
    %scatter3A_208 = tpu.memref_slice %arg16[%scatter3A_205, %scatter3A_206, %scatter3A_207] : memref<2x80x8xf32, #tpu.memory_space<vmem>> -> memref<1x80x8xf32, #tpu.memory_space<vmem>>
    %scatter3A_209 = tpu.memref_squeeze %scatter3A_208 : memref<1x80x8xf32, #tpu.memory_space<vmem>> -> memref<80x8xf32, #tpu.memory_space<vmem>>
    tpu.vector_store_idx %scatter3A_209[%add3A_189, %broadcast_in_dim3A_204], %broadcast_in_dim3A_3 : memref<80x8xf32, #tpu.memory_space<vmem>>[vector<16xi32>, vector<16xi32>], vector<16xf32>,
    %broadcast_in_dim3A_210 = arith.constant 7 : i32
    %broadcast_in_dim3A_211 = vector.broadcast %broadcast_in_dim3A_210 : i32 to vector<16xi32>
    %scatter3A_212 = arith.constant 0 : i32
    %scatter3A_213 = arith.constant 0 : i32
    %scatter3A_214 = arith.constant 0 : i32
    %scatter3A_215 = tpu.memref_slice %arg16[%scatter3A_212, %scatter3A_213, %scatter3A_214] : memref<2x80x8xf32, #tpu.memory_space<vmem>> -> memref<1x80x8xf32, #tpu.memory_space<vmem>>
    %scatter3A_216 = tpu.memref_squeeze %scatter3A_215 : memref<1x80x8xf32, #tpu.memory_space<vmem>> -> memref<80x8xf32, #tpu.memory_space<vmem>>
    tpu.vector_store_idx %scatter3A_216[%add3A_189, %broadcast_in_dim3A_211], %broadcast_in_dim3A_3 : memref<80x8xf32, #tpu.memory_space<vmem>>[vector<16xi32>, vector<16xi32>], vector<16xf32>,
    %iota3A_217 = tpu.iota {dimensions = array<i32: 0>} : vector<16xi32>
    %add3A_218 = arith.constant 16 : i32
    %add3A_219 = vector.broadcast %add3A_218 : i32 to vector<16xi32>
    %add3A_220 = arith.addi %iota3A_217, %add3A_219 : vector<16xi32>
    %broadcast_in_dim3A_221 = arith.constant 4 : i32
    %broadcast_in_dim3A_222 = vector.broadcast %broadcast_in_dim3A_221 : i32 to vector<16xi32>
    %scatter3A_223 = arith.constant 0 : i32
    %scatter3A_224 = arith.constant 0 : i32
    %scatter3A_225 = arith.constant 0 : i32
    %scatter3A_226 = tpu.memref_slice %arg16[%scatter3A_223, %scatter3A_224, %scatter3A_225] : memref<2x80x8xf32, #tpu.memory_space<vmem>> -> memref<1x80x8xf32, #tpu.memory_space<vmem>>
    %scatter3A_227 = tpu.memref_squeeze %scatter3A_226 : memref<1x80x8xf32, #tpu.memory_space<vmem>> -> memref<80x8xf32, #tpu.memory_space<vmem>>
    tpu.vector_store_idx %scatter3A_227[%add3A_220, %broadcast_in_dim3A_222], %broadcast_in_dim3A_3 : memref<80x8xf32, #tpu.memory_space<vmem>>[vector<16xi32>, vector<16xi32>], vector<16xf32>,
    %broadcast_in_dim3A_228 = arith.constant 5 : i32
    %broadcast_in_dim3A_229 = vector.broadcast %broadcast_in_dim3A_228 : i32 to vector<16xi32>
    %scatter3A_230 = arith.constant 0 : i32
    %scatter3A_231 = arith.constant 0 : i32
    %scatter3A_232 = arith.constant 0 : i32
    %scatter3A_233 = tpu.memref_slice %arg16[%scatter3A_230, %scatter3A_231, %scatter3A_232] : memref<2x80x8xf32, #tpu.memory_space<vmem>> -> memref<1x80x8xf32, #tpu.memory_space<vmem>>
    %scatter3A_234 = tpu.memref_squeeze %scatter3A_233 : memref<1x80x8xf32, #tpu.memory_space<vmem>> -> memref<80x8xf32, #tpu.memory_space<vmem>>
    tpu.vector_store_idx %scatter3A_234[%add3A_220, %broadcast_in_dim3A_229], %broadcast_in_dim3A_3 : memref<80x8xf32, #tpu.memory_space<vmem>>[vector<16xi32>, vector<16xi32>], vector<16xf32>,
    %broadcast_in_dim3A_235 = arith.constant 6 : i32
    %broadcast_in_dim3A_236 = vector.broadcast %broadcast_in_dim3A_235 : i32 to vector<16xi32>
    %scatter3A_237 = arith.constant 0 : i32
    %scatter3A_238 = arith.constant 0 : i32
    %scatter3A_239 = arith.constant 0 : i32
    %scatter3A_240 = tpu.memref_slice %arg16[%scatter3A_237, %scatter3A_238, %scatter3A_239] : memref<2x80x8xf32, #tpu.memory_space<vmem>> -> memref<1x80x8xf32, #tpu.memory_space<vmem>>
    %scatter3A_241 = tpu.memref_squeeze %scatter3A_240 : memref<1x80x8xf32, #tpu.memory_space<vmem>> -> memref<80x8xf32, #tpu.memory_space<vmem>>
    tpu.vector_store_idx %scatter3A_241[%add3A_220, %broadcast_in_dim3A_236], %broadcast_in_dim3A_3 : memref<80x8xf32, #tpu.memory_space<vmem>>[vector<16xi32>, vector<16xi32>], vector<16xf32>,
    %broadcast_in_dim3A_242 = arith.constant 7 : i32
    %broadcast_in_dim3A_243 = vector.broadcast %broadcast_in_dim3A_242 : i32 to vector<16xi32>
    %scatter3A_244 = arith.constant 0 : i32
    %scatter3A_245 = arith.constant 0 : i32
    %scatter3A_246 = arith.constant 0 : i32
    %scatter3A_247 = tpu.memref_slice %arg16[%scatter3A_244, %scatter3A_245, %scatter3A_246] : memref<2x80x8xf32, #tpu.memory_space<vmem>> -> memref<1x80x8xf32, #tpu.memory_space<vmem>>
    %scatter3A_248 = tpu.memref_squeeze %scatter3A_247 : memref<1x80x8xf32, #tpu.memory_space<vmem>> -> memref<80x8xf32, #tpu.memory_space<vmem>>
    tpu.vector_store_idx %scatter3A_248[%add3A_220, %broadcast_in_dim3A_243], %broadcast_in_dim3A_3 : memref<80x8xf32, #tpu.memory_space<vmem>>[vector<16xi32>, vector<16xi32>], vector<16xf32>,
    %iota3A_249 = tpu.iota {dimensions = array<i32: 0>} : vector<16xi32>
    %add3A_250 = arith.constant 32 : i32
    %add3A_251 = vector.broadcast %add3A_250 : i32 to vector<16xi32>
    %add3A_252 = arith.addi %iota3A_249, %add3A_251 : vector<16xi32>
    %broadcast_in_dim3A_253 = arith.constant 4 : i32
    %broadcast_in_dim3A_254 = vector.broadcast %broadcast_in_dim3A_253 : i32 to vector<16xi32>
    %scatter3A_255 = arith.constant 0 : i32
    %scatter3A_256 = arith.constant 0 : i32
    %scatter3A_257 = arith.constant 0 : i32
    %scatter3A_258 = tpu.memref_slice %arg16[%scatter3A_255, %scatter3A_256, %scatter3A_257] : memref<2x80x8xf32, #tpu.memory_space<vmem>> -> memref<1x80x8xf32, #tpu.memory_space<vmem>>
    %scatter3A_259 = tpu.memref_squeeze %scatter3A_258 : memref<1x80x8xf32, #tpu.memory_space<vmem>> -> memref<80x8xf32, #tpu.memory_space<vmem>>
    tpu.vector_store_idx %scatter3A_259[%add3A_252, %broadcast_in_dim3A_254], %broadcast_in_dim3A_3 : memref<80x8xf32, #tpu.memory_space<vmem>>[vector<16xi32>, vector<16xi32>], vector<16xf32>,
    %broadcast_in_dim3A_260 = arith.constant 5 : i32
    %broadcast_in_dim3A_261 = vector.broadcast %broadcast_in_dim3A_260 : i32 to vector<16xi32>
    %scatter3A_262 = arith.constant 0 : i32
    %scatter3A_263 = arith.constant 0 : i32
    %scatter3A_264 = arith.constant 0 : i32
    %scatter3A_265 = tpu.memref_slice %arg16[%scatter3A_262, %scatter3A_263, %scatter3A_264] : memref<2x80x8xf32, #tpu.memory_space<vmem>> -> memref<1x80x8xf32, #tpu.memory_space<vmem>>
    %scatter3A_266 = tpu.memref_squeeze %scatter3A_265 : memref<1x80x8xf32, #tpu.memory_space<vmem>> -> memref<80x8xf32, #tpu.memory_space<vmem>>
    tpu.vector_store_idx %scatter3A_266[%add3A_252, %broadcast_in_dim3A_261], %broadcast_in_dim3A_3 : memref<80x8xf32, #tpu.memory_space<vmem>>[vector<16xi32>, vector<16xi32>], vector<16xf32>,
    %broadcast_in_dim3A_267 = arith.constant 6 : i32
    %broadcast_in_dim3A_268 = vector.broadcast %broadcast_in_dim3A_267 : i32 to vector<16xi32>
    %scatter3A_269 = arith.constant 0 : i32
    %scatter3A_270 = arith.constant 0 : i32
    %scatter3A_271 = arith.constant 0 : i32
    %scatter3A_272 = tpu.memref_slice %arg16[%scatter3A_269, %scatter3A_270, %scatter3A_271] : memref<2x80x8xf32, #tpu.memory_space<vmem>> -> memref<1x80x8xf32, #tpu.memory_space<vmem>>
    %scatter3A_273 = tpu.memref_squeeze %scatter3A_272 : memref<1x80x8xf32, #tpu.memory_space<vmem>> -> memref<80x8xf32, #tpu.memory_space<vmem>>
    tpu.vector_store_idx %scatter3A_273[%add3A_252, %broadcast_in_dim3A_268], %broadcast_in_dim3A_3 : memref<80x8xf32, #tpu.memory_space<vmem>>[vector<16xi32>, vector<16xi32>], vector<16xf32>,
    %broadcast_in_dim3A_274 = arith.constant 7 : i32
    %broadcast_in_dim3A_275 = vector.broadcast %broadcast_in_dim3A_274 : i32 to vector<16xi32>
    %scatter3A_276 = arith.constant 0 : i32
    %scatter3A_277 = arith.constant 0 : i32
    %scatter3A_278 = arith.constant 0 : i32
    %scatter3A_279 = tpu.memref_slice %arg16[%scatter3A_276, %scatter3A_277, %scatter3A_278] : memref<2x80x8xf32, #tpu.memory_space<vmem>> -> memref<1x80x8xf32, #tpu.memory_space<vmem>>
    %scatter3A_280 = tpu.memref_squeeze %scatter3A_279 : memref<1x80x8xf32, #tpu.memory_space<vmem>> -> memref<80x8xf32, #tpu.memory_space<vmem>>
    tpu.vector_store_idx %scatter3A_280[%add3A_252, %broadcast_in_dim3A_275], %broadcast_in_dim3A_3 : memref<80x8xf32, #tpu.memory_space<vmem>>[vector<16xi32>, vector<16xi32>], vector<16xf32>,
    %iota3A_281 = tpu.iota {dimensions = array<i32: 0>} : vector<16xi32>
    %add3A_282 = arith.constant 48 : i32
    %add3A_283 = vector.broadcast %add3A_282 : i32 to vector<16xi32>
    %add3A_284 = arith.addi %iota3A_281, %add3A_283 : vector<16xi32>
    %broadcast_in_dim3A_285 = arith.constant 4 : i32
    %broadcast_in_dim3A_286 = vector.broadcast %broadcast_in_dim3A_285 : i32 to vector<16xi32>
    %scatter3A_287 = arith.constant 0 : i32
    %scatter3A_288 = arith.constant 0 : i32
    %scatter3A_289 = arith.constant 0 : i32
    %scatter3A_290 = tpu.memref_slice %arg16[%scatter3A_287, %scatter3A_288, %scatter3A_289] : memref<2x80x8xf32, #tpu.memory_space<vmem>> -> memref<1x80x8xf32, #tpu.memory_space<vmem>>
    %scatter3A_291 = tpu.memref_squeeze %scatter3A_290 : memref<1x80x8xf32, #tpu.memory_space<vmem>> -> memref<80x8xf32, #tpu.memory_space<vmem>>
    tpu.vector_store_idx %scatter3A_291[%add3A_284, %broadcast_in_dim3A_286], %broadcast_in_dim3A_3 : memref<80x8xf32, #tpu.memory_space<vmem>>[vector<16xi32>, vector<16xi32>], vector<16xf32>,
    %broadcast_in_dim3A_292 = arith.constant 5 : i32
    %broadcast_in_dim3A_293 = vector.broadcast %broadcast_in_dim3A_292 : i32 to vector<16xi32>
    %scatter3A_294 = arith.constant 0 : i32
    %scatter3A_295 = arith.constant 0 : i32
    %scatter3A_296 = arith.constant 0 : i32
    %scatter3A_297 = tpu.memref_slice %arg16[%scatter3A_294, %scatter3A_295, %scatter3A_296] : memref<2x80x8xf32, #tpu.memory_space<vmem>> -> memref<1x80x8xf32, #tpu.memory_space<vmem>>
    %scatter3A_298 = tpu.memref_squeeze %scatter3A_297 : memref<1x80x8xf32, #tpu.memory_space<vmem>> -> memref<80x8xf32, #tpu.memory_space<vmem>>
    tpu.vector_store_idx %scatter3A_298[%add3A_284, %broadcast_in_dim3A_293], %broadcast_in_dim3A_3 : memref<80x8xf32, #tpu.memory_space<vmem>>[vector<16xi32>, vector<16xi32>], vector<16xf32>,
    %broadcast_in_dim3A_299 = arith.constant 6 : i32
    %broadcast_in_dim3A_300 = vector.broadcast %broadcast_in_dim3A_299 : i32 to vector<16xi32>
    %scatter3A_301 = arith.constant 0 : i32
    %scatter3A_302 = arith.constant 0 : i32
    %scatter3A_303 = arith.constant 0 : i32
    %scatter3A_304 = tpu.memref_slice %arg16[%scatter3A_301, %scatter3A_302, %scatter3A_303] : memref<2x80x8xf32, #tpu.memory_space<vmem>> -> memref<1x80x8xf32, #tpu.memory_space<vmem>>
    %scatter3A_305 = tpu.memref_squeeze %scatter3A_304 : memref<1x80x8xf32, #tpu.memory_space<vmem>> -> memref<80x8xf32, #tpu.memory_space<vmem>>
    tpu.vector_store_idx %scatter3A_305[%add3A_284, %broadcast_in_dim3A_300], %broadcast_in_dim3A_3 : memref<80x8xf32, #tpu.memory_space<vmem>>[vector<16xi32>, vector<16xi32>], vector<16xf32>,
    %broadcast_in_dim3A_306 = arith.constant 7 : i32
    %broadcast_in_dim3A_307 = vector.broadcast %broadcast_in_dim3A_306 : i32 to vector<16xi32>
    %scatter3A_308 = arith.constant 0 : i32
    %scatter3A_309 = arith.constant 0 : i32
    %scatter3A_310 = arith.constant 0 : i32
    %scatter3A_311 = tpu.memref_slice %arg16[%scatter3A_308, %scatter3A_309, %scatter3A_310] : memref<2x80x8xf32, #tpu.memory_space<vmem>> -> memref<1x80x8xf32, #tpu.memory_space<vmem>>
    %scatter3A_312 = tpu.memref_squeeze %scatter3A_311 : memref<1x80x8xf32, #tpu.memory_space<vmem>> -> memref<80x8xf32, #tpu.memory_space<vmem>>
    tpu.vector_store_idx %scatter3A_312[%add3A_284, %broadcast_in_dim3A_307], %broadcast_in_dim3A_3 : memref<80x8xf32, #tpu.memory_space<vmem>>[vector<16xi32>, vector<16xi32>], vector<16xf32>,
    %iota3A_313 = tpu.iota {dimensions = array<i32: 0>} : vector<16xi32>
    %add3A_314 = arith.constant 64 : i32
    %add3A_315 = vector.broadcast %add3A_314 : i32 to vector<16xi32>
    %add3A_316 = arith.addi %iota3A_313, %add3A_315 : vector<16xi32>
    %broadcast_in_dim3A_317 = arith.constant 4 : i32
    %broadcast_in_dim3A_318 = vector.broadcast %broadcast_in_dim3A_317 : i32 to vector<16xi32>
    %scatter3A_319 = arith.constant 0 : i32
    %scatter3A_320 = arith.constant 0 : i32
    %scatter3A_321 = arith.constant 0 : i32
    %scatter3A_322 = tpu.memref_slice %arg16[%scatter3A_319, %scatter3A_320, %scatter3A_321] : memref<2x80x8xf32, #tpu.memory_space<vmem>> -> memref<1x80x8xf32, #tpu.memory_space<vmem>>
    %scatter3A_323 = tpu.memref_squeeze %scatter3A_322 : memref<1x80x8xf32, #tpu.memory_space<vmem>> -> memref<80x8xf32, #tpu.memory_space<vmem>>
    tpu.vector_store_idx %scatter3A_323[%add3A_316, %broadcast_in_dim3A_318], %broadcast_in_dim3A_3 : memref<80x8xf32, #tpu.memory_space<vmem>>[vector<16xi32>, vector<16xi32>], vector<16xf32>,
    %broadcast_in_dim3A_324 = arith.constant 5 : i32
    %broadcast_in_dim3A_325 = vector.broadcast %broadcast_in_dim3A_324 : i32 to vector<16xi32>
    %scatter3A_326 = arith.constant 0 : i32
    %scatter3A_327 = arith.constant 0 : i32
    %scatter3A_328 = arith.constant 0 : i32
    %scatter3A_329 = tpu.memref_slice %arg16[%scatter3A_326, %scatter3A_327, %scatter3A_328] : memref<2x80x8xf32, #tpu.memory_space<vmem>> -> memref<1x80x8xf32, #tpu.memory_space<vmem>>
    %scatter3A_330 = tpu.memref_squeeze %scatter3A_329 : memref<1x80x8xf32, #tpu.memory_space<vmem>> -> memref<80x8xf32, #tpu.memory_space<vmem>>
    tpu.vector_store_idx %scatter3A_330[%add3A_316, %broadcast_in_dim3A_325], %broadcast_in_dim3A_3 : memref<80x8xf32, #tpu.memory_space<vmem>>[vector<16xi32>, vector<16xi32>], vector<16xf32>,
    %broadcast_in_dim3A_331 = arith.constant 6 : i32
    %broadcast_in_dim3A_332 = vector.broadcast %broadcast_in_dim3A_331 : i32 to vector<16xi32>
    %scatter3A_333 = arith.constant 0 : i32
    %scatter3A_334 = arith.constant 0 : i32
    %scatter3A_335 = arith.constant 0 : i32
    %scatter3A_336 = tpu.memref_slice %arg16[%scatter3A_333, %scatter3A_334, %scatter3A_335] : memref<2x80x8xf32, #tpu.memory_space<vmem>> -> memref<1x80x8xf32, #tpu.memory_space<vmem>>
    %scatter3A_337 = tpu.memref_squeeze %scatter3A_336 : memref<1x80x8xf32, #tpu.memory_space<vmem>> -> memref<80x8xf32, #tpu.memory_space<vmem>>
    tpu.vector_store_idx %scatter3A_337[%add3A_316, %broadcast_in_dim3A_332], %broadcast_in_dim3A_3 : memref<80x8xf32, #tpu.memory_space<vmem>>[vector<16xi32>, vector<16xi32>], vector<16xf32>,
    %broadcast_in_dim3A_338 = arith.constant 7 : i32
    %broadcast_in_dim3A_339 = vector.broadcast %broadcast_in_dim3A_338 : i32 to vector<16xi32>
    %scatter3A_340 = arith.constant 0 : i32
    %scatter3A_341 = arith.constant 0 : i32
    %scatter3A_342 = arith.constant 0 : i32
    %scatter3A_343 = tpu.memref_slice %arg16[%scatter3A_340, %scatter3A_341, %scatter3A_342] : memref<2x80x8xf32, #tpu.memory_space<vmem>> -> memref<1x80x8xf32, #tpu.memory_space<vmem>>
    %scatter3A_344 = tpu.memref_squeeze %scatter3A_343 : memref<1x80x8xf32, #tpu.memory_space<vmem>> -> memref<80x8xf32, #tpu.memory_space<vmem>>
    tpu.vector_store_idx %scatter3A_344[%add3A_316, %broadcast_in_dim3A_339], %broadcast_in_dim3A_3 : memref<80x8xf32, #tpu.memory_space<vmem>>[vector<16xi32>, vector<16xi32>], vector<16xf32>,
    %iota3A_345 = tpu.iota {dimensions = array<i32: 0>} : vector<16xi32>
    %add3A_346 = arith.constant 0 : i32
    %add3A_347 = vector.broadcast %add3A_346 : i32 to vector<16xi32>
    %add3A_348 = arith.addi %iota3A_345, %add3A_347 : vector<16xi32>
    %broadcast_in_dim3A_349 = arith.constant 4 : i32
    %broadcast_in_dim3A_350 = vector.broadcast %broadcast_in_dim3A_349 : i32 to vector<16xi32>
    %scatter3A_351 = arith.constant 1 : i32
    %scatter3A_352 = arith.constant 0 : i32
    %scatter3A_353 = arith.constant 0 : i32
    %scatter3A_354 = tpu.memref_slice %arg16[%scatter3A_351, %scatter3A_352, %scatter3A_353] : memref<2x80x8xf32, #tpu.memory_space<vmem>> -> memref<1x80x8xf32, #tpu.memory_space<vmem>>
    %scatter3A_355 = tpu.memref_squeeze %scatter3A_354 : memref<1x80x8xf32, #tpu.memory_space<vmem>> -> memref<80x8xf32, #tpu.memory_space<vmem>>
    tpu.vector_store_idx %scatter3A_355[%add3A_348, %broadcast_in_dim3A_350], %broadcast_in_dim3A_3 : memref<80x8xf32, #tpu.memory_space<vmem>>[vector<16xi32>, vector<16xi32>], vector<16xf32>,
    %broadcast_in_dim3A_356 = arith.constant 5 : i32
    %broadcast_in_dim3A_357 = vector.broadcast %broadcast_in_dim3A_356 : i32 to vector<16xi32>
    %scatter3A_358 = arith.constant 1 : i32
    %scatter3A_359 = arith.constant 0 : i32
    %scatter3A_360 = arith.constant 0 : i32
    %scatter3A_361 = tpu.memref_slice %arg16[%scatter3A_358, %scatter3A_359, %scatter3A_360] : memref<2x80x8xf32, #tpu.memory_space<vmem>> -> memref<1x80x8xf32, #tpu.memory_space<vmem>>
    %scatter3A_362 = tpu.memref_squeeze %scatter3A_361 : memref<1x80x8xf32, #tpu.memory_space<vmem>> -> memref<80x8xf32, #tpu.memory_space<vmem>>
    tpu.vector_store_idx %scatter3A_362[%add3A_348, %broadcast_in_dim3A_357], %broadcast_in_dim3A_3 : memref<80x8xf32, #tpu.memory_space<vmem>>[vector<16xi32>, vector<16xi32>], vector<16xf32>,
    %broadcast_in_dim3A_363 = arith.constant 6 : i32
    %broadcast_in_dim3A_364 = vector.broadcast %broadcast_in_dim3A_363 : i32 to vector<16xi32>
    %scatter3A_365 = arith.constant 1 : i32
    %scatter3A_366 = arith.constant 0 : i32
    %scatter3A_367 = arith.constant 0 : i32
    %scatter3A_368 = tpu.memref_slice %arg16[%scatter3A_365, %scatter3A_366, %scatter3A_367] : memref<2x80x8xf32, #tpu.memory_space<vmem>> -> memref<1x80x8xf32, #tpu.memory_space<vmem>>
    %scatter3A_369 = tpu.memref_squeeze %scatter3A_368 : memref<1x80x8xf32, #tpu.memory_space<vmem>> -> memref<80x8xf32, #tpu.memory_space<vmem>>
    tpu.vector_store_idx %scatter3A_369[%add3A_348, %broadcast_in_dim3A_364], %broadcast_in_dim3A_3 : memref<80x8xf32, #tpu.memory_space<vmem>>[vector<16xi32>, vector<16xi32>], vector<16xf32>,
    %broadcast_in_dim3A_370 = arith.constant 7 : i32
    %broadcast_in_dim3A_371 = vector.broadcast %broadcast_in_dim3A_370 : i32 to vector<16xi32>
    %scatter3A_372 = arith.constant 1 : i32
    %scatter3A_373 = arith.constant 0 : i32
    %scatter3A_374 = arith.constant 0 : i32
    %scatter3A_375 = tpu.memref_slice %arg16[%scatter3A_372, %scatter3A_373, %scatter3A_374] : memref<2x80x8xf32, #tpu.memory_space<vmem>> -> memref<1x80x8xf32, #tpu.memory_space<vmem>>
    %scatter3A_376 = tpu.memref_squeeze %scatter3A_375 : memref<1x80x8xf32, #tpu.memory_space<vmem>> -> memref<80x8xf32, #tpu.memory_space<vmem>>
    tpu.vector_store_idx %scatter3A_376[%add3A_348, %broadcast_in_dim3A_371], %broadcast_in_dim3A_3 : memref<80x8xf32, #tpu.memory_space<vmem>>[vector<16xi32>, vector<16xi32>], vector<16xf32>,
    %iota3A_377 = tpu.iota {dimensions = array<i32: 0>} : vector<16xi32>
    %add3A_378 = arith.constant 16 : i32
    %add3A_379 = vector.broadcast %add3A_378 : i32 to vector<16xi32>
    %add3A_380 = arith.addi %iota3A_377, %add3A_379 : vector<16xi32>
    %broadcast_in_dim3A_381 = arith.constant 4 : i32
    %broadcast_in_dim3A_382 = vector.broadcast %broadcast_in_dim3A_381 : i32 to vector<16xi32>
    %scatter3A_383 = arith.constant 1 : i32
    %scatter3A_384 = arith.constant 0 : i32
    %scatter3A_385 = arith.constant 0 : i32
    %scatter3A_386 = tpu.memref_slice %arg16[%scatter3A_383, %scatter3A_384, %scatter3A_385] : memref<2x80x8xf32, #tpu.memory_space<vmem>> -> memref<1x80x8xf32, #tpu.memory_space<vmem>>
    %scatter3A_387 = tpu.memref_squeeze %scatter3A_386 : memref<1x80x8xf32, #tpu.memory_space<vmem>> -> memref<80x8xf32, #tpu.memory_space<vmem>>
    tpu.vector_store_idx %scatter3A_387[%add3A_380, %broadcast_in_dim3A_382], %broadcast_in_dim3A_3 : memref<80x8xf32, #tpu.memory_space<vmem>>[vector<16xi32>, vector<16xi32>], vector<16xf32>,
    %broadcast_in_dim3A_388 = arith.constant 5 : i32
    %broadcast_in_dim3A_389 = vector.broadcast %broadcast_in_dim3A_388 : i32 to vector<16xi32>
    %scatter3A_390 = arith.constant 1 : i32
    %scatter3A_391 = arith.constant 0 : i32
    %scatter3A_392 = arith.constant 0 : i32
    %scatter3A_393 = tpu.memref_slice %arg16[%scatter3A_390, %scatter3A_391, %scatter3A_392] : memref<2x80x8xf32, #tpu.memory_space<vmem>> -> memref<1x80x8xf32, #tpu.memory_space<vmem>>
    %scatter3A_394 = tpu.memref_squeeze %scatter3A_393 : memref<1x80x8xf32, #tpu.memory_space<vmem>> -> memref<80x8xf32, #tpu.memory_space<vmem>>
    tpu.vector_store_idx %scatter3A_394[%add3A_380, %broadcast_in_dim3A_389], %broadcast_in_dim3A_3 : memref<80x8xf32, #tpu.memory_space<vmem>>[vector<16xi32>, vector<16xi32>], vector<16xf32>,
    %broadcast_in_dim3A_395 = arith.constant 6 : i32
    %broadcast_in_dim3A_396 = vector.broadcast %broadcast_in_dim3A_395 : i32 to vector<16xi32>
    %scatter3A_397 = arith.constant 1 : i32
    %scatter3A_398 = arith.constant 0 : i32
    %scatter3A_399 = arith.constant 0 : i32
    %scatter3A_400 = tpu.memref_slice %arg16[%scatter3A_397, %scatter3A_398, %scatter3A_399] : memref<2x80x8xf32, #tpu.memory_space<vmem>> -> memref<1x80x8xf32, #tpu.memory_space<vmem>>
    %scatter3A_401 = tpu.memref_squeeze %scatter3A_400 : memref<1x80x8xf32, #tpu.memory_space<vmem>> -> memref<80x8xf32, #tpu.memory_space<vmem>>
    tpu.vector_store_idx %scatter3A_401[%add3A_380, %broadcast_in_dim3A_396], %broadcast_in_dim3A_3 : memref<80x8xf32, #tpu.memory_space<vmem>>[vector<16xi32>, vector<16xi32>], vector<16xf32>,
    %broadcast_in_dim3A_402 = arith.constant 7 : i32
    %broadcast_in_dim3A_403 = vector.broadcast %broadcast_in_dim3A_402 : i32 to vector<16xi32>
    %scatter3A_404 = arith.constant 1 : i32
    %scatter3A_405 = arith.constant 0 : i32
    %scatter3A_406 = arith.constant 0 : i32
    %scatter3A_407 = tpu.memref_slice %arg16[%scatter3A_404, %scatter3A_405, %scatter3A_406] : memref<2x80x8xf32, #tpu.memory_space<vmem>> -> memref<1x80x8xf32, #tpu.memory_space<vmem>>
    %scatter3A_408 = tpu.memref_squeeze %scatter3A_407 : memref<1x80x8xf32, #tpu.memory_space<vmem>> -> memref<80x8xf32, #tpu.memory_space<vmem>>
    tpu.vector_store_idx %scatter3A_408[%add3A_380, %broadcast_in_dim3A_403], %broadcast_in_dim3A_3 : memref<80x8xf32, #tpu.memory_space<vmem>>[vector<16xi32>, vector<16xi32>], vector<16xf32>,
    %iota3A_409 = tpu.iota {dimensions = array<i32: 0>} : vector<16xi32>
    %add3A_410 = arith.constant 32 : i32
    %add3A_411 = vector.broadcast %add3A_410 : i32 to vector<16xi32>
    %add3A_412 = arith.addi %iota3A_409, %add3A_411 : vector<16xi32>
    %broadcast_in_dim3A_413 = arith.constant 4 : i32
    %broadcast_in_dim3A_414 = vector.broadcast %broadcast_in_dim3A_413 : i32 to vector<16xi32>
    %scatter3A_415 = arith.constant 1 : i32
    %scatter3A_416 = arith.constant 0 : i32
    %scatter3A_417 = arith.constant 0 : i32
    %scatter3A_418 = tpu.memref_slice %arg16[%scatter3A_415, %scatter3A_416, %scatter3A_417] : memref<2x80x8xf32, #tpu.memory_space<vmem>> -> memref<1x80x8xf32, #tpu.memory_space<vmem>>
    %scatter3A_419 = tpu.memref_squeeze %scatter3A_418 : memref<1x80x8xf32, #tpu.memory_space<vmem>> -> memref<80x8xf32, #tpu.memory_space<vmem>>
    tpu.vector_store_idx %scatter3A_419[%add3A_412, %broadcast_in_dim3A_414], %broadcast_in_dim3A_3 : memref<80x8xf32, #tpu.memory_space<vmem>>[vector<16xi32>, vector<16xi32>], vector<16xf32>,
    %broadcast_in_dim3A_420 = arith.constant 5 : i32
    %broadcast_in_dim3A_421 = vector.broadcast %broadcast_in_dim3A_420 : i32 to vector<16xi32>
    %scatter3A_422 = arith.constant 1 : i32
    %scatter3A_423 = arith.constant 0 : i32
    %scatter3A_424 = arith.constant 0 : i32
    %scatter3A_425 = tpu.memref_slice %arg16[%scatter3A_422, %scatter3A_423, %scatter3A_424] : memref<2x80x8xf32, #tpu.memory_space<vmem>> -> memref<1x80x8xf32, #tpu.memory_space<vmem>>
    %scatter3A_426 = tpu.memref_squeeze %scatter3A_425 : memref<1x80x8xf32, #tpu.memory_space<vmem>> -> memref<80x8xf32, #tpu.memory_space<vmem>>
    tpu.vector_store_idx %scatter3A_426[%add3A_412, %broadcast_in_dim3A_421], %broadcast_in_dim3A_3 : memref<80x8xf32, #tpu.memory_space<vmem>>[vector<16xi32>, vector<16xi32>], vector<16xf32>,
    %broadcast_in_dim3A_427 = arith.constant 6 : i32
    %broadcast_in_dim3A_428 = vector.broadcast %broadcast_in_dim3A_427 : i32 to vector<16xi32>
    %scatter3A_429 = arith.constant 1 : i32
    %scatter3A_430 = arith.constant 0 : i32
    %scatter3A_431 = arith.constant 0 : i32
    %scatter3A_432 = tpu.memref_slice %arg16[%scatter3A_429, %scatter3A_430, %scatter3A_431] : memref<2x80x8xf32, #tpu.memory_space<vmem>> -> memref<1x80x8xf32, #tpu.memory_space<vmem>>
    %scatter3A_433 = tpu.memref_squeeze %scatter3A_432 : memref<1x80x8xf32, #tpu.memory_space<vmem>> -> memref<80x8xf32, #tpu.memory_space<vmem>>
    tpu.vector_store_idx %scatter3A_433[%add3A_412, %broadcast_in_dim3A_428], %broadcast_in_dim3A_3 : memref<80x8xf32, #tpu.memory_space<vmem>>[vector<16xi32>, vector<16xi32>], vector<16xf32>,
    %broadcast_in_dim3A_434 = arith.constant 7 : i32
    %broadcast_in_dim3A_435 = vector.broadcast %broadcast_in_dim3A_434 : i32 to vector<16xi32>
    %scatter3A_436 = arith.constant 1 : i32
    %scatter3A_437 = arith.constant 0 : i32
    %scatter3A_438 = arith.constant 0 : i32
    %scatter3A_439 = tpu.memref_slice %arg16[%scatter3A_436, %scatter3A_437, %scatter3A_438] : memref<2x80x8xf32, #tpu.memory_space<vmem>> -> memref<1x80x8xf32, #tpu.memory_space<vmem>>
    %scatter3A_440 = tpu.memref_squeeze %scatter3A_439 : memref<1x80x8xf32, #tpu.memory_space<vmem>> -> memref<80x8xf32, #tpu.memory_space<vmem>>
    tpu.vector_store_idx %scatter3A_440[%add3A_412, %broadcast_in_dim3A_435], %broadcast_in_dim3A_3 : memref<80x8xf32, #tpu.memory_space<vmem>>[vector<16xi32>, vector<16xi32>], vector<16xf32>,
    %iota3A_441 = tpu.iota {dimensions = array<i32: 0>} : vector<16xi32>
    %add3A_442 = arith.constant 48 : i32
    %add3A_443 = vector.broadcast %add3A_442 : i32 to vector<16xi32>
    %add3A_444 = arith.addi %iota3A_441, %add3A_443 : vector<16xi32>
    %broadcast_in_dim3A_445 = arith.constant 4 : i32
    %broadcast_in_dim3A_446 = vector.broadcast %broadcast_in_dim3A_445 : i32 to vector<16xi32>
    %scatter3A_447 = arith.constant 1 : i32
    %scatter3A_448 = arith.constant 0 : i32
    %scatter3A_449 = arith.constant 0 : i32
    %scatter3A_450 = tpu.memref_slice %arg16[%scatter3A_447, %scatter3A_448, %scatter3A_449] : memref<2x80x8xf32, #tpu.memory_space<vmem>> -> memref<1x80x8xf32, #tpu.memory_space<vmem>>
    %scatter3A_451 = tpu.memref_squeeze %scatter3A_450 : memref<1x80x8xf32, #tpu.memory_space<vmem>> -> memref<80x8xf32, #tpu.memory_space<vmem>>
    tpu.vector_store_idx %scatter3A_451[%add3A_444, %broadcast_in_dim3A_446], %broadcast_in_dim3A_3 : memref<80x8xf32, #tpu.memory_space<vmem>>[vector<16xi32>, vector<16xi32>], vector<16xf32>,
    %broadcast_in_dim3A_452 = arith.constant 5 : i32
    %broadcast_in_dim3A_453 = vector.broadcast %broadcast_in_dim3A_452 : i32 to vector<16xi32>
    %scatter3A_454 = arith.constant 1 : i32
    %scatter3A_455 = arith.constant 0 : i32
    %scatter3A_456 = arith.constant 0 : i32
    %scatter3A_457 = tpu.memref_slice %arg16[%scatter3A_454, %scatter3A_455, %scatter3A_456] : memref<2x80x8xf32, #tpu.memory_space<vmem>> -> memref<1x80x8xf32, #tpu.memory_space<vmem>>
    %scatter3A_458 = tpu.memref_squeeze %scatter3A_457 : memref<1x80x8xf32, #tpu.memory_space<vmem>> -> memref<80x8xf32, #tpu.memory_space<vmem>>
    tpu.vector_store_idx %scatter3A_458[%add3A_444, %broadcast_in_dim3A_453], %broadcast_in_dim3A_3 : memref<80x8xf32, #tpu.memory_space<vmem>>[vector<16xi32>, vector<16xi32>], vector<16xf32>,
    %broadcast_in_dim3A_459 = arith.constant 6 : i32
    %broadcast_in_dim3A_460 = vector.broadcast %broadcast_in_dim3A_459 : i32 to vector<16xi32>
    %scatter3A_461 = arith.constant 1 : i32
    %scatter3A_462 = arith.constant 0 : i32
    %scatter3A_463 = arith.constant 0 : i32
    %scatter3A_464 = tpu.memref_slice %arg16[%scatter3A_461, %scatter3A_462, %scatter3A_463] : memref<2x80x8xf32, #tpu.memory_space<vmem>> -> memref<1x80x8xf32, #tpu.memory_space<vmem>>
    %scatter3A_465 = tpu.memref_squeeze %scatter3A_464 : memref<1x80x8xf32, #tpu.memory_space<vmem>> -> memref<80x8xf32, #tpu.memory_space<vmem>>
    tpu.vector_store_idx %scatter3A_465[%add3A_444, %broadcast_in_dim3A_460], %broadcast_in_dim3A_3 : memref<80x8xf32, #tpu.memory_space<vmem>>[vector<16xi32>, vector<16xi32>], vector<16xf32>,
    %broadcast_in_dim3A_466 = arith.constant 7 : i32
    %broadcast_in_dim3A_467 = vector.broadcast %broadcast_in_dim3A_466 : i32 to vector<16xi32>
    %scatter3A_468 = arith.constant 1 : i32
    %scatter3A_469 = arith.constant 0 : i32
    %scatter3A_470 = arith.constant 0 : i32
    %scatter3A_471 = tpu.memref_slice %arg16[%scatter3A_468, %scatter3A_469, %scatter3A_470] : memref<2x80x8xf32, #tpu.memory_space<vmem>> -> memref<1x80x8xf32, #tpu.memory_space<vmem>>
    %scatter3A_472 = tpu.memref_squeeze %scatter3A_471 : memref<1x80x8xf32, #tpu.memory_space<vmem>> -> memref<80x8xf32, #tpu.memory_space<vmem>>
    tpu.vector_store_idx %scatter3A_472[%add3A_444, %broadcast_in_dim3A_467], %broadcast_in_dim3A_3 : memref<80x8xf32, #tpu.memory_space<vmem>>[vector<16xi32>, vector<16xi32>], vector<16xf32>,
    %iota3A_473 = tpu.iota {dimensions = array<i32: 0>} : vector<16xi32>
    %add3A_474 = arith.constant 64 : i32
    %add3A_475 = vector.broadcast %add3A_474 : i32 to vector<16xi32>
    %add3A_476 = arith.addi %iota3A_473, %add3A_475 : vector<16xi32>
    %broadcast_in_dim3A_477 = arith.constant 4 : i32
    %broadcast_in_dim3A_478 = vector.broadcast %broadcast_in_dim3A_477 : i32 to vector<16xi32>
    %scatter3A_479 = arith.constant 1 : i32
    %scatter3A_480 = arith.constant 0 : i32
    %scatter3A_481 = arith.constant 0 : i32
    %scatter3A_482 = tpu.memref_slice %arg16[%scatter3A_479, %scatter3A_480, %scatter3A_481] : memref<2x80x8xf32, #tpu.memory_space<vmem>> -> memref<1x80x8xf32, #tpu.memory_space<vmem>>
    %scatter3A_483 = tpu.memref_squeeze %scatter3A_482 : memref<1x80x8xf32, #tpu.memory_space<vmem>> -> memref<80x8xf32, #tpu.memory_space<vmem>>
    tpu.vector_store_idx %scatter3A_483[%add3A_476, %broadcast_in_dim3A_478], %broadcast_in_dim3A_3 : memref<80x8xf32, #tpu.memory_space<vmem>>[vector<16xi32>, vector<16xi32>], vector<16xf32>,
    %broadcast_in_dim3A_484 = arith.constant 5 : i32
    %broadcast_in_dim3A_485 = vector.broadcast %broadcast_in_dim3A_484 : i32 to vector<16xi32>
    %scatter3A_486 = arith.constant 1 : i32
    %scatter3A_487 = arith.constant 0 : i32
    %scatter3A_488 = arith.constant 0 : i32
    %scatter3A_489 = tpu.memref_slice %arg16[%scatter3A_486, %scatter3A_487, %scatter3A_488] : memref<2x80x8xf32, #tpu.memory_space<vmem>> -> memref<1x80x8xf32, #tpu.memory_space<vmem>>
    %scatter3A_490 = tpu.memref_squeeze %scatter3A_489 : memref<1x80x8xf32, #tpu.memory_space<vmem>> -> memref<80x8xf32, #tpu.memory_space<vmem>>
    tpu.vector_store_idx %scatter3A_490[%add3A_476, %broadcast_in_dim3A_485], %broadcast_in_dim3A_3 : memref<80x8xf32, #tpu.memory_space<vmem>>[vector<16xi32>, vector<16xi32>], vector<16xf32>,
    %broadcast_in_dim3A_491 = arith.constant 6 : i32
    %broadcast_in_dim3A_492 = vector.broadcast %broadcast_in_dim3A_491 : i32 to vector<16xi32>
    %scatter3A_493 = arith.constant 1 : i32
    %scatter3A_494 = arith.constant 0 : i32
    %scatter3A_495 = arith.constant 0 : i32
    %scatter3A_496 = tpu.memref_slice %arg16[%scatter3A_493, %scatter3A_494, %scatter3A_495] : memref<2x80x8xf32, #tpu.memory_space<vmem>> -> memref<1x80x8xf32, #tpu.memory_space<vmem>>
    %scatter3A_497 = tpu.memref_squeeze %scatter3A_496 : memref<1x80x8xf32, #tpu.memory_space<vmem>> -> memref<80x8xf32, #tpu.memory_space<vmem>>
    tpu.vector_store_idx %scatter3A_497[%add3A_476, %broadcast_in_dim3A_492], %broadcast_in_dim3A_3 : memref<80x8xf32, #tpu.memory_space<vmem>>[vector<16xi32>, vector<16xi32>], vector<16xf32>,
    %broadcast_in_dim3A_498 = arith.constant 7 : i32
    %broadcast_in_dim3A_499 = vector.broadcast %broadcast_in_dim3A_498 : i32 to vector<16xi32>
    %scatter3A_500 = arith.constant 1 : i32
    %scatter3A_501 = arith.constant 0 : i32
    %scatter3A_502 = arith.constant 0 : i32
    %scatter3A_503 = tpu.memref_slice %arg16[%scatter3A_500, %scatter3A_501, %scatter3A_502] : memref<2x80x8xf32, #tpu.memory_space<vmem>> -> memref<1x80x8xf32, #tpu.memory_space<vmem>>
    %scatter3A_504 = tpu.memref_squeeze %scatter3A_503 : memref<1x80x8xf32, #tpu.memory_space<vmem>> -> memref<80x8xf32, #tpu.memory_space<vmem>>
    tpu.vector_store_idx %scatter3A_504[%add3A_476, %broadcast_in_dim3A_499], %broadcast_in_dim3A_3 : memref<80x8xf32, #tpu.memory_space<vmem>>[vector<16xi32>, vector<16xi32>], vector<16xf32>,
    %scan3A = arith.constant 0 : i32
    %scan3A_505 = arith.constant 125 : i32
    %scan3A_506 = arith.addi %scan3A, %scan3A_505 : i32
    %scan3A_507 = arith.constant 1 : i32
    scf.for %scan3A_710 = %scan3A to %scan3A_506 step %scan3A_507  : i32 {
      %mul3A_711 = arith.constant 1 : i32
      %mul3A_712 = arith.muli %scan3A_710, %mul3A_711 : i32
      %add3A_713 = arith.constant 0 : i32
      %add3A_714 = arith.addi %add3A_713, %mul3A_712 : i32
      %mul3A_715 = arith.constant 625 : i32
      %mul3A_716 = arith.muli %arg1, %mul3A_715 : i32
      %mul3A_717 = arith.constant 5 : i32
      %mul3A_718 = arith.muli %add3A_714, %mul3A_717 : i32
      %add3A_719 = arith.addi %mul3A_716, %mul3A_718 : i32
      "tpu.region"() ({
        %run_scoped3A = tpu.sem_alloc : memref<!tpu.dma_semaphore, #tpu.memory_space<semaphore_mem>>
        %dma_start3A_720 = arith.constant 0 : i32
        %dma_start3A_721 = tpu.memref_slice %arg8[%add3A_719, %dma_start3A_720] : memref<10000x128xf32, #tpu.memory_space<vmem_shared>> -> memref<5x128xf32, #tpu.memory_space<vmem_shared>>
        %dma_start3A_722 = arith.constant 0 : i32
        %dma_start3A_723 = tpu.memref_slice %arg8[%add3A_719, %dma_start3A_722] : memref<10000x128xf32, #tpu.memory_space<vmem_shared>> -> memref<5x128xf32, #tpu.memory_space<vmem_shared>>
        tpu.enqueue_dma source(%arg17 : memref<5x128xf32, #tpu.memory_space<vmem>>) target(%dma_start3A_723 : memref<5x128xf32, #tpu.memory_space<vmem_shared>>) target_semaphore(%run_scoped3A : memref<!tpu.dma_semaphore, #tpu.memory_space<semaphore_mem>>)
        %dma_wait3A_724 = arith.constant 0 : i32
        %dma_wait3A_725 = tpu.memref_slice %arg8[%add3A_719, %dma_wait3A_724] : memref<10000x128xf32, #tpu.memory_space<vmem_shared>> -> memref<5x128xf32, #tpu.memory_space<vmem_shared>>
        %dma_wait3A_726 = arith.constant 0 : i32
        %dma_wait3A_727 = tpu.memref_slice %arg8[%add3A_719, %dma_wait3A_726] : memref<10000x128xf32, #tpu.memory_space<vmem_shared>> -> memref<5x128xf32, #tpu.memory_space<vmem_shared>>
        tpu.wait_dma2 semaphore(%run_scoped3A : memref<!tpu.dma_semaphore, #tpu.memory_space<semaphore_mem>>) src(%arg17 : memref<5x128xf32, #tpu.memory_space<vmem>>) dst(%dma_wait3A_727 : memref<5x128xf32, #tpu.memory_space<vmem_shared>>)
        tpu.yield
      }) : () -> ()
    }
    %scan3A_508 = arith.constant 125 : i32
    %scan3A_509 = arith.constant 0 : i32
    %scan3A_510 = arith.constant 25 : i32
    %scan3A_511 = arith.addi %scan3A_509, %scan3A_510 : i32
    %scan3A_512 = arith.constant 1 : i32
    scf.for %scan3A_710 = %scan3A_509 to %scan3A_511 step %scan3A_512  : i32 {
      %mul3A_711 = arith.constant 1 : i32
      %mul3A_712 = arith.muli %scan3A_710, %mul3A_711 : i32
      %add3A_713 = arith.constant 0 : i32
      %add3A_714 = arith.addi %add3A_713, %mul3A_712 : i32
      %mul3A_715 = arith.constant 625 : i32
      %mul3A_716 = arith.muli %arg1, %mul3A_715 : i32
      %mul3A_717 = arith.constant 25 : i32
      %mul3A_718 = arith.muli %add3A_714, %mul3A_717 : i32
      %add3A_719 = arith.addi %mul3A_716, %mul3A_718 : i32
      "tpu.region"() ({
        %run_scoped3A = tpu.sem_alloc : memref<!tpu.dma_semaphore, #tpu.memory_space<semaphore_mem>>
        %dma_start3A_727 = arith.constant 0 : i32
        %dma_start3A_728 = arith.constant 0 : i32
        %dma_start3A_729 = tpu.memref_slice %arg18[%dma_start3A_727, %dma_start3A_728] : memref<16x8xf32, #tpu.memory_space<vmem>> -> memref<16x8xf32, #tpu.memory_space<vmem>>
        %dma_start3A_730 = arith.constant 0 : i32
        %dma_start3A_731 = tpu.memref_slice %arg9[%add3A_719, %dma_start3A_730] : memref<10000x8xf32, #tpu.memory_space<vmem_shared>> -> memref<16x8xf32, #tpu.memory_space<vmem_shared>>
        %dma_start3A_732 = arith.constant 0 : i32
        %dma_start3A_733 = tpu.memref_slice %arg9[%add3A_719, %dma_start3A_732] : memref<10000x8xf32, #tpu.memory_space<vmem_shared>> -> memref<16x8xf32, #tpu.memory_space<vmem_shared>>
        %dma_start3A_734 = arith.constant 0 : i32
        %dma_start3A_735 = arith.constant 0 : i32
        %dma_start3A_736 = tpu.memref_slice %arg18[%dma_start3A_734, %dma_start3A_735] : memref<16x8xf32, #tpu.memory_space<vmem>> -> memref<16x8xf32, #tpu.memory_space<vmem>>
        tpu.enqueue_dma source(%dma_start3A_736 : memref<16x8xf32, #tpu.memory_space<vmem>>) target(%dma_start3A_733 : memref<16x8xf32, #tpu.memory_space<vmem_shared>>) target_semaphore(%run_scoped3A : memref<!tpu.dma_semaphore, #tpu.memory_space<semaphore_mem>>)
        %dma_wait3A_737 = arith.constant 0 : i32
        %dma_wait3A_738 = arith.constant 0 : i32
        %dma_wait3A_739 = tpu.memref_slice %arg18[%dma_wait3A_737, %dma_wait3A_738] : memref<16x8xf32, #tpu.memory_space<vmem>> -> memref<16x8xf32, #tpu.memory_space<vmem>>
        %dma_wait3A_740 = arith.constant 0 : i32
        %dma_wait3A_741 = tpu.memref_slice %arg9[%add3A_719, %dma_wait3A_740] : memref<10000x8xf32, #tpu.memory_space<vmem_shared>> -> memref<16x8xf32, #tpu.memory_space<vmem_shared>>
        %dma_wait3A_742 = arith.constant 0 : i32
        %dma_wait3A_743 = tpu.memref_slice %arg9[%add3A_719, %dma_wait3A_742] : memref<10000x8xf32, #tpu.memory_space<vmem_shared>> -> memref<16x8xf32, #tpu.memory_space<vmem_shared>>
        %dma_wait3A_744 = arith.constant 0 : i32
        %dma_wait3A_745 = arith.constant 0 : i32
        %dma_wait3A_746 = tpu.memref_slice %arg18[%dma_wait3A_744, %dma_wait3A_745] : memref<16x8xf32, #tpu.memory_space<vmem>> -> memref<16x8xf32, #tpu.memory_space<vmem>>
        tpu.wait_dma2 semaphore(%run_scoped3A : memref<!tpu.dma_semaphore, #tpu.memory_space<semaphore_mem>>) src(%dma_wait3A_746 : memref<16x8xf32, #tpu.memory_space<vmem>>) dst(%dma_wait3A_743 : memref<16x8xf32, #tpu.memory_space<vmem_shared>>)
        tpu.yield
      }) : () -> ()
      %mul3A_720 = arith.constant 625 : i32
      %mul3A_721 = arith.muli %arg1, %mul3A_720 : i32
      %mul3A_722 = arith.constant 25 : i32
      %mul3A_723 = arith.muli %add3A_714, %mul3A_722 : i32
      %add3A_724 = arith.addi %mul3A_721, %mul3A_723 : i32
      %add3A_725 = arith.constant 16 : i32
      %add3A_726 = arith.addi %add3A_724, %add3A_725 : i32
      "tpu.region"() ({
        %run_scoped3A = tpu.sem_alloc : memref<!tpu.dma_semaphore, #tpu.memory_space<semaphore_mem>>
        %dma_start3A_727 = arith.constant 0 : i32
        %dma_start3A_728 = arith.constant 0 : i32
        %dma_start3A_729 = tpu.memref_slice %arg18[%dma_start3A_727, %dma_start3A_728] : memref<16x8xf32, #tpu.memory_space<vmem>> -> memref<9x8xf32, #tpu.memory_space<vmem>>
        %dma_start3A_730 = arith.constant 0 : i32
        %dma_start3A_731 = tpu.memref_slice %arg9[%add3A_726, %dma_start3A_730] : memref<10000x8xf32, #tpu.memory_space<vmem_shared>> -> memref<9x8xf32, #tpu.memory_space<vmem_shared>>
        %dma_start3A_732 = arith.constant 0 : i32
        %dma_start3A_733 = tpu.memref_slice %arg9[%add3A_726, %dma_start3A_732] : memref<10000x8xf32, #tpu.memory_space<vmem_shared>> -> memref<9x8xf32, #tpu.memory_space<vmem_shared>>
        %dma_start3A_734 = arith.constant 0 : i32
        %dma_start3A_735 = arith.constant 0 : i32
        %dma_start3A_736 = tpu.memref_slice %arg18[%dma_start3A_734, %dma_start3A_735] : memref<16x8xf32, #tpu.memory_space<vmem>> -> memref<9x8xf32, #tpu.memory_space<vmem>>
        tpu.enqueue_dma source(%dma_start3A_736 : memref<9x8xf32, #tpu.memory_space<vmem>>) target(%dma_start3A_733 : memref<9x8xf32, #tpu.memory_space<vmem_shared>>) target_semaphore(%run_scoped3A : memref<!tpu.dma_semaphore, #tpu.memory_space<semaphore_mem>>)
        %dma_wait3A_737 = arith.constant 0 : i32
        %dma_wait3A_738 = arith.constant 0 : i32
        %dma_wait3A_739 = tpu.memref_slice %arg18[%dma_wait3A_737, %dma_wait3A_738] : memref<16x8xf32, #tpu.memory_space<vmem>> -> memref<9x8xf32, #tpu.memory_space<vmem>>
        %dma_wait3A_740 = arith.constant 0 : i32
        %dma_wait3A_741 = tpu.memref_slice %arg9[%add3A_726, %dma_wait3A_740] : memref<10000x8xf32, #tpu.memory_space<vmem_shared>> -> memref<9x8xf32, #tpu.memory_space<vmem_shared>>
        %dma_wait3A_742 = arith.constant 0 : i32
        %dma_wait3A_743 = tpu.memref_slice %arg9[%add3A_726, %dma_wait3A_742] : memref<10000x8xf32, #tpu.memory_space<vmem_shared>> -> memref<9x8xf32, #tpu.memory_space<vmem_shared>>
        %dma_wait3A_744 = arith.constant 0 : i32
        %dma_wait3A_745 = arith.constant 0 : i32
        %dma_wait3A_746 = tpu.memref_slice %arg18[%dma_wait3A_744, %dma_wait3A_745] : memref<16x8xf32, #tpu.memory_space<vmem>> -> memref<9x8xf32, #tpu.memory_space<vmem>>
        tpu.wait_dma2 semaphore(%run_scoped3A : memref<!tpu.dma_semaphore, #tpu.memory_space<semaphore_mem>>) src(%dma_wait3A_746 : memref<9x8xf32, #tpu.memory_space<vmem>>) dst(%dma_wait3A_743 : memref<9x8xf32, #tpu.memory_space<vmem_shared>>)
        tpu.yield
      }) : () -> ()
    }
    %scan3A_513 = arith.constant 25 : i32
    %barrier3A = arith.constant 0 : index
    tpu.barrier barrier_id(%barrier3A)
    %add3A_514 = arith.constant 0 : i32
    %add3A_515 = arith.addi %mul3A_2, %add3A_514 : i32
    %rem3A = arith.constant 0 : i32
    %rem3A_516 = arith.constant 4 : i32
    %rem3A_517 = arith.remsi %rem3A, %rem3A_516 : i32
    %dma_start3A = arith.constant 0 : i32
    %dma_start3A_518 = arith.constant 0 : i32
    %dma_start3A_519 = tpu.memref_slice %arg10[%rem3A_517, %dma_start3A, %dma_start3A_518] : memref<4x1x80xi32, #tpu.memory_space<vmem>> -> memref<1x1x80xi32, #tpu.memory_space<vmem>>
    %dma_start3A_520 = tpu.memref_squeeze %dma_start3A_519 : memref<1x1x80xi32, #tpu.memory_space<vmem>> -> memref<1x80xi32, #tpu.memory_space<vmem>>
    %dma_start3A_521 = arith.constant 0 : i32
    %dma_start3A_522 = tpu.memref_slice %arg4[%add3A_515, %dma_start3A_521] : memref<4000x80xi32, #tpu.memory_space<hbm>> -> memref<1x80xi32, #tpu.memory_space<hbm>>
    %dma_start3A_523 = arith.constant 0 : i32
    %dma_start3A_524 = arith.constant 0 : i32
    %dma_start3A_525 = tpu.memref_slice %arg10[%rem3A_517, %dma_start3A_523, %dma_start3A_524] : memref<4x1x80xi32, #tpu.memory_space<vmem>> -> memref<1x1x80xi32, #tpu.memory_space<vmem>>
    %dma_start3A_526 = tpu.memref_squeeze %dma_start3A_525 : memref<1x1x80xi32, #tpu.memory_space<vmem>> -> memref<1x80xi32, #tpu.memory_space<vmem>>
    %dma_start3A_527 = arith.constant 0 : i32
    %dma_start3A_528 = tpu.memref_slice %arg4[%add3A_515, %dma_start3A_527] : memref<4000x80xi32, #tpu.memory_space<hbm>> -> memref<1x80xi32, #tpu.memory_space<hbm>>
    tpu.enqueue_dma source(%dma_start3A_528 : memref<1x80xi32, #tpu.memory_space<hbm>>) target(%dma_start3A_526 : memref<1x80xi32, #tpu.memory_space<vmem>>) target_semaphore(%arg19 : memref<!tpu.dma_semaphore, #tpu.memory_space<semaphore_mem>>)
    %add3A_529 = arith.constant 0 : i32
    %add3A_530 = arith.addi %mul3A_2, %add3A_529 : i32
    %rem3A_531 = arith.constant 0 : i32
    %rem3A_532 = arith.constant 4 : i32
    %rem3A_533 = arith.remsi %rem3A_531, %rem3A_532 : i32
    %dma_start3A_534 = arith.constant 0 : i32
    %dma_start3A_535 = arith.constant 0 : i32
    %dma_start3A_536 = tpu.memref_slice %arg11[%rem3A_533, %dma_start3A_534, %dma_start3A_535] : memref<4x1x80xi32, #tpu.memory_space<vmem>> -> memref<1x1x80xi32, #tpu.memory_space<vmem>>
    %dma_start3A_537 = tpu.memref_squeeze %dma_start3A_536 : memref<1x1x80xi32, #tpu.memory_space<vmem>> -> memref<1x80xi32, #tpu.memory_space<vmem>>
    %dma_start3A_538 = arith.constant 0 : i32
    %dma_start3A_539 = tpu.memref_slice %arg5[%add3A_530, %dma_start3A_538] : memref<4000x80xi32, #tpu.memory_space<hbm>> -> memref<1x80xi32, #tpu.memory_space<hbm>>
    %dma_start3A_540 = arith.constant 0 : i32
    %dma_start3A_541 = arith.constant 0 : i32
    %dma_start3A_542 = tpu.memref_slice %arg11[%rem3A_533, %dma_start3A_540, %dma_start3A_541] : memref<4x1x80xi32, #tpu.memory_space<vmem>> -> memref<1x1x80xi32, #tpu.memory_space<vmem>>
    %dma_start3A_543 = tpu.memref_squeeze %dma_start3A_542 : memref<1x1x80xi32, #tpu.memory_space<vmem>> -> memref<1x80xi32, #tpu.memory_space<vmem>>
    %dma_start3A_544 = arith.constant 0 : i32
    %dma_start3A_545 = tpu.memref_slice %arg5[%add3A_530, %dma_start3A_544] : memref<4000x80xi32, #tpu.memory_space<hbm>> -> memref<1x80xi32, #tpu.memory_space<hbm>>
    tpu.enqueue_dma source(%dma_start3A_545 : memref<1x80xi32, #tpu.memory_space<hbm>>) target(%dma_start3A_543 : memref<1x80xi32, #tpu.memory_space<vmem>>) target_semaphore(%arg19 : memref<!tpu.dma_semaphore, #tpu.memory_space<semaphore_mem>>)
    %add3A_546 = arith.constant 1 : i32
    %add3A_547 = arith.addi %mul3A_2, %add3A_546 : i32
    %rem3A_548 = arith.constant 1 : i32
    %rem3A_549 = arith.constant 4 : i32
    %rem3A_550 = arith.remsi %rem3A_548, %rem3A_549 : i32
    %dma_start3A_551 = arith.constant 0 : i32
    %dma_start3A_552 = arith.constant 0 : i32
    %dma_start3A_553 = tpu.memref_slice %arg10[%rem3A_550, %dma_start3A_551, %dma_start3A_552] : memref<4x1x80xi32, #tpu.memory_space<vmem>> -> memref<1x1x80xi32, #tpu.memory_space<vmem>>
    %dma_start3A_554 = tpu.memref_squeeze %dma_start3A_553 : memref<1x1x80xi32, #tpu.memory_space<vmem>> -> memref<1x80xi32, #tpu.memory_space<vmem>>
    %dma_start3A_555 = arith.constant 0 : i32
    %dma_start3A_556 = tpu.memref_slice %arg4[%add3A_547, %dma_start3A_555] : memref<4000x80xi32, #tpu.memory_space<hbm>> -> memref<1x80xi32, #tpu.memory_space<hbm>>
    %dma_start3A_557 = arith.constant 0 : i32
    %dma_start3A_558 = arith.constant 0 : i32
    %dma_start3A_559 = tpu.memref_slice %arg10[%rem3A_550, %dma_start3A_557, %dma_start3A_558] : memref<4x1x80xi32, #tpu.memory_space<vmem>> -> memref<1x1x80xi32, #tpu.memory_space<vmem>>
    %dma_start3A_560 = tpu.memref_squeeze %dma_start3A_559 : memref<1x1x80xi32, #tpu.memory_space<vmem>> -> memref<1x80xi32, #tpu.memory_space<vmem>>
    %dma_start3A_561 = arith.constant 0 : i32
    %dma_start3A_562 = tpu.memref_slice %arg4[%add3A_547, %dma_start3A_561] : memref<4000x80xi32, #tpu.memory_space<hbm>> -> memref<1x80xi32, #tpu.memory_space<hbm>>
    tpu.enqueue_dma source(%dma_start3A_562 : memref<1x80xi32, #tpu.memory_space<hbm>>) target(%dma_start3A_560 : memref<1x80xi32, #tpu.memory_space<vmem>>) target_semaphore(%arg19 : memref<!tpu.dma_semaphore, #tpu.memory_space<semaphore_mem>>)
    %add3A_563 = arith.constant 1 : i32
    %add3A_564 = arith.addi %mul3A_2, %add3A_563 : i32
    %rem3A_565 = arith.constant 1 : i32
    %rem3A_566 = arith.constant 4 : i32
    %rem3A_567 = arith.remsi %rem3A_565, %rem3A_566 : i32
    %dma_start3A_568 = arith.constant 0 : i32
    %dma_start3A_569 = arith.constant 0 : i32
    %dma_start3A_570 = tpu.memref_slice %arg11[%rem3A_567, %dma_start3A_568, %dma_start3A_569] : memref<4x1x80xi32, #tpu.memory_space<vmem>> -> memref<1x1x80xi32, #tpu.memory_space<vmem>>
    %dma_start3A_571 = tpu.memref_squeeze %dma_start3A_570 : memref<1x1x80xi32, #tpu.memory_space<vmem>> -> memref<1x80xi32, #tpu.memory_space<vmem>>
    %dma_start3A_572 = arith.constant 0 : i32
    %dma_start3A_573 = tpu.memref_slice %arg5[%add3A_564, %dma_start3A_572] : memref<4000x80xi32, #tpu.memory_space<hbm>> -> memref<1x80xi32, #tpu.memory_space<hbm>>
    %dma_start3A_574 = arith.constant 0 : i32
    %dma_start3A_575 = arith.constant 0 : i32
    %dma_start3A_576 = tpu.memref_slice %arg11[%rem3A_567, %dma_start3A_574, %dma_start3A_575] : memref<4x1x80xi32, #tpu.memory_space<vmem>> -> memref<1x1x80xi32, #tpu.memory_space<vmem>>
    %dma_start3A_577 = tpu.memref_squeeze %dma_start3A_576 : memref<1x1x80xi32, #tpu.memory_space<vmem>> -> memref<1x80xi32, #tpu.memory_space<vmem>>
    %dma_start3A_578 = arith.constant 0 : i32
    %dma_start3A_579 = tpu.memref_slice %arg5[%add3A_564, %dma_start3A_578] : memref<4000x80xi32, #tpu.memory_space<hbm>> -> memref<1x80xi32, #tpu.memory_space<hbm>>
    tpu.enqueue_dma source(%dma_start3A_579 : memref<1x80xi32, #tpu.memory_space<hbm>>) target(%dma_start3A_577 : memref<1x80xi32, #tpu.memory_space<vmem>>) target_semaphore(%arg19 : memref<!tpu.dma_semaphore, #tpu.memory_space<semaphore_mem>>)
    %add3A_580 = arith.constant 0 : i32
    %add3A_581 = arith.addi %mul3A_2, %add3A_580 : i32
    %rem3A_582 = arith.constant 0 : i32
    %rem3A_583 = arith.constant 4 : i32
    %rem3A_584 = arith.remsi %rem3A_582, %rem3A_583 : i32
    %dma_wait3A = arith.constant 0 : i32
    %dma_wait3A_585 = arith.constant 0 : i32
    %dma_wait3A_586 = tpu.memref_slice %arg10[%rem3A_584, %dma_wait3A, %dma_wait3A_585] : memref<4x1x80xi32, #tpu.memory_space<vmem>> -> memref<1x1x80xi32, #tpu.memory_space<vmem>>
    %dma_wait3A_587 = tpu.memref_squeeze %dma_wait3A_586 : memref<1x1x80xi32, #tpu.memory_space<vmem>> -> memref<1x80xi32, #tpu.memory_space<vmem>>
    %dma_wait3A_588 = arith.constant 0 : i32
    %dma_wait3A_589 = tpu.memref_slice %arg4[%add3A_581, %dma_wait3A_588] : memref<4000x80xi32, #tpu.memory_space<hbm>> -> memref<1x80xi32, #tpu.memory_space<hbm>>
    %dma_wait3A_590 = arith.constant 0 : i32
    %dma_wait3A_591 = arith.constant 0 : i32
    %dma_wait3A_592 = tpu.memref_slice %arg10[%rem3A_584, %dma_wait3A_590, %dma_wait3A_591] : memref<4x1x80xi32, #tpu.memory_space<vmem>> -> memref<1x1x80xi32, #tpu.memory_space<vmem>>
    %dma_wait3A_593 = tpu.memref_squeeze %dma_wait3A_592 : memref<1x1x80xi32, #tpu.memory_space<vmem>> -> memref<1x80xi32, #tpu.memory_space<vmem>>
    %dma_wait3A_594 = arith.constant 0 : i32
    %dma_wait3A_595 = tpu.memref_slice %arg4[%add3A_581, %dma_wait3A_594] : memref<4000x80xi32, #tpu.memory_space<hbm>> -> memref<1x80xi32, #tpu.memory_space<hbm>>
    tpu.wait_dma2 semaphore(%arg19 : memref<!tpu.dma_semaphore, #tpu.memory_space<semaphore_mem>>) src(%dma_wait3A_595 : memref<1x80xi32, #tpu.memory_space<hbm>>) dst(%dma_wait3A_593 : memref<1x80xi32, #tpu.memory_space<vmem>>)
    %add3A_596 = arith.constant 0 : i32
    %add3A_597 = arith.addi %mul3A_2, %add3A_596 : i32
    %rem3A_598 = arith.constant 0 : i32
    %rem3A_599 = arith.constant 4 : i32
    %rem3A_600 = arith.remsi %rem3A_598, %rem3A_599 : i32
    %dma_wait3A_601 = arith.constant 0 : i32
    %dma_wait3A_602 = arith.constant 0 : i32
    %dma_wait3A_603 = tpu.memref_slice %arg11[%rem3A_600, %dma_wait3A_601, %dma_wait3A_602] : memref<4x1x80xi32, #tpu.memory_space<vmem>> -> memref<1x1x80xi32, #tpu.memory_space<vmem>>
    %dma_wait3A_604 = tpu.memref_squeeze %dma_wait3A_603 : memref<1x1x80xi32, #tpu.memory_space<vmem>> -> memref<1x80xi32, #tpu.memory_space<vmem>>
    %dma_wait3A_605 = arith.constant 0 : i32
    %dma_wait3A_606 = tpu.memref_slice %arg5[%add3A_597, %dma_wait3A_605] : memref<4000x80xi32, #tpu.memory_space<hbm>> -> memref<1x80xi32, #tpu.memory_space<hbm>>
    %dma_wait3A_607 = arith.constant 0 : i32
    %dma_wait3A_608 = arith.constant 0 : i32
    %dma_wait3A_609 = tpu.memref_slice %arg11[%rem3A_600, %dma_wait3A_607, %dma_wait3A_608] : memref<4x1x80xi32, #tpu.memory_space<vmem>> -> memref<1x1x80xi32, #tpu.memory_space<vmem>>
    %dma_wait3A_610 = tpu.memref_squeeze %dma_wait3A_609 : memref<1x1x80xi32, #tpu.memory_space<vmem>> -> memref<1x80xi32, #tpu.memory_space<vmem>>
    %dma_wait3A_611 = arith.constant 0 : i32
    %dma_wait3A_612 = tpu.memref_slice %arg5[%add3A_597, %dma_wait3A_611] : memref<4000x80xi32, #tpu.memory_space<hbm>> -> memref<1x80xi32, #tpu.memory_space<hbm>>
    tpu.wait_dma2 semaphore(%arg19 : memref<!tpu.dma_semaphore, #tpu.memory_space<semaphore_mem>>) src(%dma_wait3A_612 : memref<1x80xi32, #tpu.memory_space<hbm>>) dst(%dma_wait3A_610 : memref<1x80xi32, #tpu.memory_space<vmem>>)
    %rem3A_613 = arith.constant 0 : i32
    %rem3A_614 = arith.constant 2 : i32
    %rem3A_615 = arith.remsi %rem3A_613, %rem3A_614 : i32
    %rem3A_616 = arith.constant 0 : i32
    %rem3A_617 = arith.constant 4 : i32
    %rem3A_618 = arith.remsi %rem3A_616, %rem3A_617 : i32
    %dma_start3A_619 = arith.constant 0 : i32
    %dma_start3A_620 = arith.constant 0 : i32
    %dma_start3A_621 = tpu.memref_slice %arg10[%rem3A_618, %dma_start3A_619, %dma_start3A_620] : memref<4x1x80xi32, #tpu.memory_space<vmem>> -> memref<1x1x80xi32, #tpu.memory_space<vmem>>
    %dma_start3A_622 = tpu.memref_squeeze %dma_start3A_621 : memref<1x1x80xi32, #tpu.memory_space<vmem>> -> memref<80xi32, #tpu.memory_space<vmem>>
    %dma_start3A_623 = arith.constant 0 : i32
    %dma_start3A_624 = arith.constant 0 : i32
    %dma_start3A_625 = tpu.memref_slice %arg3[%dma_start3A_623, %dma_start3A_624] : memref<10000x8xf32, #tpu.memory_space<hbm>> -> memref<10000x8xf32, #tpu.memory_space<hbm>>
    tpu.enqueue_indirect_dma source(%dma_start3A_625 : memref<10000x8xf32, #tpu.memory_space<hbm>>) target(%arg12 : memref<80x8xf32, #tpu.memory_space<vmem>>) offsets(%dma_start3A_622 : memref<80xi32, #tpu.memory_space<vmem>>) semaphore(%arg20 : memref<!tpu.dma_semaphore, #tpu.memory_space<semaphore_mem>>)
    %dma_start3A_626 = arith.constant 0 : i32
    %dma_start3A_627 = arith.constant 0 : i32
    %dma_start3A_628 = tpu.memref_slice %arg11[%rem3A_618, %dma_start3A_626, %dma_start3A_627] : memref<4x1x80xi32, #tpu.memory_space<vmem>> -> memref<1x1x80xi32, #tpu.memory_space<vmem>>
    %dma_start3A_629 = tpu.memref_squeeze %dma_start3A_628 : memref<1x1x80xi32, #tpu.memory_space<vmem>> -> memref<80xi32, #tpu.memory_space<vmem>>
    %dma_start3A_630 = arith.constant 0 : i32
    %dma_start3A_631 = arith.constant 0 : i32
    %dma_start3A_632 = tpu.memref_slice %arg3[%dma_start3A_630, %dma_start3A_631] : memref<10000x8xf32, #tpu.memory_space<hbm>> -> memref<10000x8xf32, #tpu.memory_space<hbm>>
    tpu.enqueue_indirect_dma source(%dma_start3A_632 : memref<10000x8xf32, #tpu.memory_space<hbm>>) target(%arg13 : memref<80x8xf32, #tpu.memory_space<vmem>>) offsets(%dma_start3A_629 : memref<80xi32, #tpu.memory_space<vmem>>) semaphore(%arg20 : memref<!tpu.dma_semaphore, #tpu.memory_space<semaphore_mem>>)
    %dma_start3A_633 = arith.constant 0 : i32
    %dma_start3A_634 = arith.constant 0 : i32
    %dma_start3A_635 = arith.constant 0 : i32
    %dma_start3A_636 = tpu.memref_slice %arg14[%rem3A_615, %dma_start3A_634, %dma_start3A_635] : memref<2x80x128xf32, #tpu.memory_space<vmem>> -> memref<1x80x128xf32, #tpu.memory_space<vmem>>
    %dma_start3A_637 = tpu.memref_squeeze %dma_start3A_636 : memref<1x80x128xf32, #tpu.memory_space<vmem>> -> memref<80x128xf32, #tpu.memory_space<vmem>>
    %dma_start3A_638 = arith.constant 0 : i32
    %dma_start3A_639 = tpu.memref_slice %arg10[%rem3A_618, %dma_start3A_633, %dma_start3A_638] : memref<4x1x80xi32, #tpu.memory_space<vmem>> -> memref<1x1x80xi32, #tpu.memory_space<vmem>>
    %dma_start3A_640 = tpu.memref_squeeze %dma_start3A_639 : memref<1x1x80xi32, #tpu.memory_space<vmem>> -> memref<80xi32, #tpu.memory_space<vmem>>
    %dma_start3A_641 = arith.constant 0 : i32
    %dma_start3A_642 = arith.constant 0 : i32
    %dma_start3A_643 = tpu.memref_slice %arg2[%dma_start3A_641, %dma_start3A_642] : memref<10000x128xf32, #tpu.memory_space<hbm>> -> memref<10000x128xf32, #tpu.memory_space<hbm>>
    tpu.enqueue_indirect_dma source(%dma_start3A_643 : memref<10000x128xf32, #tpu.memory_space<hbm>>) target(%dma_start3A_637 : memref<80x128xf32, #tpu.memory_space<vmem>>) offsets(%dma_start3A_640 : memref<80xi32, #tpu.memory_space<vmem>>) semaphore(%arg20 : memref<!tpu.dma_semaphore, #tpu.memory_space<semaphore_mem>>)
    %scan3A_644 = arith.constant 0 : i32
    %scan3A_645 = arith.constant 125 : i32
    %scan3A_646 = arith.addi %scan3A_644, %scan3A_645 : i32
    %scan3A_647 = arith.constant 1 : i32
    scf.for %scan3A_710 = %scan3A_644 to %scan3A_646 step %scan3A_647  : i32 {
      %mul3A_711 = arith.constant 1 : i32
      %mul3A_712 = arith.muli %scan3A_710, %mul3A_711 : i32
      %add3A_713 = arith.constant 0 : i32
      %add3A_714 = arith.addi %add3A_713, %mul3A_712 : i32
      %rem3A_715 = arith.constant 2 : i32
      %rem3A_716 = arith.remsi %add3A_714, %rem3A_715 : i32
      %rem3A_717 = arith.constant 4 : i32
      %rem3A_718 = arith.remsi %add3A_714, %rem3A_717 : i32
      %dma_wait3A_719 = arith.constant 0 : i32
      %dma_wait3A_720 = arith.constant 0 : i32
      %dma_wait3A_721 = tpu.memref_slice %arg10[%rem3A_718, %dma_wait3A_719, %dma_wait3A_720] : memref<4x1x80xi32, #tpu.memory_space<vmem>> -> memref<1x1x80xi32, #tpu.memory_space<vmem>>
      %dma_wait3A_722 = tpu.memref_squeeze %dma_wait3A_721 : memref<1x1x80xi32, #tpu.memory_space<vmem>> -> memref<80xi32, #tpu.memory_space<vmem>>
      %dma_wait3A_723 = arith.constant 0 : i32
      %dma_wait3A_724 = arith.constant 0 : i32
      %dma_wait3A_725 = tpu.memref_slice %arg3[%dma_wait3A_723, %dma_wait3A_724] : memref<10000x8xf32, #tpu.memory_space<hbm>> -> memref<10000x8xf32, #tpu.memory_space<hbm>>
      tpu.wait_indirect_dma semaphore(%arg20 : memref<!tpu.dma_semaphore, #tpu.memory_space<semaphore_mem>>) src(%dma_wait3A_725 : memref<10000x8xf32, #tpu.memory_space<hbm>>) dst(%arg12 : memref<80x8xf32, #tpu.memory_space<vmem>>)
      %dma_wait3A_726 = arith.constant 0 : i32
      %dma_wait3A_727 = arith.constant 0 : i32
      %dma_wait3A_728 = tpu.memref_slice %arg11[%rem3A_718, %dma_wait3A_726, %dma_wait3A_727] : memref<4x1x80xi32, #tpu.memory_space<vmem>> -> memref<1x1x80xi32, #tpu.memory_space<vmem>>
      %dma_wait3A_729 = tpu.memref_squeeze %dma_wait3A_728 : memref<1x1x80xi32, #tpu.memory_space<vmem>> -> memref<80xi32, #tpu.memory_space<vmem>>
      %dma_wait3A_730 = arith.constant 0 : i32
      %dma_wait3A_731 = arith.constant 0 : i32
      %dma_wait3A_732 = tpu.memref_slice %arg3[%dma_wait3A_730, %dma_wait3A_731] : memref<10000x8xf32, #tpu.memory_space<hbm>> -> memref<10000x8xf32, #tpu.memory_space<hbm>>
      tpu.wait_indirect_dma semaphore(%arg20 : memref<!tpu.dma_semaphore, #tpu.memory_space<semaphore_mem>>) src(%dma_wait3A_732 : memref<10000x8xf32, #tpu.memory_space<hbm>>) dst(%arg13 : memref<80x8xf32, #tpu.memory_space<vmem>>)
      %dma_wait3A_733 = arith.constant 0 : i32
      %dma_wait3A_734 = arith.constant 0 : i32
      %dma_wait3A_735 = arith.constant 0 : i32
      %dma_wait3A_736 = tpu.memref_slice %arg14[%rem3A_716, %dma_wait3A_734, %dma_wait3A_735] : memref<2x80x128xf32, #tpu.memory_space<vmem>> -> memref<1x80x128xf32, #tpu.memory_space<vmem>>
      %dma_wait3A_737 = tpu.memref_squeeze %dma_wait3A_736 : memref<1x80x128xf32, #tpu.memory_space<vmem>> -> memref<80x128xf32, #tpu.memory_space<vmem>>
      %dma_wait3A_738 = arith.constant 0 : i32
      %dma_wait3A_739 = tpu.memref_slice %arg10[%rem3A_718, %dma_wait3A_733, %dma_wait3A_738] : memref<4x1x80xi32, #tpu.memory_space<vmem>> -> memref<1x1x80xi32, #tpu.memory_space<vmem>>
      %dma_wait3A_740 = tpu.memref_squeeze %dma_wait3A_739 : memref<1x1x80xi32, #tpu.memory_space<vmem>> -> memref<80xi32, #tpu.memory_space<vmem>>
      %dma_wait3A_741 = arith.constant 0 : i32
      %dma_wait3A_742 = arith.constant 0 : i32
      %dma_wait3A_743 = tpu.memref_slice %arg2[%dma_wait3A_741, %dma_wait3A_742] : memref<10000x128xf32, #tpu.memory_space<hbm>> -> memref<10000x128xf32, #tpu.memory_space<hbm>>
      tpu.wait_indirect_dma semaphore(%arg20 : memref<!tpu.dma_semaphore, #tpu.memory_space<semaphore_mem>>) src(%dma_wait3A_743 : memref<10000x128xf32, #tpu.memory_space<hbm>>) dst(%dma_wait3A_737 : memref<80x128xf32, #tpu.memory_space<vmem>>)
      %ge3A = arith.constant 2 : i32
      %ge3A_744 = arith.cmpi sge, %add3A_714, %ge3A : i32
      %convert_element_type3A = arith.extui %ge3A_744 : i1 to i32
      %cond3A = arith.constant 0 : i32
      %cond3A_745 = arith.cmpi ne, %convert_element_type3A, %cond3A : i32
      scf.if %cond3A_745 {
        %add3A_1219 = arith.constant 2 : i32
        %add3A_1220 = arith.addi %add3A_714, %add3A_1219 : i32
        %rem3A_1221 = arith.constant 4 : i32
        %rem3A_1222 = arith.remsi %add3A_1220, %rem3A_1221 : i32
        %dma_wait3A_1223 = arith.constant 0 : i32
        %dma_wait3A_1224 = arith.constant 0 : i32
        %dma_wait3A_1225 = arith.constant 0 : i32
        %dma_wait3A_1226 = tpu.memref_slice %arg15[%rem3A_716, %dma_wait3A_1224, %dma_wait3A_1225] : memref<2x80x128xf32, #tpu.memory_space<vmem>> -> memref<1x80x128xf32, #tpu.memory_space<vmem>>
        %dma_wait3A_1227 = tpu.memref_squeeze %dma_wait3A_1226 : memref<1x80x128xf32, #tpu.memory_space<vmem>> -> memref<80x128xf32, #tpu.memory_space<vmem>>
        %dma_wait3A_1228 = arith.constant 0 : i32
        %dma_wait3A_1229 = tpu.memref_slice %arg11[%rem3A_1222, %dma_wait3A_1223, %dma_wait3A_1228] : memref<4x1x80xi32, #tpu.memory_space<vmem>> -> memref<1x1x80xi32, #tpu.memory_space<vmem>>
        %dma_wait3A_1230 = tpu.memref_squeeze %dma_wait3A_1229 : memref<1x1x80xi32, #tpu.memory_space<vmem>> -> memref<80xi32, #tpu.memory_space<vmem>>
        %dma_wait3A_1231 = arith.constant 0 : i32
        %dma_wait3A_1232 = arith.constant 0 : i32
        %dma_wait3A_1233 = tpu.memref_slice %arg8[%dma_wait3A_1231, %dma_wait3A_1232] : memref<10000x128xf32, #tpu.memory_space<vmem_shared>> -> memref<10000x128xf32, #tpu.memory_space<vmem_shared>>
        tpu.wait_indirect_dma semaphore(%arg21 : memref<!tpu.dma_semaphore, #tpu.memory_space<semaphore_mem>>) src(%dma_wait3A_1227 : memref<80x128xf32, #tpu.memory_space<vmem>>) dst(%dma_wait3A_1233 : memref<10000x128xf32, #tpu.memory_space<vmem_shared>>)
        %dma_wait3A_1234 = arith.constant 0 : i32
        %dma_wait3A_1235 = arith.constant 0 : i32
        %dma_wait3A_1236 = arith.constant 0 : i32
        %dma_wait3A_1237 = tpu.memref_slice %arg16[%rem3A_716, %dma_wait3A_1235, %dma_wait3A_1236] : memref<2x80x8xf32, #tpu.memory_space<vmem>> -> memref<1x80x8xf32, #tpu.memory_space<vmem>>
        %dma_wait3A_1238 = tpu.memref_squeeze %dma_wait3A_1237 : memref<1x80x8xf32, #tpu.memory_space<vmem>> -> memref<80x8xf32, #tpu.memory_space<vmem>>
        %dma_wait3A_1239 = arith.constant 0 : i32
        %dma_wait3A_1240 = tpu.memref_slice %arg11[%rem3A_1222, %dma_wait3A_1234, %dma_wait3A_1239] : memref<4x1x80xi32, #tpu.memory_space<vmem>> -> memref<1x1x80xi32, #tpu.memory_space<vmem>>
        %dma_wait3A_1241 = tpu.memref_squeeze %dma_wait3A_1240 : memref<1x1x80xi32, #tpu.memory_space<vmem>> -> memref<80xi32, #tpu.memory_space<vmem>>
        %dma_wait3A_1242 = arith.constant 0 : i32
        %dma_wait3A_1243 = arith.constant 0 : i32
        %dma_wait3A_1244 = tpu.memref_slice %arg9[%dma_wait3A_1242, %dma_wait3A_1243] : memref<10000x8xf32, #tpu.memory_space<vmem_shared>> -> memref<10000x8xf32, #tpu.memory_space<vmem_shared>>
        tpu.wait_indirect_dma semaphore(%arg21 : memref<!tpu.dma_semaphore, #tpu.memory_space<semaphore_mem>>) src(%dma_wait3A_1238 : memref<80x8xf32, #tpu.memory_space<vmem>>) dst(%dma_wait3A_1244 : memref<10000x8xf32, #tpu.memory_space<vmem_shared>>)
      } else {
      }
      %iota3A_746 = tpu.iota {dimensions = array<i32: 0>} : vector<16xi32>
      %add3A_747 = arith.constant 0 : i32
      %add3A_748 = vector.broadcast %add3A_747 : i32 to vector<16xi32>
      %add3A_749 = arith.addi %iota3A_746, %add3A_748 : vector<16xi32>
      %broadcast_in_dim3A_750 = arith.constant 0 : i32
      %broadcast_in_dim3A_751 = vector.broadcast %broadcast_in_dim3A_750 : i32 to vector<16xi32>
      %gather3A = tpu.vector_load_idx %arg12[%add3A_749, %broadcast_in_dim3A_751] : memref<80x8xf32, #tpu.memory_space<vmem>>[vector<16xi32>, vector<16xi32>], vector<16xf32>,
      %broadcast_in_dim3A_752 = arith.constant 4 : i32
      %broadcast_in_dim3A_753 = vector.broadcast %broadcast_in_dim3A_752 : i32 to vector<16xi32>
      %gather3A_754 = tpu.vector_load_idx %arg13[%add3A_749, %broadcast_in_dim3A_753] : memref<80x8xf32, #tpu.memory_space<vmem>>[vector<16xi32>, vector<16xi32>], vector<16xf32>,
      %add3A_755 = arith.addf %gather3A, %gather3A_754 : vector<16xf32>
      %ge3A_756 = arith.constant 0.000000e+00 : f32
      %ge3A_757 = vector.broadcast %ge3A_756 : f32 to vector<16xf32>
      %ge3A_758 = arith.cmpf oge, %add3A_755, %ge3A_757 : vector<16xf32>
      %mul3A_759 = arith.constant 2.000000e-01 : f32
      %mul3A_760 = vector.broadcast %mul3A_759 : f32 to vector<16xf32>
      %mul3A_761 = arith.mulf %mul3A_760, %add3A_755 : vector<16xf32>
      %select_n3A = arith.select %ge3A_758, %add3A_755, %mul3A_761 : vector<16xi1>, vector<16xf32>
      %broadcast_in_dim3A_762 = arith.constant 0 : i32
      %broadcast_in_dim3A_763 = vector.broadcast %broadcast_in_dim3A_762 : i32 to vector<16xi32>
      %exp3A = math.exp %select_n3A : vector<16xf32>
      %scatter3A_764 = arith.constant 0 : i32
      %scatter3A_765 = arith.constant 0 : i32
      %scatter3A_766 = tpu.memref_slice %arg16[%rem3A_716, %scatter3A_764, %scatter3A_765] : memref<2x80x8xf32, #tpu.memory_space<vmem>> -> memref<1x80x8xf32, #tpu.memory_space<vmem>>
      %scatter3A_767 = tpu.memref_squeeze %scatter3A_766 : memref<1x80x8xf32, #tpu.memory_space<vmem>> -> memref<80x8xf32, #tpu.memory_space<vmem>>
      tpu.vector_store_idx %scatter3A_767[%add3A_749, %broadcast_in_dim3A_763], %exp3A : memref<80x8xf32, #tpu.memory_space<vmem>>[vector<16xi32>, vector<16xi32>], vector<16xf32>,
      %broadcast_in_dim3A_768 = arith.constant 1 : i32
      %broadcast_in_dim3A_769 = vector.broadcast %broadcast_in_dim3A_768 : i32 to vector<16xi32>
      %gather3A_770 = tpu.vector_load_idx %arg12[%add3A_749, %broadcast_in_dim3A_769] : memref<80x8xf32, #tpu.memory_space<vmem>>[vector<16xi32>, vector<16xi32>], vector<16xf32>,
      %broadcast_in_dim3A_771 = arith.constant 5 : i32
      %broadcast_in_dim3A_772 = vector.broadcast %broadcast_in_dim3A_771 : i32 to vector<16xi32>
      %gather3A_773 = tpu.vector_load_idx %arg13[%add3A_749, %broadcast_in_dim3A_772] : memref<80x8xf32, #tpu.memory_space<vmem>>[vector<16xi32>, vector<16xi32>], vector<16xf32>,
      %add3A_774 = arith.addf %gather3A_770, %gather3A_773 : vector<16xf32>
      %ge3A_775 = arith.constant 0.000000e+00 : f32
      %ge3A_776 = vector.broadcast %ge3A_775 : f32 to vector<16xf32>
      %ge3A_777 = arith.cmpf oge, %add3A_774, %ge3A_776 : vector<16xf32>
      %mul3A_778 = arith.constant 2.000000e-01 : f32
      %mul3A_779 = vector.broadcast %mul3A_778 : f32 to vector<16xf32>
      %mul3A_780 = arith.mulf %mul3A_779, %add3A_774 : vector<16xf32>
      %select_n3A_781 = arith.select %ge3A_777, %add3A_774, %mul3A_780 : vector<16xi1>, vector<16xf32>
      %broadcast_in_dim3A_782 = arith.constant 1 : i32
      %broadcast_in_dim3A_783 = vector.broadcast %broadcast_in_dim3A_782 : i32 to vector<16xi32>
      %exp3A_784 = math.exp %select_n3A_781 : vector<16xf32>
      %scatter3A_785 = arith.constant 0 : i32
      %scatter3A_786 = arith.constant 0 : i32
      %scatter3A_787 = tpu.memref_slice %arg16[%rem3A_716, %scatter3A_785, %scatter3A_786] : memref<2x80x8xf32, #tpu.memory_space<vmem>> -> memref<1x80x8xf32, #tpu.memory_space<vmem>>
      %scatter3A_788 = tpu.memref_squeeze %scatter3A_787 : memref<1x80x8xf32, #tpu.memory_space<vmem>> -> memref<80x8xf32, #tpu.memory_space<vmem>>
      tpu.vector_store_idx %scatter3A_788[%add3A_749, %broadcast_in_dim3A_783], %exp3A_784 : memref<80x8xf32, #tpu.memory_space<vmem>>[vector<16xi32>, vector<16xi32>], vector<16xf32>,
      %broadcast_in_dim3A_789 = arith.constant 2 : i32
      %broadcast_in_dim3A_790 = vector.broadcast %broadcast_in_dim3A_789 : i32 to vector<16xi32>
      %gather3A_791 = tpu.vector_load_idx %arg12[%add3A_749, %broadcast_in_dim3A_790] : memref<80x8xf32, #tpu.memory_space<vmem>>[vector<16xi32>, vector<16xi32>], vector<16xf32>,
      %broadcast_in_dim3A_792 = arith.constant 6 : i32
      %broadcast_in_dim3A_793 = vector.broadcast %broadcast_in_dim3A_792 : i32 to vector<16xi32>
      %gather3A_794 = tpu.vector_load_idx %arg13[%add3A_749, %broadcast_in_dim3A_793] : memref<80x8xf32, #tpu.memory_space<vmem>>[vector<16xi32>, vector<16xi32>], vector<16xf32>,
      %add3A_795 = arith.addf %gather3A_791, %gather3A_794 : vector<16xf32>
      %ge3A_796 = arith.constant 0.000000e+00 : f32
      %ge3A_797 = vector.broadcast %ge3A_796 : f32 to vector<16xf32>
      %ge3A_798 = arith.cmpf oge, %add3A_795, %ge3A_797 : vector<16xf32>
      %mul3A_799 = arith.constant 2.000000e-01 : f32
      %mul3A_800 = vector.broadcast %mul3A_799 : f32 to vector<16xf32>
      %mul3A_801 = arith.mulf %mul3A_800, %add3A_795 : vector<16xf32>
      %select_n3A_802 = arith.select %ge3A_798, %add3A_795, %mul3A_801 : vector<16xi1>, vector<16xf32>
      %broadcast_in_dim3A_803 = arith.constant 2 : i32
      %broadcast_in_dim3A_804 = vector.broadcast %broadcast_in_dim3A_803 : i32 to vector<16xi32>
      %exp3A_805 = math.exp %select_n3A_802 : vector<16xf32>
      %scatter3A_806 = arith.constant 0 : i32
      %scatter3A_807 = arith.constant 0 : i32
      %scatter3A_808 = tpu.memref_slice %arg16[%rem3A_716, %scatter3A_806, %scatter3A_807] : memref<2x80x8xf32, #tpu.memory_space<vmem>> -> memref<1x80x8xf32, #tpu.memory_space<vmem>>
      %scatter3A_809 = tpu.memref_squeeze %scatter3A_808 : memref<1x80x8xf32, #tpu.memory_space<vmem>> -> memref<80x8xf32, #tpu.memory_space<vmem>>
      tpu.vector_store_idx %scatter3A_809[%add3A_749, %broadcast_in_dim3A_804], %exp3A_805 : memref<80x8xf32, #tpu.memory_space<vmem>>[vector<16xi32>, vector<16xi32>], vector<16xf32>,
      %broadcast_in_dim3A_810 = arith.constant 3 : i32
      %broadcast_in_dim3A_811 = vector.broadcast %broadcast_in_dim3A_810 : i32 to vector<16xi32>
      %gather3A_812 = tpu.vector_load_idx %arg12[%add3A_749, %broadcast_in_dim3A_811] : memref<80x8xf32, #tpu.memory_space<vmem>>[vector<16xi32>, vector<16xi32>], vector<16xf32>,
      %broadcast_in_dim3A_813 = arith.constant 7 : i32
      %broadcast_in_dim3A_814 = vector.broadcast %broadcast_in_dim3A_813 : i32 to vector<16xi32>
      %gather3A_815 = tpu.vector_load_idx %arg13[%add3A_749, %broadcast_in_dim3A_814] : memref<80x8xf32, #tpu.memory_space<vmem>>[vector<16xi32>, vector<16xi32>], vector<16xf32>,
      %add3A_816 = arith.addf %gather3A_812, %gather3A_815 : vector<16xf32>
      %ge3A_817 = arith.constant 0.000000e+00 : f32
      %ge3A_818 = vector.broadcast %ge3A_817 : f32 to vector<16xf32>
      %ge3A_819 = arith.cmpf oge, %add3A_816, %ge3A_818 : vector<16xf32>
      %mul3A_820 = arith.constant 2.000000e-01 : f32
      %mul3A_821 = vector.broadcast %mul3A_820 : f32 to vector<16xf32>
      %mul3A_822 = arith.mulf %mul3A_821, %add3A_816 : vector<16xf32>
      %select_n3A_823 = arith.select %ge3A_819, %add3A_816, %mul3A_822 : vector<16xi1>, vector<16xf32>
      %broadcast_in_dim3A_824 = arith.constant 3 : i32
      %broadcast_in_dim3A_825 = vector.broadcast %broadcast_in_dim3A_824 : i32 to vector<16xi32>
      %exp3A_826 = math.exp %select_n3A_823 : vector<16xf32>
      %scatter3A_827 = arith.constant 0 : i32
      %scatter3A_828 = arith.constant 0 : i32
      %scatter3A_829 = tpu.memref_slice %arg16[%rem3A_716, %scatter3A_827, %scatter3A_828] : memref<2x80x8xf32, #tpu.memory_space<vmem>> -> memref<1x80x8xf32, #tpu.memory_space<vmem>>
      %scatter3A_830 = tpu.memref_squeeze %scatter3A_829 : memref<1x80x8xf32, #tpu.memory_space<vmem>> -> memref<80x8xf32, #tpu.memory_space<vmem>>
      tpu.vector_store_idx %scatter3A_830[%add3A_749, %broadcast_in_dim3A_825], %exp3A_826 : memref<80x8xf32, #tpu.memory_space<vmem>>[vector<16xi32>, vector<16xi32>], vector<16xf32>,
      %iota3A_831 = tpu.iota {dimensions = array<i32: 0>} : vector<16xi32>
      %add3A_832 = arith.constant 16 : i32
      %add3A_833 = vector.broadcast %add3A_832 : i32 to vector<16xi32>
      %add3A_834 = arith.addi %iota3A_831, %add3A_833 : vector<16xi32>
      %broadcast_in_dim3A_835 = arith.constant 0 : i32
      %broadcast_in_dim3A_836 = vector.broadcast %broadcast_in_dim3A_835 : i32 to vector<16xi32>
      %gather3A_837 = tpu.vector_load_idx %arg12[%add3A_834, %broadcast_in_dim3A_836] : memref<80x8xf32, #tpu.memory_space<vmem>>[vector<16xi32>, vector<16xi32>], vector<16xf32>,
      %broadcast_in_dim3A_838 = arith.constant 4 : i32
      %broadcast_in_dim3A_839 = vector.broadcast %broadcast_in_dim3A_838 : i32 to vector<16xi32>
      %gather3A_840 = tpu.vector_load_idx %arg13[%add3A_834, %broadcast_in_dim3A_839] : memref<80x8xf32, #tpu.memory_space<vmem>>[vector<16xi32>, vector<16xi32>], vector<16xf32>,
      %add3A_841 = arith.addf %gather3A_837, %gather3A_840 : vector<16xf32>
      %ge3A_842 = arith.constant 0.000000e+00 : f32
      %ge3A_843 = vector.broadcast %ge3A_842 : f32 to vector<16xf32>
      %ge3A_844 = arith.cmpf oge, %add3A_841, %ge3A_843 : vector<16xf32>
      %mul3A_845 = arith.constant 2.000000e-01 : f32
      %mul3A_846 = vector.broadcast %mul3A_845 : f32 to vector<16xf32>
      %mul3A_847 = arith.mulf %mul3A_846, %add3A_841 : vector<16xf32>
      %select_n3A_848 = arith.select %ge3A_844, %add3A_841, %mul3A_847 : vector<16xi1>, vector<16xf32>
      %broadcast_in_dim3A_849 = arith.constant 0 : i32
      %broadcast_in_dim3A_850 = vector.broadcast %broadcast_in_dim3A_849 : i32 to vector<16xi32>
      %exp3A_851 = math.exp %select_n3A_848 : vector<16xf32>
      %scatter3A_852 = arith.constant 0 : i32
      %scatter3A_853 = arith.constant 0 : i32
      %scatter3A_854 = tpu.memref_slice %arg16[%rem3A_716, %scatter3A_852, %scatter3A_853] : memref<2x80x8xf32, #tpu.memory_space<vmem>> -> memref<1x80x8xf32, #tpu.memory_space<vmem>>
      %scatter3A_855 = tpu.memref_squeeze %scatter3A_854 : memref<1x80x8xf32, #tpu.memory_space<vmem>> -> memref<80x8xf32, #tpu.memory_space<vmem>>
      tpu.vector_store_idx %scatter3A_855[%add3A_834, %broadcast_in_dim3A_850], %exp3A_851 : memref<80x8xf32, #tpu.memory_space<vmem>>[vector<16xi32>, vector<16xi32>], vector<16xf32>,
      %broadcast_in_dim3A_856 = arith.constant 1 : i32
      %broadcast_in_dim3A_857 = vector.broadcast %broadcast_in_dim3A_856 : i32 to vector<16xi32>
      %gather3A_858 = tpu.vector_load_idx %arg12[%add3A_834, %broadcast_in_dim3A_857] : memref<80x8xf32, #tpu.memory_space<vmem>>[vector<16xi32>, vector<16xi32>], vector<16xf32>,
      %broadcast_in_dim3A_859 = arith.constant 5 : i32
      %broadcast_in_dim3A_860 = vector.broadcast %broadcast_in_dim3A_859 : i32 to vector<16xi32>
      %gather3A_861 = tpu.vector_load_idx %arg13[%add3A_834, %broadcast_in_dim3A_860] : memref<80x8xf32, #tpu.memory_space<vmem>>[vector<16xi32>, vector<16xi32>], vector<16xf32>,
      %add3A_862 = arith.addf %gather3A_858, %gather3A_861 : vector<16xf32>
      %ge3A_863 = arith.constant 0.000000e+00 : f32
      %ge3A_864 = vector.broadcast %ge3A_863 : f32 to vector<16xf32>
      %ge3A_865 = arith.cmpf oge, %add3A_862, %ge3A_864 : vector<16xf32>
      %mul3A_866 = arith.constant 2.000000e-01 : f32
      %mul3A_867 = vector.broadcast %mul3A_866 : f32 to vector<16xf32>
      %mul3A_868 = arith.mulf %mul3A_867, %add3A_862 : vector<16xf32>
      %select_n3A_869 = arith.select %ge3A_865, %add3A_862, %mul3A_868 : vector<16xi1>, vector<16xf32>
      %broadcast_in_dim3A_870 = arith.constant 1 : i32
      %broadcast_in_dim3A_871 = vector.broadcast %broadcast_in_dim3A_870 : i32 to vector<16xi32>
      %exp3A_872 = math.exp %select_n3A_869 : vector<16xf32>
      %scatter3A_873 = arith.constant 0 : i32
      %scatter3A_874 = arith.constant 0 : i32
      %scatter3A_875 = tpu.memref_slice %arg16[%rem3A_716, %scatter3A_873, %scatter3A_874] : memref<2x80x8xf32, #tpu.memory_space<vmem>> -> memref<1x80x8xf32, #tpu.memory_space<vmem>>
      %scatter3A_876 = tpu.memref_squeeze %scatter3A_875 : memref<1x80x8xf32, #tpu.memory_space<vmem>> -> memref<80x8xf32, #tpu.memory_space<vmem>>
      tpu.vector_store_idx %scatter3A_876[%add3A_834, %broadcast_in_dim3A_871], %exp3A_872 : memref<80x8xf32, #tpu.memory_space<vmem>>[vector<16xi32>, vector<16xi32>], vector<16xf32>,
      %broadcast_in_dim3A_877 = arith.constant 2 : i32
      %broadcast_in_dim3A_878 = vector.broadcast %broadcast_in_dim3A_877 : i32 to vector<16xi32>
      %gather3A_879 = tpu.vector_load_idx %arg12[%add3A_834, %broadcast_in_dim3A_878] : memref<80x8xf32, #tpu.memory_space<vmem>>[vector<16xi32>, vector<16xi32>], vector<16xf32>,
      %broadcast_in_dim3A_880 = arith.constant 6 : i32
      %broadcast_in_dim3A_881 = vector.broadcast %broadcast_in_dim3A_880 : i32 to vector<16xi32>
      %gather3A_882 = tpu.vector_load_idx %arg13[%add3A_834, %broadcast_in_dim3A_881] : memref<80x8xf32, #tpu.memory_space<vmem>>[vector<16xi32>, vector<16xi32>], vector<16xf32>,
      %add3A_883 = arith.addf %gather3A_879, %gather3A_882 : vector<16xf32>
      %ge3A_884 = arith.constant 0.000000e+00 : f32
      %ge3A_885 = vector.broadcast %ge3A_884 : f32 to vector<16xf32>
      %ge3A_886 = arith.cmpf oge, %add3A_883, %ge3A_885 : vector<16xf32>
      %mul3A_887 = arith.constant 2.000000e-01 : f32
      %mul3A_888 = vector.broadcast %mul3A_887 : f32 to vector<16xf32>
      %mul3A_889 = arith.mulf %mul3A_888, %add3A_883 : vector<16xf32>
      %select_n3A_890 = arith.select %ge3A_886, %add3A_883, %mul3A_889 : vector<16xi1>, vector<16xf32>
      %broadcast_in_dim3A_891 = arith.constant 2 : i32
      %broadcast_in_dim3A_892 = vector.broadcast %broadcast_in_dim3A_891 : i32 to vector<16xi32>
      %exp3A_893 = math.exp %select_n3A_890 : vector<16xf32>
      %scatter3A_894 = arith.constant 0 : i32
      %scatter3A_895 = arith.constant 0 : i32
      %scatter3A_896 = tpu.memref_slice %arg16[%rem3A_716, %scatter3A_894, %scatter3A_895] : memref<2x80x8xf32, #tpu.memory_space<vmem>> -> memref<1x80x8xf32, #tpu.memory_space<vmem>>
      %scatter3A_897 = tpu.memref_squeeze %scatter3A_896 : memref<1x80x8xf32, #tpu.memory_space<vmem>> -> memref<80x8xf32, #tpu.memory_space<vmem>>
      tpu.vector_store_idx %scatter3A_897[%add3A_834, %broadcast_in_dim3A_892], %exp3A_893 : memref<80x8xf32, #tpu.memory_space<vmem>>[vector<16xi32>, vector<16xi32>], vector<16xf32>,
      %broadcast_in_dim3A_898 = arith.constant 3 : i32
      %broadcast_in_dim3A_899 = vector.broadcast %broadcast_in_dim3A_898 : i32 to vector<16xi32>
      %gather3A_900 = tpu.vector_load_idx %arg12[%add3A_834, %broadcast_in_dim3A_899] : memref<80x8xf32, #tpu.memory_space<vmem>>[vector<16xi32>, vector<16xi32>], vector<16xf32>,
      %broadcast_in_dim3A_901 = arith.constant 7 : i32
      %broadcast_in_dim3A_902 = vector.broadcast %broadcast_in_dim3A_901 : i32 to vector<16xi32>
      %gather3A_903 = tpu.vector_load_idx %arg13[%add3A_834, %broadcast_in_dim3A_902] : memref<80x8xf32, #tpu.memory_space<vmem>>[vector<16xi32>, vector<16xi32>], vector<16xf32>,
      %add3A_904 = arith.addf %gather3A_900, %gather3A_903 : vector<16xf32>
      %ge3A_905 = arith.constant 0.000000e+00 : f32
      %ge3A_906 = vector.broadcast %ge3A_905 : f32 to vector<16xf32>
      %ge3A_907 = arith.cmpf oge, %add3A_904, %ge3A_906 : vector<16xf32>
      %mul3A_908 = arith.constant 2.000000e-01 : f32
      %mul3A_909 = vector.broadcast %mul3A_908 : f32 to vector<16xf32>
      %mul3A_910 = arith.mulf %mul3A_909, %add3A_904 : vector<16xf32>
      %select_n3A_911 = arith.select %ge3A_907, %add3A_904, %mul3A_910 : vector<16xi1>, vector<16xf32>
      %broadcast_in_dim3A_912 = arith.constant 3 : i32
      %broadcast_in_dim3A_913 = vector.broadcast %broadcast_in_dim3A_912 : i32 to vector<16xi32>
      %exp3A_914 = math.exp %select_n3A_911 : vector<16xf32>
      %scatter3A_915 = arith.constant 0 : i32
      %scatter3A_916 = arith.constant 0 : i32
      %scatter3A_917 = tpu.memref_slice %arg16[%rem3A_716, %scatter3A_915, %scatter3A_916] : memref<2x80x8xf32, #tpu.memory_space<vmem>> -> memref<1x80x8xf32, #tpu.memory_space<vmem>>
      %scatter3A_918 = tpu.memref_squeeze %scatter3A_917 : memref<1x80x8xf32, #tpu.memory_space<vmem>> -> memref<80x8xf32, #tpu.memory_space<vmem>>
      tpu.vector_store_idx %scatter3A_918[%add3A_834, %broadcast_in_dim3A_913], %exp3A_914 : memref<80x8xf32, #tpu.memory_space<vmem>>[vector<16xi32>, vector<16xi32>], vector<16xf32>,
      %iota3A_919 = tpu.iota {dimensions = array<i32: 0>} : vector<16xi32>
      %add3A_920 = arith.constant 32 : i32
      %add3A_921 = vector.broadcast %add3A_920 : i32 to vector<16xi32>
      %add3A_922 = arith.addi %iota3A_919, %add3A_921 : vector<16xi32>
      %broadcast_in_dim3A_923 = arith.constant 0 : i32
      %broadcast_in_dim3A_924 = vector.broadcast %broadcast_in_dim3A_923 : i32 to vector<16xi32>
      %gather3A_925 = tpu.vector_load_idx %arg12[%add3A_922, %broadcast_in_dim3A_924] : memref<80x8xf32, #tpu.memory_space<vmem>>[vector<16xi32>, vector<16xi32>], vector<16xf32>,
      %broadcast_in_dim3A_926 = arith.constant 4 : i32
      %broadcast_in_dim3A_927 = vector.broadcast %broadcast_in_dim3A_926 : i32 to vector<16xi32>
      %gather3A_928 = tpu.vector_load_idx %arg13[%add3A_922, %broadcast_in_dim3A_927] : memref<80x8xf32, #tpu.memory_space<vmem>>[vector<16xi32>, vector<16xi32>], vector<16xf32>,
      %add3A_929 = arith.addf %gather3A_925, %gather3A_928 : vector<16xf32>
      %ge3A_930 = arith.constant 0.000000e+00 : f32
      %ge3A_931 = vector.broadcast %ge3A_930 : f32 to vector<16xf32>
      %ge3A_932 = arith.cmpf oge, %add3A_929, %ge3A_931 : vector<16xf32>
      %mul3A_933 = arith.constant 2.000000e-01 : f32
      %mul3A_934 = vector.broadcast %mul3A_933 : f32 to vector<16xf32>
      %mul3A_935 = arith.mulf %mul3A_934, %add3A_929 : vector<16xf32>
      %select_n3A_936 = arith.select %ge3A_932, %add3A_929, %mul3A_935 : vector<16xi1>, vector<16xf32>
      %broadcast_in_dim3A_937 = arith.constant 0 : i32
      %broadcast_in_dim3A_938 = vector.broadcast %broadcast_in_dim3A_937 : i32 to vector<16xi32>
      %exp3A_939 = math.exp %select_n3A_936 : vector<16xf32>
      %scatter3A_940 = arith.constant 0 : i32
      %scatter3A_941 = arith.constant 0 : i32
      %scatter3A_942 = tpu.memref_slice %arg16[%rem3A_716, %scatter3A_940, %scatter3A_941] : memref<2x80x8xf32, #tpu.memory_space<vmem>> -> memref<1x80x8xf32, #tpu.memory_space<vmem>>
      %scatter3A_943 = tpu.memref_squeeze %scatter3A_942 : memref<1x80x8xf32, #tpu.memory_space<vmem>> -> memref<80x8xf32, #tpu.memory_space<vmem>>
      tpu.vector_store_idx %scatter3A_943[%add3A_922, %broadcast_in_dim3A_938], %exp3A_939 : memref<80x8xf32, #tpu.memory_space<vmem>>[vector<16xi32>, vector<16xi32>], vector<16xf32>,
      %broadcast_in_dim3A_944 = arith.constant 1 : i32
      %broadcast_in_dim3A_945 = vector.broadcast %broadcast_in_dim3A_944 : i32 to vector<16xi32>
      %gather3A_946 = tpu.vector_load_idx %arg12[%add3A_922, %broadcast_in_dim3A_945] : memref<80x8xf32, #tpu.memory_space<vmem>>[vector<16xi32>, vector<16xi32>], vector<16xf32>,
      %broadcast_in_dim3A_947 = arith.constant 5 : i32
      %broadcast_in_dim3A_948 = vector.broadcast %broadcast_in_dim3A_947 : i32 to vector<16xi32>
      %gather3A_949 = tpu.vector_load_idx %arg13[%add3A_922, %broadcast_in_dim3A_948] : memref<80x8xf32, #tpu.memory_space<vmem>>[vector<16xi32>, vector<16xi32>], vector<16xf32>,
      %add3A_950 = arith.addf %gather3A_946, %gather3A_949 : vector<16xf32>
      %ge3A_951 = arith.constant 0.000000e+00 : f32
      %ge3A_952 = vector.broadcast %ge3A_951 : f32 to vector<16xf32>
      %ge3A_953 = arith.cmpf oge, %add3A_950, %ge3A_952 : vector<16xf32>
      %mul3A_954 = arith.constant 2.000000e-01 : f32
      %mul3A_955 = vector.broadcast %mul3A_954 : f32 to vector<16xf32>
      %mul3A_956 = arith.mulf %mul3A_955, %add3A_950 : vector<16xf32>
      %select_n3A_957 = arith.select %ge3A_953, %add3A_950, %mul3A_956 : vector<16xi1>, vector<16xf32>
      %broadcast_in_dim3A_958 = arith.constant 1 : i32
      %broadcast_in_dim3A_959 = vector.broadcast %broadcast_in_dim3A_958 : i32 to vector<16xi32>
      %exp3A_960 = math.exp %select_n3A_957 : vector<16xf32>
      %scatter3A_961 = arith.constant 0 : i32
      %scatter3A_962 = arith.constant 0 : i32
      %scatter3A_963 = tpu.memref_slice %arg16[%rem3A_716, %scatter3A_961, %scatter3A_962] : memref<2x80x8xf32, #tpu.memory_space<vmem>> -> memref<1x80x8xf32, #tpu.memory_space<vmem>>
      %scatter3A_964 = tpu.memref_squeeze %scatter3A_963 : memref<1x80x8xf32, #tpu.memory_space<vmem>> -> memref<80x8xf32, #tpu.memory_space<vmem>>
      tpu.vector_store_idx %scatter3A_964[%add3A_922, %broadcast_in_dim3A_959], %exp3A_960 : memref<80x8xf32, #tpu.memory_space<vmem>>[vector<16xi32>, vector<16xi32>], vector<16xf32>,
      %broadcast_in_dim3A_965 = arith.constant 2 : i32
      %broadcast_in_dim3A_966 = vector.broadcast %broadcast_in_dim3A_965 : i32 to vector<16xi32>
      %gather3A_967 = tpu.vector_load_idx %arg12[%add3A_922, %broadcast_in_dim3A_966] : memref<80x8xf32, #tpu.memory_space<vmem>>[vector<16xi32>, vector<16xi32>], vector<16xf32>,
      %broadcast_in_dim3A_968 = arith.constant 6 : i32
      %broadcast_in_dim3A_969 = vector.broadcast %broadcast_in_dim3A_968 : i32 to vector<16xi32>
      %gather3A_970 = tpu.vector_load_idx %arg13[%add3A_922, %broadcast_in_dim3A_969] : memref<80x8xf32, #tpu.memory_space<vmem>>[vector<16xi32>, vector<16xi32>], vector<16xf32>,
      %add3A_971 = arith.addf %gather3A_967, %gather3A_970 : vector<16xf32>
      %ge3A_972 = arith.constant 0.000000e+00 : f32
      %ge3A_973 = vector.broadcast %ge3A_972 : f32 to vector<16xf32>
      %ge3A_974 = arith.cmpf oge, %add3A_971, %ge3A_973 : vector<16xf32>
      %mul3A_975 = arith.constant 2.000000e-01 : f32
      %mul3A_976 = vector.broadcast %mul3A_975 : f32 to vector<16xf32>
      %mul3A_977 = arith.mulf %mul3A_976, %add3A_971 : vector<16xf32>
      %select_n3A_978 = arith.select %ge3A_974, %add3A_971, %mul3A_977 : vector<16xi1>, vector<16xf32>
      %broadcast_in_dim3A_979 = arith.constant 2 : i32
      %broadcast_in_dim3A_980 = vector.broadcast %broadcast_in_dim3A_979 : i32 to vector<16xi32>
      %exp3A_981 = math.exp %select_n3A_978 : vector<16xf32>
      %scatter3A_982 = arith.constant 0 : i32
      %scatter3A_983 = arith.constant 0 : i32
      %scatter3A_984 = tpu.memref_slice %arg16[%rem3A_716, %scatter3A_982, %scatter3A_983] : memref<2x80x8xf32, #tpu.memory_space<vmem>> -> memref<1x80x8xf32, #tpu.memory_space<vmem>>
      %scatter3A_985 = tpu.memref_squeeze %scatter3A_984 : memref<1x80x8xf32, #tpu.memory_space<vmem>> -> memref<80x8xf32, #tpu.memory_space<vmem>>
      tpu.vector_store_idx %scatter3A_985[%add3A_922, %broadcast_in_dim3A_980], %exp3A_981 : memref<80x8xf32, #tpu.memory_space<vmem>>[vector<16xi32>, vector<16xi32>], vector<16xf32>,
      %broadcast_in_dim3A_986 = arith.constant 3 : i32
      %broadcast_in_dim3A_987 = vector.broadcast %broadcast_in_dim3A_986 : i32 to vector<16xi32>
      %gather3A_988 = tpu.vector_load_idx %arg12[%add3A_922, %broadcast_in_dim3A_987] : memref<80x8xf32, #tpu.memory_space<vmem>>[vector<16xi32>, vector<16xi32>], vector<16xf32>,
      %broadcast_in_dim3A_989 = arith.constant 7 : i32
      %broadcast_in_dim3A_990 = vector.broadcast %broadcast_in_dim3A_989 : i32 to vector<16xi32>
      %gather3A_991 = tpu.vector_load_idx %arg13[%add3A_922, %broadcast_in_dim3A_990] : memref<80x8xf32, #tpu.memory_space<vmem>>[vector<16xi32>, vector<16xi32>], vector<16xf32>,
      %add3A_992 = arith.addf %gather3A_988, %gather3A_991 : vector<16xf32>
      %ge3A_993 = arith.constant 0.000000e+00 : f32
      %ge3A_994 = vector.broadcast %ge3A_993 : f32 to vector<16xf32>
      %ge3A_995 = arith.cmpf oge, %add3A_992, %ge3A_994 : vector<16xf32>
      %mul3A_996 = arith.constant 2.000000e-01 : f32
      %mul3A_997 = vector.broadcast %mul3A_996 : f32 to vector<16xf32>
      %mul3A_998 = arith.mulf %mul3A_997, %add3A_992 : vector<16xf32>
      %select_n3A_999 = arith.select %ge3A_995, %add3A_992, %mul3A_998 : vector<16xi1>, vector<16xf32>
      %broadcast_in_dim3A_1000 = arith.constant 3 : i32
      %broadcast_in_dim3A_1001 = vector.broadcast %broadcast_in_dim3A_1000 : i32 to vector<16xi32>
      %exp3A_1002 = math.exp %select_n3A_999 : vector<16xf32>
      %scatter3A_1003 = arith.constant 0 : i32
      %scatter3A_1004 = arith.constant 0 : i32
      %scatter3A_1005 = tpu.memref_slice %arg16[%rem3A_716, %scatter3A_1003, %scatter3A_1004] : memref<2x80x8xf32, #tpu.memory_space<vmem>> -> memref<1x80x8xf32, #tpu.memory_space<vmem>>
      %scatter3A_1006 = tpu.memref_squeeze %scatter3A_1005 : memref<1x80x8xf32, #tpu.memory_space<vmem>> -> memref<80x8xf32, #tpu.memory_space<vmem>>
      tpu.vector_store_idx %scatter3A_1006[%add3A_922, %broadcast_in_dim3A_1001], %exp3A_1002 : memref<80x8xf32, #tpu.memory_space<vmem>>[vector<16xi32>, vector<16xi32>], vector<16xf32>,
      %iota3A_1007 = tpu.iota {dimensions = array<i32: 0>} : vector<16xi32>
      %add3A_1008 = arith.constant 48 : i32
      %add3A_1009 = vector.broadcast %add3A_1008 : i32 to vector<16xi32>
      %add3A_1010 = arith.addi %iota3A_1007, %add3A_1009 : vector<16xi32>
      %broadcast_in_dim3A_1011 = arith.constant 0 : i32
      %broadcast_in_dim3A_1012 = vector.broadcast %broadcast_in_dim3A_1011 : i32 to vector<16xi32>
      %gather3A_1013 = tpu.vector_load_idx %arg12[%add3A_1010, %broadcast_in_dim3A_1012] : memref<80x8xf32, #tpu.memory_space<vmem>>[vector<16xi32>, vector<16xi32>], vector<16xf32>,
      %broadcast_in_dim3A_1014 = arith.constant 4 : i32
      %broadcast_in_dim3A_1015 = vector.broadcast %broadcast_in_dim3A_1014 : i32 to vector<16xi32>
      %gather3A_1016 = tpu.vector_load_idx %arg13[%add3A_1010, %broadcast_in_dim3A_1015] : memref<80x8xf32, #tpu.memory_space<vmem>>[vector<16xi32>, vector<16xi32>], vector<16xf32>,
      %add3A_1017 = arith.addf %gather3A_1013, %gather3A_1016 : vector<16xf32>
      %ge3A_1018 = arith.constant 0.000000e+00 : f32
      %ge3A_1019 = vector.broadcast %ge3A_1018 : f32 to vector<16xf32>
      %ge3A_1020 = arith.cmpf oge, %add3A_1017, %ge3A_1019 : vector<16xf32>
      %mul3A_1021 = arith.constant 2.000000e-01 : f32
      %mul3A_1022 = vector.broadcast %mul3A_1021 : f32 to vector<16xf32>
      %mul3A_1023 = arith.mulf %mul3A_1022, %add3A_1017 : vector<16xf32>
      %select_n3A_1024 = arith.select %ge3A_1020, %add3A_1017, %mul3A_1023 : vector<16xi1>, vector<16xf32>
      %broadcast_in_dim3A_1025 = arith.constant 0 : i32
      %broadcast_in_dim3A_1026 = vector.broadcast %broadcast_in_dim3A_1025 : i32 to vector<16xi32>
      %exp3A_1027 = math.exp %select_n3A_1024 : vector<16xf32>
      %scatter3A_1028 = arith.constant 0 : i32
      %scatter3A_1029 = arith.constant 0 : i32
      %scatter3A_1030 = tpu.memref_slice %arg16[%rem3A_716, %scatter3A_1028, %scatter3A_1029] : memref<2x80x8xf32, #tpu.memory_space<vmem>> -> memref<1x80x8xf32, #tpu.memory_space<vmem>>
      %scatter3A_1031 = tpu.memref_squeeze %scatter3A_1030 : memref<1x80x8xf32, #tpu.memory_space<vmem>> -> memref<80x8xf32, #tpu.memory_space<vmem>>
      tpu.vector_store_idx %scatter3A_1031[%add3A_1010, %broadcast_in_dim3A_1026], %exp3A_1027 : memref<80x8xf32, #tpu.memory_space<vmem>>[vector<16xi32>, vector<16xi32>], vector<16xf32>,
      %broadcast_in_dim3A_1032 = arith.constant 1 : i32
      %broadcast_in_dim3A_1033 = vector.broadcast %broadcast_in_dim3A_1032 : i32 to vector<16xi32>
      %gather3A_1034 = tpu.vector_load_idx %arg12[%add3A_1010, %broadcast_in_dim3A_1033] : memref<80x8xf32, #tpu.memory_space<vmem>>[vector<16xi32>, vector<16xi32>], vector<16xf32>,
      %broadcast_in_dim3A_1035 = arith.constant 5 : i32
      %broadcast_in_dim3A_1036 = vector.broadcast %broadcast_in_dim3A_1035 : i32 to vector<16xi32>
      %gather3A_1037 = tpu.vector_load_idx %arg13[%add3A_1010, %broadcast_in_dim3A_1036] : memref<80x8xf32, #tpu.memory_space<vmem>>[vector<16xi32>, vector<16xi32>], vector<16xf32>,
      %add3A_1038 = arith.addf %gather3A_1034, %gather3A_1037 : vector<16xf32>
      %ge3A_1039 = arith.constant 0.000000e+00 : f32
      %ge3A_1040 = vector.broadcast %ge3A_1039 : f32 to vector<16xf32>
      %ge3A_1041 = arith.cmpf oge, %add3A_1038, %ge3A_1040 : vector<16xf32>
      %mul3A_1042 = arith.constant 2.000000e-01 : f32
      %mul3A_1043 = vector.broadcast %mul3A_1042 : f32 to vector<16xf32>
      %mul3A_1044 = arith.mulf %mul3A_1043, %add3A_1038 : vector<16xf32>
      %select_n3A_1045 = arith.select %ge3A_1041, %add3A_1038, %mul3A_1044 : vector<16xi1>, vector<16xf32>
      %broadcast_in_dim3A_1046 = arith.constant 1 : i32
      %broadcast_in_dim3A_1047 = vector.broadcast %broadcast_in_dim3A_1046 : i32 to vector<16xi32>
      %exp3A_1048 = math.exp %select_n3A_1045 : vector<16xf32>
      %scatter3A_1049 = arith.constant 0 : i32
      %scatter3A_1050 = arith.constant 0 : i32
      %scatter3A_1051 = tpu.memref_slice %arg16[%rem3A_716, %scatter3A_1049, %scatter3A_1050] : memref<2x80x8xf32, #tpu.memory_space<vmem>> -> memref<1x80x8xf32, #tpu.memory_space<vmem>>
      %scatter3A_1052 = tpu.memref_squeeze %scatter3A_1051 : memref<1x80x8xf32, #tpu.memory_space<vmem>> -> memref<80x8xf32, #tpu.memory_space<vmem>>
      tpu.vector_store_idx %scatter3A_1052[%add3A_1010, %broadcast_in_dim3A_1047], %exp3A_1048 : memref<80x8xf32, #tpu.memory_space<vmem>>[vector<16xi32>, vector<16xi32>], vector<16xf32>,
      %broadcast_in_dim3A_1053 = arith.constant 2 : i32
      %broadcast_in_dim3A_1054 = vector.broadcast %broadcast_in_dim3A_1053 : i32 to vector<16xi32>
      %gather3A_1055 = tpu.vector_load_idx %arg12[%add3A_1010, %broadcast_in_dim3A_1054] : memref<80x8xf32, #tpu.memory_space<vmem>>[vector<16xi32>, vector<16xi32>], vector<16xf32>,
      %broadcast_in_dim3A_1056 = arith.constant 6 : i32
      %broadcast_in_dim3A_1057 = vector.broadcast %broadcast_in_dim3A_1056 : i32 to vector<16xi32>
      %gather3A_1058 = tpu.vector_load_idx %arg13[%add3A_1010, %broadcast_in_dim3A_1057] : memref<80x8xf32, #tpu.memory_space<vmem>>[vector<16xi32>, vector<16xi32>], vector<16xf32>,
      %add3A_1059 = arith.addf %gather3A_1055, %gather3A_1058 : vector<16xf32>
      %ge3A_1060 = arith.constant 0.000000e+00 : f32
      %ge3A_1061 = vector.broadcast %ge3A_1060 : f32 to vector<16xf32>
      %ge3A_1062 = arith.cmpf oge, %add3A_1059, %ge3A_1061 : vector<16xf32>
      %mul3A_1063 = arith.constant 2.000000e-01 : f32
      %mul3A_1064 = vector.broadcast %mul3A_1063 : f32 to vector<16xf32>
      %mul3A_1065 = arith.mulf %mul3A_1064, %add3A_1059 : vector<16xf32>
      %select_n3A_1066 = arith.select %ge3A_1062, %add3A_1059, %mul3A_1065 : vector<16xi1>, vector<16xf32>
      %broadcast_in_dim3A_1067 = arith.constant 2 : i32
      %broadcast_in_dim3A_1068 = vector.broadcast %broadcast_in_dim3A_1067 : i32 to vector<16xi32>
      %exp3A_1069 = math.exp %select_n3A_1066 : vector<16xf32>
      %scatter3A_1070 = arith.constant 0 : i32
      %scatter3A_1071 = arith.constant 0 : i32
      %scatter3A_1072 = tpu.memref_slice %arg16[%rem3A_716, %scatter3A_1070, %scatter3A_1071] : memref<2x80x8xf32, #tpu.memory_space<vmem>> -> memref<1x80x8xf32, #tpu.memory_space<vmem>>
      %scatter3A_1073 = tpu.memref_squeeze %scatter3A_1072 : memref<1x80x8xf32, #tpu.memory_space<vmem>> -> memref<80x8xf32, #tpu.memory_space<vmem>>
      tpu.vector_store_idx %scatter3A_1073[%add3A_1010, %broadcast_in_dim3A_1068], %exp3A_1069 : memref<80x8xf32, #tpu.memory_space<vmem>>[vector<16xi32>, vector<16xi32>], vector<16xf32>,
      %broadcast_in_dim3A_1074 = arith.constant 3 : i32
      %broadcast_in_dim3A_1075 = vector.broadcast %broadcast_in_dim3A_1074 : i32 to vector<16xi32>
      %gather3A_1076 = tpu.vector_load_idx %arg12[%add3A_1010, %broadcast_in_dim3A_1075] : memref<80x8xf32, #tpu.memory_space<vmem>>[vector<16xi32>, vector<16xi32>], vector<16xf32>,
      %broadcast_in_dim3A_1077 = arith.constant 7 : i32
      %broadcast_in_dim3A_1078 = vector.broadcast %broadcast_in_dim3A_1077 : i32 to vector<16xi32>
      %gather3A_1079 = tpu.vector_load_idx %arg13[%add3A_1010, %broadcast_in_dim3A_1078] : memref<80x8xf32, #tpu.memory_space<vmem>>[vector<16xi32>, vector<16xi32>], vector<16xf32>,
      %add3A_1080 = arith.addf %gather3A_1076, %gather3A_1079 : vector<16xf32>
      %ge3A_1081 = arith.constant 0.000000e+00 : f32
      %ge3A_1082 = vector.broadcast %ge3A_1081 : f32 to vector<16xf32>
      %ge3A_1083 = arith.cmpf oge, %add3A_1080, %ge3A_1082 : vector<16xf32>
      %mul3A_1084 = arith.constant 2.000000e-01 : f32
      %mul3A_1085 = vector.broadcast %mul3A_1084 : f32 to vector<16xf32>
      %mul3A_1086 = arith.mulf %mul3A_1085, %add3A_1080 : vector<16xf32>
      %select_n3A_1087 = arith.select %ge3A_1083, %add3A_1080, %mul3A_1086 : vector<16xi1>, vector<16xf32>
      %broadcast_in_dim3A_1088 = arith.constant 3 : i32
      %broadcast_in_dim3A_1089 = vector.broadcast %broadcast_in_dim3A_1088 : i32 to vector<16xi32>
      %exp3A_1090 = math.exp %select_n3A_1087 : vector<16xf32>
      %scatter3A_1091 = arith.constant 0 : i32
      %scatter3A_1092 = arith.constant 0 : i32
      %scatter3A_1093 = tpu.memref_slice %arg16[%rem3A_716, %scatter3A_1091, %scatter3A_1092] : memref<2x80x8xf32, #tpu.memory_space<vmem>> -> memref<1x80x8xf32, #tpu.memory_space<vmem>>
      %scatter3A_1094 = tpu.memref_squeeze %scatter3A_1093 : memref<1x80x8xf32, #tpu.memory_space<vmem>> -> memref<80x8xf32, #tpu.memory_space<vmem>>
      tpu.vector_store_idx %scatter3A_1094[%add3A_1010, %broadcast_in_dim3A_1089], %exp3A_1090 : memref<80x8xf32, #tpu.memory_space<vmem>>[vector<16xi32>, vector<16xi32>], vector<16xf32>,
      %iota3A_1095 = tpu.iota {dimensions = array<i32: 0>} : vector<16xi32>
      %add3A_1096 = arith.constant 64 : i32
      %add3A_1097 = vector.broadcast %add3A_1096 : i32 to vector<16xi32>
      %add3A_1098 = arith.addi %iota3A_1095, %add3A_1097 : vector<16xi32>
      %broadcast_in_dim3A_1099 = arith.constant 0 : i32
      %broadcast_in_dim3A_1100 = vector.broadcast %broadcast_in_dim3A_1099 : i32 to vector<16xi32>
      %gather3A_1101 = tpu.vector_load_idx %arg12[%add3A_1098, %broadcast_in_dim3A_1100] : memref<80x8xf32, #tpu.memory_space<vmem>>[vector<16xi32>, vector<16xi32>], vector<16xf32>,
      %broadcast_in_dim3A_1102 = arith.constant 4 : i32
      %broadcast_in_dim3A_1103 = vector.broadcast %broadcast_in_dim3A_1102 : i32 to vector<16xi32>
      %gather3A_1104 = tpu.vector_load_idx %arg13[%add3A_1098, %broadcast_in_dim3A_1103] : memref<80x8xf32, #tpu.memory_space<vmem>>[vector<16xi32>, vector<16xi32>], vector<16xf32>,
      %add3A_1105 = arith.addf %gather3A_1101, %gather3A_1104 : vector<16xf32>
      %ge3A_1106 = arith.constant 0.000000e+00 : f32
      %ge3A_1107 = vector.broadcast %ge3A_1106 : f32 to vector<16xf32>
      %ge3A_1108 = arith.cmpf oge, %add3A_1105, %ge3A_1107 : vector<16xf32>
      %mul3A_1109 = arith.constant 2.000000e-01 : f32
      %mul3A_1110 = vector.broadcast %mul3A_1109 : f32 to vector<16xf32>
      %mul3A_1111 = arith.mulf %mul3A_1110, %add3A_1105 : vector<16xf32>
      %select_n3A_1112 = arith.select %ge3A_1108, %add3A_1105, %mul3A_1111 : vector<16xi1>, vector<16xf32>
      %broadcast_in_dim3A_1113 = arith.constant 0 : i32
      %broadcast_in_dim3A_1114 = vector.broadcast %broadcast_in_dim3A_1113 : i32 to vector<16xi32>
      %exp3A_1115 = math.exp %select_n3A_1112 : vector<16xf32>
      %scatter3A_1116 = arith.constant 0 : i32
      %scatter3A_1117 = arith.constant 0 : i32
      %scatter3A_1118 = tpu.memref_slice %arg16[%rem3A_716, %scatter3A_1116, %scatter3A_1117] : memref<2x80x8xf32, #tpu.memory_space<vmem>> -> memref<1x80x8xf32, #tpu.memory_space<vmem>>
      %scatter3A_1119 = tpu.memref_squeeze %scatter3A_1118 : memref<1x80x8xf32, #tpu.memory_space<vmem>> -> memref<80x8xf32, #tpu.memory_space<vmem>>
      tpu.vector_store_idx %scatter3A_1119[%add3A_1098, %broadcast_in_dim3A_1114], %exp3A_1115 : memref<80x8xf32, #tpu.memory_space<vmem>>[vector<16xi32>, vector<16xi32>], vector<16xf32>,
      %broadcast_in_dim3A_1120 = arith.constant 1 : i32
      %broadcast_in_dim3A_1121 = vector.broadcast %broadcast_in_dim3A_1120 : i32 to vector<16xi32>
      %gather3A_1122 = tpu.vector_load_idx %arg12[%add3A_1098, %broadcast_in_dim3A_1121] : memref<80x8xf32, #tpu.memory_space<vmem>>[vector<16xi32>, vector<16xi32>], vector<16xf32>,
      %broadcast_in_dim3A_1123 = arith.constant 5 : i32
      %broadcast_in_dim3A_1124 = vector.broadcast %broadcast_in_dim3A_1123 : i32 to vector<16xi32>
      %gather3A_1125 = tpu.vector_load_idx %arg13[%add3A_1098, %broadcast_in_dim3A_1124] : memref<80x8xf32, #tpu.memory_space<vmem>>[vector<16xi32>, vector<16xi32>], vector<16xf32>,
      %add3A_1126 = arith.addf %gather3A_1122, %gather3A_1125 : vector<16xf32>
      %ge3A_1127 = arith.constant 0.000000e+00 : f32
      %ge3A_1128 = vector.broadcast %ge3A_1127 : f32 to vector<16xf32>
      %ge3A_1129 = arith.cmpf oge, %add3A_1126, %ge3A_1128 : vector<16xf32>
      %mul3A_1130 = arith.constant 2.000000e-01 : f32
      %mul3A_1131 = vector.broadcast %mul3A_1130 : f32 to vector<16xf32>
      %mul3A_1132 = arith.mulf %mul3A_1131, %add3A_1126 : vector<16xf32>
      %select_n3A_1133 = arith.select %ge3A_1129, %add3A_1126, %mul3A_1132 : vector<16xi1>, vector<16xf32>
      %broadcast_in_dim3A_1134 = arith.constant 1 : i32
      %broadcast_in_dim3A_1135 = vector.broadcast %broadcast_in_dim3A_1134 : i32 to vector<16xi32>
      %exp3A_1136 = math.exp %select_n3A_1133 : vector<16xf32>
      %scatter3A_1137 = arith.constant 0 : i32
      %scatter3A_1138 = arith.constant 0 : i32
      %scatter3A_1139 = tpu.memref_slice %arg16[%rem3A_716, %scatter3A_1137, %scatter3A_1138] : memref<2x80x8xf32, #tpu.memory_space<vmem>> -> memref<1x80x8xf32, #tpu.memory_space<vmem>>
      %scatter3A_1140 = tpu.memref_squeeze %scatter3A_1139 : memref<1x80x8xf32, #tpu.memory_space<vmem>> -> memref<80x8xf32, #tpu.memory_space<vmem>>
      tpu.vector_store_idx %scatter3A_1140[%add3A_1098, %broadcast_in_dim3A_1135], %exp3A_1136 : memref<80x8xf32, #tpu.memory_space<vmem>>[vector<16xi32>, vector<16xi32>], vector<16xf32>,
      %broadcast_in_dim3A_1141 = arith.constant 2 : i32
      %broadcast_in_dim3A_1142 = vector.broadcast %broadcast_in_dim3A_1141 : i32 to vector<16xi32>
      %gather3A_1143 = tpu.vector_load_idx %arg12[%add3A_1098, %broadcast_in_dim3A_1142] : memref<80x8xf32, #tpu.memory_space<vmem>>[vector<16xi32>, vector<16xi32>], vector<16xf32>,
      %broadcast_in_dim3A_1144 = arith.constant 6 : i32
      %broadcast_in_dim3A_1145 = vector.broadcast %broadcast_in_dim3A_1144 : i32 to vector<16xi32>
      %gather3A_1146 = tpu.vector_load_idx %arg13[%add3A_1098, %broadcast_in_dim3A_1145] : memref<80x8xf32, #tpu.memory_space<vmem>>[vector<16xi32>, vector<16xi32>], vector<16xf32>,
      %add3A_1147 = arith.addf %gather3A_1143, %gather3A_1146 : vector<16xf32>
      %ge3A_1148 = arith.constant 0.000000e+00 : f32
      %ge3A_1149 = vector.broadcast %ge3A_1148 : f32 to vector<16xf32>
      %ge3A_1150 = arith.cmpf oge, %add3A_1147, %ge3A_1149 : vector<16xf32>
      %mul3A_1151 = arith.constant 2.000000e-01 : f32
      %mul3A_1152 = vector.broadcast %mul3A_1151 : f32 to vector<16xf32>
      %mul3A_1153 = arith.mulf %mul3A_1152, %add3A_1147 : vector<16xf32>
      %select_n3A_1154 = arith.select %ge3A_1150, %add3A_1147, %mul3A_1153 : vector<16xi1>, vector<16xf32>
      %broadcast_in_dim3A_1155 = arith.constant 2 : i32
      %broadcast_in_dim3A_1156 = vector.broadcast %broadcast_in_dim3A_1155 : i32 to vector<16xi32>
      %exp3A_1157 = math.exp %select_n3A_1154 : vector<16xf32>
      %scatter3A_1158 = arith.constant 0 : i32
      %scatter3A_1159 = arith.constant 0 : i32
      %scatter3A_1160 = tpu.memref_slice %arg16[%rem3A_716, %scatter3A_1158, %scatter3A_1159] : memref<2x80x8xf32, #tpu.memory_space<vmem>> -> memref<1x80x8xf32, #tpu.memory_space<vmem>>
      %scatter3A_1161 = tpu.memref_squeeze %scatter3A_1160 : memref<1x80x8xf32, #tpu.memory_space<vmem>> -> memref<80x8xf32, #tpu.memory_space<vmem>>
      tpu.vector_store_idx %scatter3A_1161[%add3A_1098, %broadcast_in_dim3A_1156], %exp3A_1157 : memref<80x8xf32, #tpu.memory_space<vmem>>[vector<16xi32>, vector<16xi32>], vector<16xf32>,
      %broadcast_in_dim3A_1162 = arith.constant 3 : i32
      %broadcast_in_dim3A_1163 = vector.broadcast %broadcast_in_dim3A_1162 : i32 to vector<16xi32>
      %gather3A_1164 = tpu.vector_load_idx %arg12[%add3A_1098, %broadcast_in_dim3A_1163] : memref<80x8xf32, #tpu.memory_space<vmem>>[vector<16xi32>, vector<16xi32>], vector<16xf32>,
      %broadcast_in_dim3A_1165 = arith.constant 7 : i32
      %broadcast_in_dim3A_1166 = vector.broadcast %broadcast_in_dim3A_1165 : i32 to vector<16xi32>
      %gather3A_1167 = tpu.vector_load_idx %arg13[%add3A_1098, %broadcast_in_dim3A_1166] : memref<80x8xf32, #tpu.memory_space<vmem>>[vector<16xi32>, vector<16xi32>], vector<16xf32>,
      %add3A_1168 = arith.addf %gather3A_1164, %gather3A_1167 : vector<16xf32>
      %ge3A_1169 = arith.constant 0.000000e+00 : f32
      %ge3A_1170 = vector.broadcast %ge3A_1169 : f32 to vector<16xf32>
      %ge3A_1171 = arith.cmpf oge, %add3A_1168, %ge3A_1170 : vector<16xf32>
      %mul3A_1172 = arith.constant 2.000000e-01 : f32
      %mul3A_1173 = vector.broadcast %mul3A_1172 : f32 to vector<16xf32>
      %mul3A_1174 = arith.mulf %mul3A_1173, %add3A_1168 : vector<16xf32>
      %select_n3A_1175 = arith.select %ge3A_1171, %add3A_1168, %mul3A_1174 : vector<16xi1>, vector<16xf32>
      %broadcast_in_dim3A_1176 = arith.constant 3 : i32
      %broadcast_in_dim3A_1177 = vector.broadcast %broadcast_in_dim3A_1176 : i32 to vector<16xi32>
      %exp3A_1178 = math.exp %select_n3A_1175 : vector<16xf32>
      %scatter3A_1179 = arith.constant 0 : i32
      %scatter3A_1180 = arith.constant 0 : i32
      %scatter3A_1181 = tpu.memref_slice %arg16[%rem3A_716, %scatter3A_1179, %scatter3A_1180] : memref<2x80x8xf32, #tpu.memory_space<vmem>> -> memref<1x80x8xf32, #tpu.memory_space<vmem>>
      %scatter3A_1182 = tpu.memref_squeeze %scatter3A_1181 : memref<1x80x8xf32, #tpu.memory_space<vmem>> -> memref<80x8xf32, #tpu.memory_space<vmem>>
      tpu.vector_store_idx %scatter3A_1182[%add3A_1098, %broadcast_in_dim3A_1177], %exp3A_1178 : memref<80x8xf32, #tpu.memory_space<vmem>>[vector<16xi32>, vector<16xi32>], vector<16xf32>,
      %lt3A = arith.constant 124 : i32
      %lt3A_1183 = arith.cmpi slt, %add3A_714, %lt3A : i32
      %convert_element_type3A_1184 = arith.extui %lt3A_1183 : i1 to i32
      %cond3A_1185 = arith.constant 0 : i32
      %cond3A_1186 = arith.cmpi ne, %convert_element_type3A_1184, %cond3A_1185 : i32
      scf.if %cond3A_1186 {
        %add3A_1219 = arith.constant 1 : i32
        %add3A_1220 = arith.addi %add3A_714, %add3A_1219 : i32
        %add3A_1221 = arith.addi %mul3A_2, %add3A_1220 : i32
        %rem3A_1222 = arith.constant 4 : i32
        %rem3A_1223 = arith.remsi %add3A_1220, %rem3A_1222 : i32
        %dma_wait3A_1224 = arith.constant 0 : i32
        %dma_wait3A_1225 = arith.constant 0 : i32
        %dma_wait3A_1226 = tpu.memref_slice %arg10[%rem3A_1223, %dma_wait3A_1224, %dma_wait3A_1225] : memref<4x1x80xi32, #tpu.memory_space<vmem>> -> memref<1x1x80xi32, #tpu.memory_space<vmem>>
        %dma_wait3A_1227 = tpu.memref_squeeze %dma_wait3A_1226 : memref<1x1x80xi32, #tpu.memory_space<vmem>> -> memref<1x80xi32, #tpu.memory_space<vmem>>
        %dma_wait3A_1228 = arith.constant 0 : i32
        %dma_wait3A_1229 = tpu.memref_slice %arg4[%add3A_1221, %dma_wait3A_1228] : memref<4000x80xi32, #tpu.memory_space<hbm>> -> memref<1x80xi32, #tpu.memory_space<hbm>>
        %dma_wait3A_1230 = arith.constant 0 : i32
        %dma_wait3A_1231 = arith.constant 0 : i32
        %dma_wait3A_1232 = tpu.memref_slice %arg10[%rem3A_1223, %dma_wait3A_1230, %dma_wait3A_1231] : memref<4x1x80xi32, #tpu.memory_space<vmem>> -> memref<1x1x80xi32, #tpu.memory_space<vmem>>
        %dma_wait3A_1233 = tpu.memref_squeeze %dma_wait3A_1232 : memref<1x1x80xi32, #tpu.memory_space<vmem>> -> memref<1x80xi32, #tpu.memory_space<vmem>>
        %dma_wait3A_1234 = arith.constant 0 : i32
        %dma_wait3A_1235 = tpu.memref_slice %arg4[%add3A_1221, %dma_wait3A_1234] : memref<4000x80xi32, #tpu.memory_space<hbm>> -> memref<1x80xi32, #tpu.memory_space<hbm>>
        tpu.wait_dma2 semaphore(%arg19 : memref<!tpu.dma_semaphore, #tpu.memory_space<semaphore_mem>>) src(%dma_wait3A_1235 : memref<1x80xi32, #tpu.memory_space<hbm>>) dst(%dma_wait3A_1233 : memref<1x80xi32, #tpu.memory_space<vmem>>)
        %add3A_1236 = arith.addi %mul3A_2, %add3A_1220 : i32
        %rem3A_1237 = arith.constant 4 : i32
        %rem3A_1238 = arith.remsi %add3A_1220, %rem3A_1237 : i32
        %dma_wait3A_1239 = arith.constant 0 : i32
        %dma_wait3A_1240 = arith.constant 0 : i32
        %dma_wait3A_1241 = tpu.memref_slice %arg11[%rem3A_1238, %dma_wait3A_1239, %dma_wait3A_1240] : memref<4x1x80xi32, #tpu.memory_space<vmem>> -> memref<1x1x80xi32, #tpu.memory_space<vmem>>
        %dma_wait3A_1242 = tpu.memref_squeeze %dma_wait3A_1241 : memref<1x1x80xi32, #tpu.memory_space<vmem>> -> memref<1x80xi32, #tpu.memory_space<vmem>>
        %dma_wait3A_1243 = arith.constant 0 : i32
        %dma_wait3A_1244 = tpu.memref_slice %arg5[%add3A_1236, %dma_wait3A_1243] : memref<4000x80xi32, #tpu.memory_space<hbm>> -> memref<1x80xi32, #tpu.memory_space<hbm>>
        %dma_wait3A_1245 = arith.constant 0 : i32
        %dma_wait3A_1246 = arith.constant 0 : i32
        %dma_wait3A_1247 = tpu.memref_slice %arg11[%rem3A_1238, %dma_wait3A_1245, %dma_wait3A_1246] : memref<4x1x80xi32, #tpu.memory_space<vmem>> -> memref<1x1x80xi32, #tpu.memory_space<vmem>>
        %dma_wait3A_1248 = tpu.memref_squeeze %dma_wait3A_1247 : memref<1x1x80xi32, #tpu.memory_space<vmem>> -> memref<1x80xi32, #tpu.memory_space<vmem>>
        %dma_wait3A_1249 = arith.constant 0 : i32
        %dma_wait3A_1250 = tpu.memref_slice %arg5[%add3A_1236, %dma_wait3A_1249] : memref<4000x80xi32, #tpu.memory_space<hbm>> -> memref<1x80xi32, #tpu.memory_space<hbm>>
        tpu.wait_dma2 semaphore(%arg19 : memref<!tpu.dma_semaphore, #tpu.memory_space<semaphore_mem>>) src(%dma_wait3A_1250 : memref<1x80xi32, #tpu.memory_space<hbm>>) dst(%dma_wait3A_1248 : memref<1x80xi32, #tpu.memory_space<vmem>>)
        %add3A_1251 = arith.constant 1 : i32
        %add3A_1252 = arith.addi %add3A_714, %add3A_1251 : i32
        %rem3A_1253 = arith.constant 2 : i32
        %rem3A_1254 = arith.remsi %add3A_1252, %rem3A_1253 : i32
        %rem3A_1255 = arith.constant 4 : i32
        %rem3A_1256 = arith.remsi %add3A_1252, %rem3A_1255 : i32
        %dma_start3A_1257 = arith.constant 0 : i32
        %dma_start3A_1258 = arith.constant 0 : i32
        %dma_start3A_1259 = tpu.memref_slice %arg10[%rem3A_1256, %dma_start3A_1257, %dma_start3A_1258] : memref<4x1x80xi32, #tpu.memory_space<vmem>> -> memref<1x1x80xi32, #tpu.memory_space<vmem>>
        %dma_start3A_1260 = tpu.memref_squeeze %dma_start3A_1259 : memref<1x1x80xi32, #tpu.memory_space<vmem>> -> memref<80xi32, #tpu.memory_space<vmem>>
        %dma_start3A_1261 = arith.constant 0 : i32
        %dma_start3A_1262 = arith.constant 0 : i32
        %dma_start3A_1263 = tpu.memref_slice %arg3[%dma_start3A_1261, %dma_start3A_1262] : memref<10000x8xf32, #tpu.memory_space<hbm>> -> memref<10000x8xf32, #tpu.memory_space<hbm>>
        tpu.enqueue_indirect_dma source(%dma_start3A_1263 : memref<10000x8xf32, #tpu.memory_space<hbm>>) target(%arg12 : memref<80x8xf32, #tpu.memory_space<vmem>>) offsets(%dma_start3A_1260 : memref<80xi32, #tpu.memory_space<vmem>>) semaphore(%arg20 : memref<!tpu.dma_semaphore, #tpu.memory_space<semaphore_mem>>)
        %dma_start3A_1264 = arith.constant 0 : i32
        %dma_start3A_1265 = arith.constant 0 : i32
        %dma_start3A_1266 = tpu.memref_slice %arg11[%rem3A_1256, %dma_start3A_1264, %dma_start3A_1265] : memref<4x1x80xi32, #tpu.memory_space<vmem>> -> memref<1x1x80xi32, #tpu.memory_space<vmem>>
        %dma_start3A_1267 = tpu.memref_squeeze %dma_start3A_1266 : memref<1x1x80xi32, #tpu.memory_space<vmem>> -> memref<80xi32, #tpu.memory_space<vmem>>
        %dma_start3A_1268 = arith.constant 0 : i32
        %dma_start3A_1269 = arith.constant 0 : i32
        %dma_start3A_1270 = tpu.memref_slice %arg3[%dma_start3A_1268, %dma_start3A_1269] : memref<10000x8xf32, #tpu.memory_space<hbm>> -> memref<10000x8xf32, #tpu.memory_space<hbm>>
        tpu.enqueue_indirect_dma source(%dma_start3A_1270 : memref<10000x8xf32, #tpu.memory_space<hbm>>) target(%arg13 : memref<80x8xf32, #tpu.memory_space<vmem>>) offsets(%dma_start3A_1267 : memref<80xi32, #tpu.memory_space<vmem>>) semaphore(%arg20 : memref<!tpu.dma_semaphore, #tpu.memory_space<semaphore_mem>>)
        %dma_start3A_1271 = arith.constant 0 : i32
        %dma_start3A_1272 = arith.constant 0 : i32
        %dma_start3A_1273 = arith.constant 0 : i32
        %dma_start3A_1274 = tpu.memref_slice %arg14[%rem3A_1254, %dma_start3A_1272, %dma_start3A_1273] : memref<2x80x128xf32, #tpu.memory_space<vmem>> -> memref<1x80x128xf32, #tpu.memory_space<vmem>>
        %dma_start3A_1275 = tpu.memref_squeeze %dma_start3A_1274 : memref<1x80x128xf32, #tpu.memory_space<vmem>> -> memref<80x128xf32, #tpu.memory_space<vmem>>
        %dma_start3A_1276 = arith.constant 0 : i32
        %dma_start3A_1277 = tpu.memref_slice %arg10[%rem3A_1256, %dma_start3A_1271, %dma_start3A_1276] : memref<4x1x80xi32, #tpu.memory_space<vmem>> -> memref<1x1x80xi32, #tpu.memory_space<vmem>>
        %dma_start3A_1278 = tpu.memref_squeeze %dma_start3A_1277 : memref<1x1x80xi32, #tpu.memory_space<vmem>> -> memref<80xi32, #tpu.memory_space<vmem>>
        %dma_start3A_1279 = arith.constant 0 : i32
        %dma_start3A_1280 = arith.constant 0 : i32
        %dma_start3A_1281 = tpu.memref_slice %arg2[%dma_start3A_1279, %dma_start3A_1280] : memref<10000x128xf32, #tpu.memory_space<hbm>> -> memref<10000x128xf32, #tpu.memory_space<hbm>>
        tpu.enqueue_indirect_dma source(%dma_start3A_1281 : memref<10000x128xf32, #tpu.memory_space<hbm>>) target(%dma_start3A_1275 : memref<80x128xf32, #tpu.memory_space<vmem>>) offsets(%dma_start3A_1278 : memref<80xi32, #tpu.memory_space<vmem>>) semaphore(%arg20 : memref<!tpu.dma_semaphore, #tpu.memory_space<semaphore_mem>>)
      } else {
      }
      %lt3A_1187 = arith.constant 123 : i32
      %lt3A_1188 = arith.cmpi slt, %add3A_714, %lt3A_1187 : i32
      %convert_element_type3A_1189 = arith.extui %lt3A_1188 : i1 to i32
      %cond3A_1190 = arith.constant 0 : i32
      %cond3A_1191 = arith.cmpi ne, %convert_element_type3A_1189, %cond3A_1190 : i32
      scf.if %cond3A_1191 {
        %add3A_1219 = arith.constant 2 : i32
        %add3A_1220 = arith.addi %add3A_714, %add3A_1219 : i32
        %add3A_1221 = arith.addi %mul3A_2, %add3A_1220 : i32
        %rem3A_1222 = arith.constant 4 : i32
        %rem3A_1223 = arith.remsi %add3A_1220, %rem3A_1222 : i32
        %dma_start3A_1224 = arith.constant 0 : i32
        %dma_start3A_1225 = arith.constant 0 : i32
        %dma_start3A_1226 = tpu.memref_slice %arg10[%rem3A_1223, %dma_start3A_1224, %dma_start3A_1225] : memref<4x1x80xi32, #tpu.memory_space<vmem>> -> memref<1x1x80xi32, #tpu.memory_space<vmem>>
        %dma_start3A_1227 = tpu.memref_squeeze %dma_start3A_1226 : memref<1x1x80xi32, #tpu.memory_space<vmem>> -> memref<1x80xi32, #tpu.memory_space<vmem>>
        %dma_start3A_1228 = arith.constant 0 : i32
        %dma_start3A_1229 = tpu.memref_slice %arg4[%add3A_1221, %dma_start3A_1228] : memref<4000x80xi32, #tpu.memory_space<hbm>> -> memref<1x80xi32, #tpu.memory_space<hbm>>
        %dma_start3A_1230 = arith.constant 0 : i32
        %dma_start3A_1231 = arith.constant 0 : i32
        %dma_start3A_1232 = tpu.memref_slice %arg10[%rem3A_1223, %dma_start3A_1230, %dma_start3A_1231] : memref<4x1x80xi32, #tpu.memory_space<vmem>> -> memref<1x1x80xi32, #tpu.memory_space<vmem>>
        %dma_start3A_1233 = tpu.memref_squeeze %dma_start3A_1232 : memref<1x1x80xi32, #tpu.memory_space<vmem>> -> memref<1x80xi32, #tpu.memory_space<vmem>>
        %dma_start3A_1234 = arith.constant 0 : i32
        %dma_start3A_1235 = tpu.memref_slice %arg4[%add3A_1221, %dma_start3A_1234] : memref<4000x80xi32, #tpu.memory_space<hbm>> -> memref<1x80xi32, #tpu.memory_space<hbm>>
        tpu.enqueue_dma source(%dma_start3A_1235 : memref<1x80xi32, #tpu.memory_space<hbm>>) target(%dma_start3A_1233 : memref<1x80xi32, #tpu.memory_space<vmem>>) target_semaphore(%arg19 : memref<!tpu.dma_semaphore, #tpu.memory_space<semaphore_mem>>)
        %add3A_1236 = arith.addi %mul3A_2, %add3A_1220 : i32
        %rem3A_1237 = arith.constant 4 : i32
        %rem3A_1238 = arith.remsi %add3A_1220, %rem3A_1237 : i32
        %dma_start3A_1239 = arith.constant 0 : i32
        %dma_start3A_1240 = arith.constant 0 : i32
        %dma_start3A_1241 = tpu.memref_slice %arg11[%rem3A_1238, %dma_start3A_1239, %dma_start3A_1240] : memref<4x1x80xi32, #tpu.memory_space<vmem>> -> memref<1x1x80xi32, #tpu.memory_space<vmem>>
        %dma_start3A_1242 = tpu.memref_squeeze %dma_start3A_1241 : memref<1x1x80xi32, #tpu.memory_space<vmem>> -> memref<1x80xi32, #tpu.memory_space<vmem>>
        %dma_start3A_1243 = arith.constant 0 : i32
        %dma_start3A_1244 = tpu.memref_slice %arg5[%add3A_1236, %dma_start3A_1243] : memref<4000x80xi32, #tpu.memory_space<hbm>> -> memref<1x80xi32, #tpu.memory_space<hbm>>
        %dma_start3A_1245 = arith.constant 0 : i32
        %dma_start3A_1246 = arith.constant 0 : i32
        %dma_start3A_1247 = tpu.memref_slice %arg11[%rem3A_1238, %dma_start3A_1245, %dma_start3A_1246] : memref<4x1x80xi32, #tpu.memory_space<vmem>> -> memref<1x1x80xi32, #tpu.memory_space<vmem>>
        %dma_start3A_1248 = tpu.memref_squeeze %dma_start3A_1247 : memref<1x1x80xi32, #tpu.memory_space<vmem>> -> memref<1x80xi32, #tpu.memory_space<vmem>>
        %dma_start3A_1249 = arith.constant 0 : i32
        %dma_start3A_1250 = tpu.memref_slice %arg5[%add3A_1236, %dma_start3A_1249] : memref<4000x80xi32, #tpu.memory_space<hbm>> -> memref<1x80xi32, #tpu.memory_space<hbm>>
        tpu.enqueue_dma source(%dma_start3A_1250 : memref<1x80xi32, #tpu.memory_space<hbm>>) target(%dma_start3A_1248 : memref<1x80xi32, #tpu.memory_space<vmem>>) target_semaphore(%arg19 : memref<!tpu.dma_semaphore, #tpu.memory_space<semaphore_mem>>)
      } else {
      }
      %scan3A_1192 = arith.constant 0 : i32
      %scan3A_1193 = arith.constant 80 : i32
      %scan3A_1194 = arith.addi %scan3A_1192, %scan3A_1193 : i32
      %scan3A_1195 = arith.constant 4 : i32
      scf.for %scan3A_1219 = %scan3A_1192 to %scan3A_1194 step %scan3A_1195  : i32 {
        %mul3A_1220 = arith.constant 1 : i32
        %mul3A_1221 = arith.muli %scan3A_1219, %mul3A_1220 : i32
        %add3A_1222 = arith.constant 0 : i32
        %add3A_1223 = arith.addi %add3A_1222, %mul3A_1221 : i32
        %broadcast_in_dim3A_1224 = arith.constant 0 : i32
        %broadcast_in_dim3A_1225 = vector.broadcast %broadcast_in_dim3A_1224 : i32 to vector<16xi32>
        %add3A_1226 = vector.broadcast %add3A_1223 : i32 to vector<16xi32>
        %add3A_1227 = arith.addi %broadcast_in_dim3A_1225, %add3A_1226 : vector<16xi32>
        %broadcast_in_dim3A_1228 = arith.constant 0 : i32
        %broadcast_in_dim3A_1229 = vector.broadcast %broadcast_in_dim3A_1228 : i32 to vector<16xi32>
        %gather3A_1230 = arith.constant 0 : i32
        %gather3A_1231 = arith.constant 0 : i32
        %gather3A_1232 = tpu.memref_slice %arg16[%rem3A_716, %gather3A_1230, %gather3A_1231] : memref<2x80x8xf32, #tpu.memory_space<vmem>> -> memref<1x80x8xf32, #tpu.memory_space<vmem>>
        %gather3A_1233 = tpu.memref_squeeze %gather3A_1232 : memref<1x80x8xf32, #tpu.memory_space<vmem>> -> memref<80x8xf32, #tpu.memory_space<vmem>>
        %gather3A_1234 = tpu.vector_load_idx %gather3A_1233[%add3A_1227, %broadcast_in_dim3A_1229] : memref<80x8xf32, #tpu.memory_space<vmem>>[vector<16xi32>, vector<16xi32>], vector<16xf32>,
        %get3A = arith.index_cast %rem3A_716 : i32 to index
        %get3A_1235 = arith.index_cast %add3A_1223 : i32 to index
        %get3A_1236 = arith.constant 0 : index
        %get3A_1237 = tpu.vector_load %arg14[%get3A, %get3A_1235, %get3A_1236] {strides = array<i32>} : memref<2x80x128xf32, #tpu.memory_space<vmem>>, vector<16xf32>,
        %mul3A_1238 = arith.mulf %get3A_1237, %gather3A_1234 : vector<16xf32>
        %swap3A_1239 = arith.index_cast %rem3A_716 : i32 to index
        %swap3A_1240 = arith.index_cast %add3A_1223 : i32 to index
        %swap3A_1241 = arith.constant 0 : index
        %swap3A_1242 = tpu.vector_load %arg15[%swap3A_1239, %swap3A_1240, %swap3A_1241] {strides = array<i32>} : memref<2x80x128xf32, #tpu.memory_space<vmem>>, vector<16xf32>,
        tpu.vector_store %arg15[%swap3A_1239, %swap3A_1240, %swap3A_1241], %mul3A_1238 {strides = array<i32>} : memref<2x80x128xf32, #tpu.memory_space<vmem>>, vector<16xf32>,
        %get3A_1243 = arith.index_cast %rem3A_716 : i32 to index
        %get3A_1244 = arith.index_cast %add3A_1223 : i32 to index
        %get3A_1245 = arith.constant 16 : index
        %get3A_1246 = tpu.vector_load %arg14[%get3A_1243, %get3A_1244, %get3A_1245] {strides = array<i32>} : memref<2x80x128xf32, #tpu.memory_space<vmem>>, vector<16xf32>,
        %mul3A_1247 = arith.mulf %get3A_1246, %gather3A_1234 : vector<16xf32>
        %swap3A_1248 = arith.index_cast %rem3A_716 : i32 to index
        %swap3A_1249 = arith.index_cast %add3A_1223 : i32 to index
        %swap3A_1250 = arith.constant 16 : index
        %swap3A_1251 = tpu.vector_load %arg15[%swap3A_1248, %swap3A_1249, %swap3A_1250] {strides = array<i32>} : memref<2x80x128xf32, #tpu.memory_space<vmem>>, vector<16xf32>,
        tpu.vector_store %arg15[%swap3A_1248, %swap3A_1249, %swap3A_1250], %mul3A_1247 {strides = array<i32>} : memref<2x80x128xf32, #tpu.memory_space<vmem>>, vector<16xf32>,
        %broadcast_in_dim3A_1252 = arith.constant 1 : i32
        %broadcast_in_dim3A_1253 = vector.broadcast %broadcast_in_dim3A_1252 : i32 to vector<16xi32>
        %gather3A_1254 = arith.constant 0 : i32
        %gather3A_1255 = arith.constant 0 : i32
        %gather3A_1256 = tpu.memref_slice %arg16[%rem3A_716, %gather3A_1254, %gather3A_1255] : memref<2x80x8xf32, #tpu.memory_space<vmem>> -> memref<1x80x8xf32, #tpu.memory_space<vmem>>
        %gather3A_1257 = tpu.memref_squeeze %gather3A_1256 : memref<1x80x8xf32, #tpu.memory_space<vmem>> -> memref<80x8xf32, #tpu.memory_space<vmem>>
        %gather3A_1258 = tpu.vector_load_idx %gather3A_1257[%add3A_1227, %broadcast_in_dim3A_1253] : memref<80x8xf32, #tpu.memory_space<vmem>>[vector<16xi32>, vector<16xi32>], vector<16xf32>,
        %get3A_1259 = arith.index_cast %rem3A_716 : i32 to index
        %get3A_1260 = arith.index_cast %add3A_1223 : i32 to index
        %get3A_1261 = arith.constant 32 : index
        %get3A_1262 = tpu.vector_load %arg14[%get3A_1259, %get3A_1260, %get3A_1261] {strides = array<i32>} : memref<2x80x128xf32, #tpu.memory_space<vmem>>, vector<16xf32>,
        %mul3A_1263 = arith.mulf %get3A_1262, %gather3A_1258 : vector<16xf32>
        %swap3A_1264 = arith.index_cast %rem3A_716 : i32 to index
        %swap3A_1265 = arith.index_cast %add3A_1223 : i32 to index
        %swap3A_1266 = arith.constant 32 : index
        %swap3A_1267 = tpu.vector_load %arg15[%swap3A_1264, %swap3A_1265, %swap3A_1266] {strides = array<i32>} : memref<2x80x128xf32, #tpu.memory_space<vmem>>, vector<16xf32>,
        tpu.vector_store %arg15[%swap3A_1264, %swap3A_1265, %swap3A_1266], %mul3A_1263 {strides = array<i32>} : memref<2x80x128xf32, #tpu.memory_space<vmem>>, vector<16xf32>,
        %get3A_1268 = arith.index_cast %rem3A_716 : i32 to index
        %get3A_1269 = arith.index_cast %add3A_1223 : i32 to index
        %get3A_1270 = arith.constant 48 : index
        %get3A_1271 = tpu.vector_load %arg14[%get3A_1268, %get3A_1269, %get3A_1270] {strides = array<i32>} : memref<2x80x128xf32, #tpu.memory_space<vmem>>, vector<16xf32>,
        %mul3A_1272 = arith.mulf %get3A_1271, %gather3A_1258 : vector<16xf32>
        %swap3A_1273 = arith.index_cast %rem3A_716 : i32 to index
        %swap3A_1274 = arith.index_cast %add3A_1223 : i32 to index
        %swap3A_1275 = arith.constant 48 : index
        %swap3A_1276 = tpu.vector_load %arg15[%swap3A_1273, %swap3A_1274, %swap3A_1275] {strides = array<i32>} : memref<2x80x128xf32, #tpu.memory_space<vmem>>, vector<16xf32>,
        tpu.vector_store %arg15[%swap3A_1273, %swap3A_1274, %swap3A_1275], %mul3A_1272 {strides = array<i32>} : memref<2x80x128xf32, #tpu.memory_space<vmem>>, vector<16xf32>,
        %broadcast_in_dim3A_1277 = arith.constant 2 : i32
        %broadcast_in_dim3A_1278 = vector.broadcast %broadcast_in_dim3A_1277 : i32 to vector<16xi32>
        %gather3A_1279 = arith.constant 0 : i32
        %gather3A_1280 = arith.constant 0 : i32
        %gather3A_1281 = tpu.memref_slice %arg16[%rem3A_716, %gather3A_1279, %gather3A_1280] : memref<2x80x8xf32, #tpu.memory_space<vmem>> -> memref<1x80x8xf32, #tpu.memory_space<vmem>>
        %gather3A_1282 = tpu.memref_squeeze %gather3A_1281 : memref<1x80x8xf32, #tpu.memory_space<vmem>> -> memref<80x8xf32, #tpu.memory_space<vmem>>
        %gather3A_1283 = tpu.vector_load_idx %gather3A_1282[%add3A_1227, %broadcast_in_dim3A_1278] : memref<80x8xf32, #tpu.memory_space<vmem>>[vector<16xi32>, vector<16xi32>], vector<16xf32>,
        %get3A_1284 = arith.index_cast %rem3A_716 : i32 to index
        %get3A_1285 = arith.index_cast %add3A_1223 : i32 to index
        %get3A_1286 = arith.constant 64 : index
        %get3A_1287 = tpu.vector_load %arg14[%get3A_1284, %get3A_1285, %get3A_1286] {strides = array<i32>} : memref<2x80x128xf32, #tpu.memory_space<vmem>>, vector<16xf32>,
        %mul3A_1288 = arith.mulf %get3A_1287, %gather3A_1283 : vector<16xf32>
        %swap3A_1289 = arith.index_cast %rem3A_716 : i32 to index
        %swap3A_1290 = arith.index_cast %add3A_1223 : i32 to index
        %swap3A_1291 = arith.constant 64 : index
        %swap3A_1292 = tpu.vector_load %arg15[%swap3A_1289, %swap3A_1290, %swap3A_1291] {strides = array<i32>} : memref<2x80x128xf32, #tpu.memory_space<vmem>>, vector<16xf32>,
        tpu.vector_store %arg15[%swap3A_1289, %swap3A_1290, %swap3A_1291], %mul3A_1288 {strides = array<i32>} : memref<2x80x128xf32, #tpu.memory_space<vmem>>, vector<16xf32>,
        %get3A_1293 = arith.index_cast %rem3A_716 : i32 to index
        %get3A_1294 = arith.index_cast %add3A_1223 : i32 to index
        %get3A_1295 = arith.constant 80 : index
        %get3A_1296 = tpu.vector_load %arg14[%get3A_1293, %get3A_1294, %get3A_1295] {strides = array<i32>} : memref<2x80x128xf32, #tpu.memory_space<vmem>>, vector<16xf32>,
        %mul3A_1297 = arith.mulf %get3A_1296, %gather3A_1283 : vector<16xf32>
        %swap3A_1298 = arith.index_cast %rem3A_716 : i32 to index
        %swap3A_1299 = arith.index_cast %add3A_1223 : i32 to index
        %swap3A_1300 = arith.constant 80 : index
        %swap3A_1301 = tpu.vector_load %arg15[%swap3A_1298, %swap3A_1299, %swap3A_1300] {strides = array<i32>} : memref<2x80x128xf32, #tpu.memory_space<vmem>>, vector<16xf32>,
        tpu.vector_store %arg15[%swap3A_1298, %swap3A_1299, %swap3A_1300], %mul3A_1297 {strides = array<i32>} : memref<2x80x128xf32, #tpu.memory_space<vmem>>, vector<16xf32>,
        %broadcast_in_dim3A_1302 = arith.constant 3 : i32
        %broadcast_in_dim3A_1303 = vector.broadcast %broadcast_in_dim3A_1302 : i32 to vector<16xi32>
        %gather3A_1304 = arith.constant 0 : i32
        %gather3A_1305 = arith.constant 0 : i32
        %gather3A_1306 = tpu.memref_slice %arg16[%rem3A_716, %gather3A_1304, %gather3A_1305] : memref<2x80x8xf32, #tpu.memory_space<vmem>> -> memref<1x80x8xf32, #tpu.memory_space<vmem>>
        %gather3A_1307 = tpu.memref_squeeze %gather3A_1306 : memref<1x80x8xf32, #tpu.memory_space<vmem>> -> memref<80x8xf32, #tpu.memory_space<vmem>>
        %gather3A_1308 = tpu.vector_load_idx %gather3A_1307[%add3A_1227, %broadcast_in_dim3A_1303] : memref<80x8xf32, #tpu.memory_space<vmem>>[vector<16xi32>, vector<16xi32>], vector<16xf32>,
        %get3A_1309 = arith.index_cast %rem3A_716 : i32 to index
        %get3A_1310 = arith.index_cast %add3A_1223 : i32 to index
        %get3A_1311 = arith.constant 96 : index
        %get3A_1312 = tpu.vector_load %arg14[%get3A_1309, %get3A_1310, %get3A_1311] {strides = array<i32>} : memref<2x80x128xf32, #tpu.memory_space<vmem>>, vector<16xf32>,
        %mul3A_1313 = arith.mulf %get3A_1312, %gather3A_1308 : vector<16xf32>
        %swap3A_1314 = arith.index_cast %rem3A_716 : i32 to index
        %swap3A_1315 = arith.index_cast %add3A_1223 : i32 to index
        %swap3A_1316 = arith.constant 96 : index
        %swap3A_1317 = tpu.vector_load %arg15[%swap3A_1314, %swap3A_1315, %swap3A_1316] {strides = array<i32>} : memref<2x80x128xf32, #tpu.memory_space<vmem>>, vector<16xf32>,
        tpu.vector_store %arg15[%swap3A_1314, %swap3A_1315, %swap3A_1316], %mul3A_1313 {strides = array<i32>} : memref<2x80x128xf32, #tpu.memory_space<vmem>>, vector<16xf32>,
        %get3A_1318 = arith.index_cast %rem3A_716 : i32 to index
        %get3A_1319 = arith.index_cast %add3A_1223 : i32 to index
        %get3A_1320 = arith.constant 112 : index
        %get3A_1321 = tpu.vector_load %arg14[%get3A_1318, %get3A_1319, %get3A_1320] {strides = array<i32>} : memref<2x80x128xf32, #tpu.memory_space<vmem>>, vector<16xf32>,
        %mul3A_1322 = arith.mulf %get3A_1321, %gather3A_1308 : vector<16xf32>
        %swap3A_1323 = arith.index_cast %rem3A_716 : i32 to index
        %swap3A_1324 = arith.index_cast %add3A_1223 : i32 to index
        %swap3A_1325 = arith.constant 112 : index
        %swap3A_1326 = tpu.vector_load %arg15[%swap3A_1323, %swap3A_1324, %swap3A_1325] {strides = array<i32>} : memref<2x80x128xf32, #tpu.memory_space<vmem>>, vector<16xf32>,
        tpu.vector_store %arg15[%swap3A_1323, %swap3A_1324, %swap3A_1325], %mul3A_1322 {strides = array<i32>} : memref<2x80x128xf32, #tpu.memory_space<vmem>>, vector<16xf32>,
        %scan3A_1327 = arith.constant 1 : i32
        %scan3A_1328 = arith.addi %scan3A_1219, %scan3A_1327 : i32
        %mul3A_1329 = arith.constant 1 : i32
        %mul3A_1330 = arith.muli %scan3A_1328, %mul3A_1329 : i32
        %add3A_1331 = arith.constant 0 : i32
        %add3A_1332 = arith.addi %add3A_1331, %mul3A_1330 : i32
        %broadcast_in_dim3A_1333 = arith.constant 0 : i32
        %broadcast_in_dim3A_1334 = vector.broadcast %broadcast_in_dim3A_1333 : i32 to vector<16xi32>
        %add3A_1335 = vector.broadcast %add3A_1332 : i32 to vector<16xi32>
        %add3A_1336 = arith.addi %broadcast_in_dim3A_1334, %add3A_1335 : vector<16xi32>
        %broadcast_in_dim3A_1337 = arith.constant 0 : i32
        %broadcast_in_dim3A_1338 = vector.broadcast %broadcast_in_dim3A_1337 : i32 to vector<16xi32>
        %gather3A_1339 = arith.constant 0 : i32
        %gather3A_1340 = arith.constant 0 : i32
        %gather3A_1341 = tpu.memref_slice %arg16[%rem3A_716, %gather3A_1339, %gather3A_1340] : memref<2x80x8xf32, #tpu.memory_space<vmem>> -> memref<1x80x8xf32, #tpu.memory_space<vmem>>
        %gather3A_1342 = tpu.memref_squeeze %gather3A_1341 : memref<1x80x8xf32, #tpu.memory_space<vmem>> -> memref<80x8xf32, #tpu.memory_space<vmem>>
        %gather3A_1343 = tpu.vector_load_idx %gather3A_1342[%add3A_1336, %broadcast_in_dim3A_1338] : memref<80x8xf32, #tpu.memory_space<vmem>>[vector<16xi32>, vector<16xi32>], vector<16xf32>,
        %get3A_1344 = arith.index_cast %rem3A_716 : i32 to index
        %get3A_1345 = arith.index_cast %add3A_1332 : i32 to index
        %get3A_1346 = arith.constant 0 : index
        %get3A_1347 = tpu.vector_load %arg14[%get3A_1344, %get3A_1345, %get3A_1346] {strides = array<i32>} : memref<2x80x128xf32, #tpu.memory_space<vmem>>, vector<16xf32>,
        %mul3A_1348 = arith.mulf %get3A_1347, %gather3A_1343 : vector<16xf32>
        %swap3A_1349 = arith.index_cast %rem3A_716 : i32 to index
        %swap3A_1350 = arith.index_cast %add3A_1332 : i32 to index
        %swap3A_1351 = arith.constant 0 : index
        %swap3A_1352 = tpu.vector_load %arg15[%swap3A_1349, %swap3A_1350, %swap3A_1351] {strides = array<i32>} : memref<2x80x128xf32, #tpu.memory_space<vmem>>, vector<16xf32>,
        tpu.vector_store %arg15[%swap3A_1349, %swap3A_1350, %swap3A_1351], %mul3A_1348 {strides = array<i32>} : memref<2x80x128xf32, #tpu.memory_space<vmem>>, vector<16xf32>,
        %get3A_1353 = arith.index_cast %rem3A_716 : i32 to index
        %get3A_1354 = arith.index_cast %add3A_1332 : i32 to index
        %get3A_1355 = arith.constant 16 : index
        %get3A_1356 = tpu.vector_load %arg14[%get3A_1353, %get3A_1354, %get3A_1355] {strides = array<i32>} : memref<2x80x128xf32, #tpu.memory_space<vmem>>, vector<16xf32>,
        %mul3A_1357 = arith.mulf %get3A_1356, %gather3A_1343 : vector<16xf32>
        %swap3A_1358 = arith.index_cast %rem3A_716 : i32 to index
        %swap3A_1359 = arith.index_cast %add3A_1332 : i32 to index
        %swap3A_1360 = arith.constant 16 : index
        %swap3A_1361 = tpu.vector_load %arg15[%swap3A_1358, %swap3A_1359, %swap3A_1360] {strides = array<i32>} : memref<2x80x128xf32, #tpu.memory_space<vmem>>, vector<16xf32>,
        tpu.vector_store %arg15[%swap3A_1358, %swap3A_1359, %swap3A_1360], %mul3A_1357 {strides = array<i32>} : memref<2x80x128xf32, #tpu.memory_space<vmem>>, vector<16xf32>,
        %broadcast_in_dim3A_1362 = arith.constant 1 : i32
        %broadcast_in_dim3A_1363 = vector.broadcast %broadcast_in_dim3A_1362 : i32 to vector<16xi32>
        %gather3A_1364 = arith.constant 0 : i32
        %gather3A_1365 = arith.constant 0 : i32
        %gather3A_1366 = tpu.memref_slice %arg16[%rem3A_716, %gather3A_1364, %gather3A_1365] : memref<2x80x8xf32, #tpu.memory_space<vmem>> -> memref<1x80x8xf32, #tpu.memory_space<vmem>>
        %gather3A_1367 = tpu.memref_squeeze %gather3A_1366 : memref<1x80x8xf32, #tpu.memory_space<vmem>> -> memref<80x8xf32, #tpu.memory_space<vmem>>
        %gather3A_1368 = tpu.vector_load_idx %gather3A_1367[%add3A_1336, %broadcast_in_dim3A_1363] : memref<80x8xf32, #tpu.memory_space<vmem>>[vector<16xi32>, vector<16xi32>], vector<16xf32>,
        %get3A_1369 = arith.index_cast %rem3A_716 : i32 to index
        %get3A_1370 = arith.index_cast %add3A_1332 : i32 to index
        %get3A_1371 = arith.constant 32 : index
        %get3A_1372 = tpu.vector_load %arg14[%get3A_1369, %get3A_1370, %get3A_1371] {strides = array<i32>} : memref<2x80x128xf32, #tpu.memory_space<vmem>>, vector<16xf32>,
        %mul3A_1373 = arith.mulf %get3A_1372, %gather3A_1368 : vector<16xf32>
        %swap3A_1374 = arith.index_cast %rem3A_716 : i32 to index
        %swap3A_1375 = arith.index_cast %add3A_1332 : i32 to index
        %swap3A_1376 = arith.constant 32 : index
        %swap3A_1377 = tpu.vector_load %arg15[%swap3A_1374, %swap3A_1375, %swap3A_1376] {strides = array<i32>} : memref<2x80x128xf32, #tpu.memory_space<vmem>>, vector<16xf32>,
        tpu.vector_store %arg15[%swap3A_1374, %swap3A_1375, %swap3A_1376], %mul3A_1373 {strides = array<i32>} : memref<2x80x128xf32, #tpu.memory_space<vmem>>, vector<16xf32>,
        %get3A_1378 = arith.index_cast %rem3A_716 : i32 to index
        %get3A_1379 = arith.index_cast %add3A_1332 : i32 to index
        %get3A_1380 = arith.constant 48 : index
        %get3A_1381 = tpu.vector_load %arg14[%get3A_1378, %get3A_1379, %get3A_1380] {strides = array<i32>} : memref<2x80x128xf32, #tpu.memory_space<vmem>>, vector<16xf32>,
        %mul3A_1382 = arith.mulf %get3A_1381, %gather3A_1368 : vector<16xf32>
        %swap3A_1383 = arith.index_cast %rem3A_716 : i32 to index
        %swap3A_1384 = arith.index_cast %add3A_1332 : i32 to index
        %swap3A_1385 = arith.constant 48 : index
        %swap3A_1386 = tpu.vector_load %arg15[%swap3A_1383, %swap3A_1384, %swap3A_1385] {strides = array<i32>} : memref<2x80x128xf32, #tpu.memory_space<vmem>>, vector<16xf32>,
        tpu.vector_store %arg15[%swap3A_1383, %swap3A_1384, %swap3A_1385], %mul3A_1382 {strides = array<i32>} : memref<2x80x128xf32, #tpu.memory_space<vmem>>, vector<16xf32>,
        %broadcast_in_dim3A_1387 = arith.constant 2 : i32
        %broadcast_in_dim3A_1388 = vector.broadcast %broadcast_in_dim3A_1387 : i32 to vector<16xi32>
        %gather3A_1389 = arith.constant 0 : i32
        %gather3A_1390 = arith.constant 0 : i32
        %gather3A_1391 = tpu.memref_slice %arg16[%rem3A_716, %gather3A_1389, %gather3A_1390] : memref<2x80x8xf32, #tpu.memory_space<vmem>> -> memref<1x80x8xf32, #tpu.memory_space<vmem>>
        %gather3A_1392 = tpu.memref_squeeze %gather3A_1391 : memref<1x80x8xf32, #tpu.memory_space<vmem>> -> memref<80x8xf32, #tpu.memory_space<vmem>>
        %gather3A_1393 = tpu.vector_load_idx %gather3A_1392[%add3A_1336, %broadcast_in_dim3A_1388] : memref<80x8xf32, #tpu.memory_space<vmem>>[vector<16xi32>, vector<16xi32>], vector<16xf32>,
        %get3A_1394 = arith.index_cast %rem3A_716 : i32 to index
        %get3A_1395 = arith.index_cast %add3A_1332 : i32 to index
        %get3A_1396 = arith.constant 64 : index
        %get3A_1397 = tpu.vector_load %arg14[%get3A_1394, %get3A_1395, %get3A_1396] {strides = array<i32>} : memref<2x80x128xf32, #tpu.memory_space<vmem>>, vector<16xf32>,
        %mul3A_1398 = arith.mulf %get3A_1397, %gather3A_1393 : vector<16xf32>
        %swap3A_1399 = arith.index_cast %rem3A_716 : i32 to index
        %swap3A_1400 = arith.index_cast %add3A_1332 : i32 to index
        %swap3A_1401 = arith.constant 64 : index
        %swap3A_1402 = tpu.vector_load %arg15[%swap3A_1399, %swap3A_1400, %swap3A_1401] {strides = array<i32>} : memref<2x80x128xf32, #tpu.memory_space<vmem>>, vector<16xf32>,
        tpu.vector_store %arg15[%swap3A_1399, %swap3A_1400, %swap3A_1401], %mul3A_1398 {strides = array<i32>} : memref<2x80x128xf32, #tpu.memory_space<vmem>>, vector<16xf32>,
        %get3A_1403 = arith.index_cast %rem3A_716 : i32 to index
        %get3A_1404 = arith.index_cast %add3A_1332 : i32 to index
        %get3A_1405 = arith.constant 80 : index
        %get3A_1406 = tpu.vector_load %arg14[%get3A_1403, %get3A_1404, %get3A_1405] {strides = array<i32>} : memref<2x80x128xf32, #tpu.memory_space<vmem>>, vector<16xf32>,
        %mul3A_1407 = arith.mulf %get3A_1406, %gather3A_1393 : vector<16xf32>
        %swap3A_1408 = arith.index_cast %rem3A_716 : i32 to index
        %swap3A_1409 = arith.index_cast %add3A_1332 : i32 to index
        %swap3A_1410 = arith.constant 80 : index
        %swap3A_1411 = tpu.vector_load %arg15[%swap3A_1408, %swap3A_1409, %swap3A_1410] {strides = array<i32>} : memref<2x80x128xf32, #tpu.memory_space<vmem>>, vector<16xf32>,
        tpu.vector_store %arg15[%swap3A_1408, %swap3A_1409, %swap3A_1410], %mul3A_1407 {strides = array<i32>} : memref<2x80x128xf32, #tpu.memory_space<vmem>>, vector<16xf32>,
        %broadcast_in_dim3A_1412 = arith.constant 3 : i32
        %broadcast_in_dim3A_1413 = vector.broadcast %broadcast_in_dim3A_1412 : i32 to vector<16xi32>
        %gather3A_1414 = arith.constant 0 : i32
        %gather3A_1415 = arith.constant 0 : i32
        %gather3A_1416 = tpu.memref_slice %arg16[%rem3A_716, %gather3A_1414, %gather3A_1415] : memref<2x80x8xf32, #tpu.memory_space<vmem>> -> memref<1x80x8xf32, #tpu.memory_space<vmem>>
        %gather3A_1417 = tpu.memref_squeeze %gather3A_1416 : memref<1x80x8xf32, #tpu.memory_space<vmem>> -> memref<80x8xf32, #tpu.memory_space<vmem>>
        %gather3A_1418 = tpu.vector_load_idx %gather3A_1417[%add3A_1336, %broadcast_in_dim3A_1413] : memref<80x8xf32, #tpu.memory_space<vmem>>[vector<16xi32>, vector<16xi32>], vector<16xf32>,
        %get3A_1419 = arith.index_cast %rem3A_716 : i32 to index
        %get3A_1420 = arith.index_cast %add3A_1332 : i32 to index
        %get3A_1421 = arith.constant 96 : index
        %get3A_1422 = tpu.vector_load %arg14[%get3A_1419, %get3A_1420, %get3A_1421] {strides = array<i32>} : memref<2x80x128xf32, #tpu.memory_space<vmem>>, vector<16xf32>,
        %mul3A_1423 = arith.mulf %get3A_1422, %gather3A_1418 : vector<16xf32>
        %swap3A_1424 = arith.index_cast %rem3A_716 : i32 to index
        %swap3A_1425 = arith.index_cast %add3A_1332 : i32 to index
        %swap3A_1426 = arith.constant 96 : index
        %swap3A_1427 = tpu.vector_load %arg15[%swap3A_1424, %swap3A_1425, %swap3A_1426] {strides = array<i32>} : memref<2x80x128xf32, #tpu.memory_space<vmem>>, vector<16xf32>,
        tpu.vector_store %arg15[%swap3A_1424, %swap3A_1425, %swap3A_1426], %mul3A_1423 {strides = array<i32>} : memref<2x80x128xf32, #tpu.memory_space<vmem>>, vector<16xf32>,
        %get3A_1428 = arith.index_cast %rem3A_716 : i32 to index
        %get3A_1429 = arith.index_cast %add3A_1332 : i32 to index
        %get3A_1430 = arith.constant 112 : index
        %get3A_1431 = tpu.vector_load %arg14[%get3A_1428, %get3A_1429, %get3A_1430] {strides = array<i32>} : memref<2x80x128xf32, #tpu.memory_space<vmem>>, vector<16xf32>,
        %mul3A_1432 = arith.mulf %get3A_1431, %gather3A_1418 : vector<16xf32>
        %swap3A_1433 = arith.index_cast %rem3A_716 : i32 to index
        %swap3A_1434 = arith.index_cast %add3A_1332 : i32 to index
        %swap3A_1435 = arith.constant 112 : index
        %swap3A_1436 = tpu.vector_load %arg15[%swap3A_1433, %swap3A_1434, %swap3A_1435] {strides = array<i32>} : memref<2x80x128xf32, #tpu.memory_space<vmem>>, vector<16xf32>,
        tpu.vector_store %arg15[%swap3A_1433, %swap3A_1434, %swap3A_1435], %mul3A_1432 {strides = array<i32>} : memref<2x80x128xf32, #tpu.memory_space<vmem>>, vector<16xf32>,
        %scan3A_1437 = arith.constant 2 : i32
        %scan3A_1438 = arith.addi %scan3A_1219, %scan3A_1437 : i32
        %mul3A_1439 = arith.constant 1 : i32
        %mul3A_1440 = arith.muli %scan3A_1438, %mul3A_1439 : i32
        %add3A_1441 = arith.constant 0 : i32
        %add3A_1442 = arith.addi %add3A_1441, %mul3A_1440 : i32
        %broadcast_in_dim3A_1443 = arith.constant 0 : i32
        %broadcast_in_dim3A_1444 = vector.broadcast %broadcast_in_dim3A_1443 : i32 to vector<16xi32>
        %add3A_1445 = vector.broadcast %add3A_1442 : i32 to vector<16xi32>
        %add3A_1446 = arith.addi %broadcast_in_dim3A_1444, %add3A_1445 : vector<16xi32>
        %broadcast_in_dim3A_1447 = arith.constant 0 : i32
        %broadcast_in_dim3A_1448 = vector.broadcast %broadcast_in_dim3A_1447 : i32 to vector<16xi32>
        %gather3A_1449 = arith.constant 0 : i32
        %gather3A_1450 = arith.constant 0 : i32
        %gather3A_1451 = tpu.memref_slice %arg16[%rem3A_716, %gather3A_1449, %gather3A_1450] : memref<2x80x8xf32, #tpu.memory_space<vmem>> -> memref<1x80x8xf32, #tpu.memory_space<vmem>>
        %gather3A_1452 = tpu.memref_squeeze %gather3A_1451 : memref<1x80x8xf32, #tpu.memory_space<vmem>> -> memref<80x8xf32, #tpu.memory_space<vmem>>
        %gather3A_1453 = tpu.vector_load_idx %gather3A_1452[%add3A_1446, %broadcast_in_dim3A_1448] : memref<80x8xf32, #tpu.memory_space<vmem>>[vector<16xi32>, vector<16xi32>], vector<16xf32>,
        %get3A_1454 = arith.index_cast %rem3A_716 : i32 to index
        %get3A_1455 = arith.index_cast %add3A_1442 : i32 to index
        %get3A_1456 = arith.constant 0 : index
        %get3A_1457 = tpu.vector_load %arg14[%get3A_1454, %get3A_1455, %get3A_1456] {strides = array<i32>} : memref<2x80x128xf32, #tpu.memory_space<vmem>>, vector<16xf32>,
        %mul3A_1458 = arith.mulf %get3A_1457, %gather3A_1453 : vector<16xf32>
        %swap3A_1459 = arith.index_cast %rem3A_716 : i32 to index
        %swap3A_1460 = arith.index_cast %add3A_1442 : i32 to index
        %swap3A_1461 = arith.constant 0 : index
        %swap3A_1462 = tpu.vector_load %arg15[%swap3A_1459, %swap3A_1460, %swap3A_1461] {strides = array<i32>} : memref<2x80x128xf32, #tpu.memory_space<vmem>>, vector<16xf32>,
        tpu.vector_store %arg15[%swap3A_1459, %swap3A_1460, %swap3A_1461], %mul3A_1458 {strides = array<i32>} : memref<2x80x128xf32, #tpu.memory_space<vmem>>, vector<16xf32>,
        %get3A_1463 = arith.index_cast %rem3A_716 : i32 to index
        %get3A_1464 = arith.index_cast %add3A_1442 : i32 to index
        %get3A_1465 = arith.constant 16 : index
        %get3A_1466 = tpu.vector_load %arg14[%get3A_1463, %get3A_1464, %get3A_1465] {strides = array<i32>} : memref<2x80x128xf32, #tpu.memory_space<vmem>>, vector<16xf32>,
        %mul3A_1467 = arith.mulf %get3A_1466, %gather3A_1453 : vector<16xf32>
        %swap3A_1468 = arith.index_cast %rem3A_716 : i32 to index
        %swap3A_1469 = arith.index_cast %add3A_1442 : i32 to index
        %swap3A_1470 = arith.constant 16 : index
        %swap3A_1471 = tpu.vector_load %arg15[%swap3A_1468, %swap3A_1469, %swap3A_1470] {strides = array<i32>} : memref<2x80x128xf32, #tpu.memory_space<vmem>>, vector<16xf32>,
        tpu.vector_store %arg15[%swap3A_1468, %swap3A_1469, %swap3A_1470], %mul3A_1467 {strides = array<i32>} : memref<2x80x128xf32, #tpu.memory_space<vmem>>, vector<16xf32>,
        %broadcast_in_dim3A_1472 = arith.constant 1 : i32
        %broadcast_in_dim3A_1473 = vector.broadcast %broadcast_in_dim3A_1472 : i32 to vector<16xi32>
        %gather3A_1474 = arith.constant 0 : i32
        %gather3A_1475 = arith.constant 0 : i32
        %gather3A_1476 = tpu.memref_slice %arg16[%rem3A_716, %gather3A_1474, %gather3A_1475] : memref<2x80x8xf32, #tpu.memory_space<vmem>> -> memref<1x80x8xf32, #tpu.memory_space<vmem>>
        %gather3A_1477 = tpu.memref_squeeze %gather3A_1476 : memref<1x80x8xf32, #tpu.memory_space<vmem>> -> memref<80x8xf32, #tpu.memory_space<vmem>>
        %gather3A_1478 = tpu.vector_load_idx %gather3A_1477[%add3A_1446, %broadcast_in_dim3A_1473] : memref<80x8xf32, #tpu.memory_space<vmem>>[vector<16xi32>, vector<16xi32>], vector<16xf32>,
        %get3A_1479 = arith.index_cast %rem3A_716 : i32 to index
        %get3A_1480 = arith.index_cast %add3A_1442 : i32 to index
        %get3A_1481 = arith.constant 32 : index
        %get3A_1482 = tpu.vector_load %arg14[%get3A_1479, %get3A_1480, %get3A_1481] {strides = array<i32>} : memref<2x80x128xf32, #tpu.memory_space<vmem>>, vector<16xf32>,
        %mul3A_1483 = arith.mulf %get3A_1482, %gather3A_1478 : vector<16xf32>
        %swap3A_1484 = arith.index_cast %rem3A_716 : i32 to index
        %swap3A_1485 = arith.index_cast %add3A_1442 : i32 to index
        %swap3A_1486 = arith.constant 32 : index
        %swap3A_1487 = tpu.vector_load %arg15[%swap3A_1484, %swap3A_1485, %swap3A_1486] {strides = array<i32>} : memref<2x80x128xf32, #tpu.memory_space<vmem>>, vector<16xf32>,
        tpu.vector_store %arg15[%swap3A_1484, %swap3A_1485, %swap3A_1486], %mul3A_1483 {strides = array<i32>} : memref<2x80x128xf32, #tpu.memory_space<vmem>>, vector<16xf32>,
        %get3A_1488 = arith.index_cast %rem3A_716 : i32 to index
        %get3A_1489 = arith.index_cast %add3A_1442 : i32 to index
        %get3A_1490 = arith.constant 48 : index
        %get3A_1491 = tpu.vector_load %arg14[%get3A_1488, %get3A_1489, %get3A_1490] {strides = array<i32>} : memref<2x80x128xf32, #tpu.memory_space<vmem>>, vector<16xf32>,
        %mul3A_1492 = arith.mulf %get3A_1491, %gather3A_1478 : vector<16xf32>
        %swap3A_1493 = arith.index_cast %rem3A_716 : i32 to index
        %swap3A_1494 = arith.index_cast %add3A_1442 : i32 to index
        %swap3A_1495 = arith.constant 48 : index
        %swap3A_1496 = tpu.vector_load %arg15[%swap3A_1493, %swap3A_1494, %swap3A_1495] {strides = array<i32>} : memref<2x80x128xf32, #tpu.memory_space<vmem>>, vector<16xf32>,
        tpu.vector_store %arg15[%swap3A_1493, %swap3A_1494, %swap3A_1495], %mul3A_1492 {strides = array<i32>} : memref<2x80x128xf32, #tpu.memory_space<vmem>>, vector<16xf32>,
        %broadcast_in_dim3A_1497 = arith.constant 2 : i32
        %broadcast_in_dim3A_1498 = vector.broadcast %broadcast_in_dim3A_1497 : i32 to vector<16xi32>
        %gather3A_1499 = arith.constant 0 : i32
        %gather3A_1500 = arith.constant 0 : i32
        %gather3A_1501 = tpu.memref_slice %arg16[%rem3A_716, %gather3A_1499, %gather3A_1500] : memref<2x80x8xf32, #tpu.memory_space<vmem>> -> memref<1x80x8xf32, #tpu.memory_space<vmem>>
        %gather3A_1502 = tpu.memref_squeeze %gather3A_1501 : memref<1x80x8xf32, #tpu.memory_space<vmem>> -> memref<80x8xf32, #tpu.memory_space<vmem>>
        %gather3A_1503 = tpu.vector_load_idx %gather3A_1502[%add3A_1446, %broadcast_in_dim3A_1498] : memref<80x8xf32, #tpu.memory_space<vmem>>[vector<16xi32>, vector<16xi32>], vector<16xf32>,
        %get3A_1504 = arith.index_cast %rem3A_716 : i32 to index
        %get3A_1505 = arith.index_cast %add3A_1442 : i32 to index
        %get3A_1506 = arith.constant 64 : index
        %get3A_1507 = tpu.vector_load %arg14[%get3A_1504, %get3A_1505, %get3A_1506] {strides = array<i32>} : memref<2x80x128xf32, #tpu.memory_space<vmem>>, vector<16xf32>,
        %mul3A_1508 = arith.mulf %get3A_1507, %gather3A_1503 : vector<16xf32>
        %swap3A_1509 = arith.index_cast %rem3A_716 : i32 to index
        %swap3A_1510 = arith.index_cast %add3A_1442 : i32 to index
        %swap3A_1511 = arith.constant 64 : index
        %swap3A_1512 = tpu.vector_load %arg15[%swap3A_1509, %swap3A_1510, %swap3A_1511] {strides = array<i32>} : memref<2x80x128xf32, #tpu.memory_space<vmem>>, vector<16xf32>,
        tpu.vector_store %arg15[%swap3A_1509, %swap3A_1510, %swap3A_1511], %mul3A_1508 {strides = array<i32>} : memref<2x80x128xf32, #tpu.memory_space<vmem>>, vector<16xf32>,
        %get3A_1513 = arith.index_cast %rem3A_716 : i32 to index
        %get3A_1514 = arith.index_cast %add3A_1442 : i32 to index
        %get3A_1515 = arith.constant 80 : index
        %get3A_1516 = tpu.vector_load %arg14[%get3A_1513, %get3A_1514, %get3A_1515] {strides = array<i32>} : memref<2x80x128xf32, #tpu.memory_space<vmem>>, vector<16xf32>,
        %mul3A_1517 = arith.mulf %get3A_1516, %gather3A_1503 : vector<16xf32>
        %swap3A_1518 = arith.index_cast %rem3A_716 : i32 to index
        %swap3A_1519 = arith.index_cast %add3A_1442 : i32 to index
        %swap3A_1520 = arith.constant 80 : index
        %swap3A_1521 = tpu.vector_load %arg15[%swap3A_1518, %swap3A_1519, %swap3A_1520] {strides = array<i32>} : memref<2x80x128xf32, #tpu.memory_space<vmem>>, vector<16xf32>,
        tpu.vector_store %arg15[%swap3A_1518, %swap3A_1519, %swap3A_1520], %mul3A_1517 {strides = array<i32>} : memref<2x80x128xf32, #tpu.memory_space<vmem>>, vector<16xf32>,
        %broadcast_in_dim3A_1522 = arith.constant 3 : i32
        %broadcast_in_dim3A_1523 = vector.broadcast %broadcast_in_dim3A_1522 : i32 to vector<16xi32>
        %gather3A_1524 = arith.constant 0 : i32
        %gather3A_1525 = arith.constant 0 : i32
        %gather3A_1526 = tpu.memref_slice %arg16[%rem3A_716, %gather3A_1524, %gather3A_1525] : memref<2x80x8xf32, #tpu.memory_space<vmem>> -> memref<1x80x8xf32, #tpu.memory_space<vmem>>
        %gather3A_1527 = tpu.memref_squeeze %gather3A_1526 : memref<1x80x8xf32, #tpu.memory_space<vmem>> -> memref<80x8xf32, #tpu.memory_space<vmem>>
        %gather3A_1528 = tpu.vector_load_idx %gather3A_1527[%add3A_1446, %broadcast_in_dim3A_1523] : memref<80x8xf32, #tpu.memory_space<vmem>>[vector<16xi32>, vector<16xi32>], vector<16xf32>,
        %get3A_1529 = arith.index_cast %rem3A_716 : i32 to index
        %get3A_1530 = arith.index_cast %add3A_1442 : i32 to index
        %get3A_1531 = arith.constant 96 : index
        %get3A_1532 = tpu.vector_load %arg14[%get3A_1529, %get3A_1530, %get3A_1531] {strides = array<i32>} : memref<2x80x128xf32, #tpu.memory_space<vmem>>, vector<16xf32>,
        %mul3A_1533 = arith.mulf %get3A_1532, %gather3A_1528 : vector<16xf32>
        %swap3A_1534 = arith.index_cast %rem3A_716 : i32 to index
        %swap3A_1535 = arith.index_cast %add3A_1442 : i32 to index
        %swap3A_1536 = arith.constant 96 : index
        %swap3A_1537 = tpu.vector_load %arg15[%swap3A_1534, %swap3A_1535, %swap3A_1536] {strides = array<i32>} : memref<2x80x128xf32, #tpu.memory_space<vmem>>, vector<16xf32>,
        tpu.vector_store %arg15[%swap3A_1534, %swap3A_1535, %swap3A_1536], %mul3A_1533 {strides = array<i32>} : memref<2x80x128xf32, #tpu.memory_space<vmem>>, vector<16xf32>,
        %get3A_1538 = arith.index_cast %rem3A_716 : i32 to index
        %get3A_1539 = arith.index_cast %add3A_1442 : i32 to index
        %get3A_1540 = arith.constant 112 : index
        %get3A_1541 = tpu.vector_load %arg14[%get3A_1538, %get3A_1539, %get3A_1540] {strides = array<i32>} : memref<2x80x128xf32, #tpu.memory_space<vmem>>, vector<16xf32>,
        %mul3A_1542 = arith.mulf %get3A_1541, %gather3A_1528 : vector<16xf32>
        %swap3A_1543 = arith.index_cast %rem3A_716 : i32 to index
        %swap3A_1544 = arith.index_cast %add3A_1442 : i32 to index
        %swap3A_1545 = arith.constant 112 : index
        %swap3A_1546 = tpu.vector_load %arg15[%swap3A_1543, %swap3A_1544, %swap3A_1545] {strides = array<i32>} : memref<2x80x128xf32, #tpu.memory_space<vmem>>, vector<16xf32>,
        tpu.vector_store %arg15[%swap3A_1543, %swap3A_1544, %swap3A_1545], %mul3A_1542 {strides = array<i32>} : memref<2x80x128xf32, #tpu.memory_space<vmem>>, vector<16xf32>,
        %scan3A_1547 = arith.constant 3 : i32
        %scan3A_1548 = arith.addi %scan3A_1219, %scan3A_1547 : i32
        %mul3A_1549 = arith.constant 1 : i32
        %mul3A_1550 = arith.muli %scan3A_1548, %mul3A_1549 : i32
        %add3A_1551 = arith.constant 0 : i32
        %add3A_1552 = arith.addi %add3A_1551, %mul3A_1550 : i32
        %broadcast_in_dim3A_1553 = arith.constant 0 : i32
        %broadcast_in_dim3A_1554 = vector.broadcast %broadcast_in_dim3A_1553 : i32 to vector<16xi32>
        %add3A_1555 = vector.broadcast %add3A_1552 : i32 to vector<16xi32>
        %add3A_1556 = arith.addi %broadcast_in_dim3A_1554, %add3A_1555 : vector<16xi32>
        %broadcast_in_dim3A_1557 = arith.constant 0 : i32
        %broadcast_in_dim3A_1558 = vector.broadcast %broadcast_in_dim3A_1557 : i32 to vector<16xi32>
        %gather3A_1559 = arith.constant 0 : i32
        %gather3A_1560 = arith.constant 0 : i32
        %gather3A_1561 = tpu.memref_slice %arg16[%rem3A_716, %gather3A_1559, %gather3A_1560] : memref<2x80x8xf32, #tpu.memory_space<vmem>> -> memref<1x80x8xf32, #tpu.memory_space<vmem>>
        %gather3A_1562 = tpu.memref_squeeze %gather3A_1561 : memref<1x80x8xf32, #tpu.memory_space<vmem>> -> memref<80x8xf32, #tpu.memory_space<vmem>>
        %gather3A_1563 = tpu.vector_load_idx %gather3A_1562[%add3A_1556, %broadcast_in_dim3A_1558] : memref<80x8xf32, #tpu.memory_space<vmem>>[vector<16xi32>, vector<16xi32>], vector<16xf32>,
        %get3A_1564 = arith.index_cast %rem3A_716 : i32 to index
        %get3A_1565 = arith.index_cast %add3A_1552 : i32 to index
        %get3A_1566 = arith.constant 0 : index
        %get3A_1567 = tpu.vector_load %arg14[%get3A_1564, %get3A_1565, %get3A_1566] {strides = array<i32>} : memref<2x80x128xf32, #tpu.memory_space<vmem>>, vector<16xf32>,
        %mul3A_1568 = arith.mulf %get3A_1567, %gather3A_1563 : vector<16xf32>
        %swap3A_1569 = arith.index_cast %rem3A_716 : i32 to index
        %swap3A_1570 = arith.index_cast %add3A_1552 : i32 to index
        %swap3A_1571 = arith.constant 0 : index
        %swap3A_1572 = tpu.vector_load %arg15[%swap3A_1569, %swap3A_1570, %swap3A_1571] {strides = array<i32>} : memref<2x80x128xf32, #tpu.memory_space<vmem>>, vector<16xf32>,
        tpu.vector_store %arg15[%swap3A_1569, %swap3A_1570, %swap3A_1571], %mul3A_1568 {strides = array<i32>} : memref<2x80x128xf32, #tpu.memory_space<vmem>>, vector<16xf32>,
        %get3A_1573 = arith.index_cast %rem3A_716 : i32 to index
        %get3A_1574 = arith.index_cast %add3A_1552 : i32 to index
        %get3A_1575 = arith.constant 16 : index
        %get3A_1576 = tpu.vector_load %arg14[%get3A_1573, %get3A_1574, %get3A_1575] {strides = array<i32>} : memref<2x80x128xf32, #tpu.memory_space<vmem>>, vector<16xf32>,
        %mul3A_1577 = arith.mulf %get3A_1576, %gather3A_1563 : vector<16xf32>
        %swap3A_1578 = arith.index_cast %rem3A_716 : i32 to index
        %swap3A_1579 = arith.index_cast %add3A_1552 : i32 to index
        %swap3A_1580 = arith.constant 16 : index
        %swap3A_1581 = tpu.vector_load %arg15[%swap3A_1578, %swap3A_1579, %swap3A_1580] {strides = array<i32>} : memref<2x80x128xf32, #tpu.memory_space<vmem>>, vector<16xf32>,
        tpu.vector_store %arg15[%swap3A_1578, %swap3A_1579, %swap3A_1580], %mul3A_1577 {strides = array<i32>} : memref<2x80x128xf32, #tpu.memory_space<vmem>>, vector<16xf32>,
        %broadcast_in_dim3A_1582 = arith.constant 1 : i32
        %broadcast_in_dim3A_1583 = vector.broadcast %broadcast_in_dim3A_1582 : i32 to vector<16xi32>
        %gather3A_1584 = arith.constant 0 : i32
        %gather3A_1585 = arith.constant 0 : i32
        %gather3A_1586 = tpu.memref_slice %arg16[%rem3A_716, %gather3A_1584, %gather3A_1585] : memref<2x80x8xf32, #tpu.memory_space<vmem>> -> memref<1x80x8xf32, #tpu.memory_space<vmem>>
        %gather3A_1587 = tpu.memref_squeeze %gather3A_1586 : memref<1x80x8xf32, #tpu.memory_space<vmem>> -> memref<80x8xf32, #tpu.memory_space<vmem>>
        %gather3A_1588 = tpu.vector_load_idx %gather3A_1587[%add3A_1556, %broadcast_in_dim3A_1583] : memref<80x8xf32, #tpu.memory_space<vmem>>[vector<16xi32>, vector<16xi32>], vector<16xf32>,
        %get3A_1589 = arith.index_cast %rem3A_716 : i32 to index
        %get3A_1590 = arith.index_cast %add3A_1552 : i32 to index
        %get3A_1591 = arith.constant 32 : index
        %get3A_1592 = tpu.vector_load %arg14[%get3A_1589, %get3A_1590, %get3A_1591] {strides = array<i32>} : memref<2x80x128xf32, #tpu.memory_space<vmem>>, vector<16xf32>,
        %mul3A_1593 = arith.mulf %get3A_1592, %gather3A_1588 : vector<16xf32>
        %swap3A_1594 = arith.index_cast %rem3A_716 : i32 to index
        %swap3A_1595 = arith.index_cast %add3A_1552 : i32 to index
        %swap3A_1596 = arith.constant 32 : index
        %swap3A_1597 = tpu.vector_load %arg15[%swap3A_1594, %swap3A_1595, %swap3A_1596] {strides = array<i32>} : memref<2x80x128xf32, #tpu.memory_space<vmem>>, vector<16xf32>,
        tpu.vector_store %arg15[%swap3A_1594, %swap3A_1595, %swap3A_1596], %mul3A_1593 {strides = array<i32>} : memref<2x80x128xf32, #tpu.memory_space<vmem>>, vector<16xf32>,
        %get3A_1598 = arith.index_cast %rem3A_716 : i32 to index
        %get3A_1599 = arith.index_cast %add3A_1552 : i32 to index
        %get3A_1600 = arith.constant 48 : index
        %get3A_1601 = tpu.vector_load %arg14[%get3A_1598, %get3A_1599, %get3A_1600] {strides = array<i32>} : memref<2x80x128xf32, #tpu.memory_space<vmem>>, vector<16xf32>,
        %mul3A_1602 = arith.mulf %get3A_1601, %gather3A_1588 : vector<16xf32>
        %swap3A_1603 = arith.index_cast %rem3A_716 : i32 to index
        %swap3A_1604 = arith.index_cast %add3A_1552 : i32 to index
        %swap3A_1605 = arith.constant 48 : index
        %swap3A_1606 = tpu.vector_load %arg15[%swap3A_1603, %swap3A_1604, %swap3A_1605] {strides = array<i32>} : memref<2x80x128xf32, #tpu.memory_space<vmem>>, vector<16xf32>,
        tpu.vector_store %arg15[%swap3A_1603, %swap3A_1604, %swap3A_1605], %mul3A_1602 {strides = array<i32>} : memref<2x80x128xf32, #tpu.memory_space<vmem>>, vector<16xf32>,
        %broadcast_in_dim3A_1607 = arith.constant 2 : i32
        %broadcast_in_dim3A_1608 = vector.broadcast %broadcast_in_dim3A_1607 : i32 to vector<16xi32>
        %gather3A_1609 = arith.constant 0 : i32
        %gather3A_1610 = arith.constant 0 : i32
        %gather3A_1611 = tpu.memref_slice %arg16[%rem3A_716, %gather3A_1609, %gather3A_1610] : memref<2x80x8xf32, #tpu.memory_space<vmem>> -> memref<1x80x8xf32, #tpu.memory_space<vmem>>
        %gather3A_1612 = tpu.memref_squeeze %gather3A_1611 : memref<1x80x8xf32, #tpu.memory_space<vmem>> -> memref<80x8xf32, #tpu.memory_space<vmem>>
        %gather3A_1613 = tpu.vector_load_idx %gather3A_1612[%add3A_1556, %broadcast_in_dim3A_1608] : memref<80x8xf32, #tpu.memory_space<vmem>>[vector<16xi32>, vector<16xi32>], vector<16xf32>,
        %get3A_1614 = arith.index_cast %rem3A_716 : i32 to index
        %get3A_1615 = arith.index_cast %add3A_1552 : i32 to index
        %get3A_1616 = arith.constant 64 : index
        %get3A_1617 = tpu.vector_load %arg14[%get3A_1614, %get3A_1615, %get3A_1616] {strides = array<i32>} : memref<2x80x128xf32, #tpu.memory_space<vmem>>, vector<16xf32>,
        %mul3A_1618 = arith.mulf %get3A_1617, %gather3A_1613 : vector<16xf32>
        %swap3A_1619 = arith.index_cast %rem3A_716 : i32 to index
        %swap3A_1620 = arith.index_cast %add3A_1552 : i32 to index
        %swap3A_1621 = arith.constant 64 : index
        %swap3A_1622 = tpu.vector_load %arg15[%swap3A_1619, %swap3A_1620, %swap3A_1621] {strides = array<i32>} : memref<2x80x128xf32, #tpu.memory_space<vmem>>, vector<16xf32>,
        tpu.vector_store %arg15[%swap3A_1619, %swap3A_1620, %swap3A_1621], %mul3A_1618 {strides = array<i32>} : memref<2x80x128xf32, #tpu.memory_space<vmem>>, vector<16xf32>,
        %get3A_1623 = arith.index_cast %rem3A_716 : i32 to index
        %get3A_1624 = arith.index_cast %add3A_1552 : i32 to index
        %get3A_1625 = arith.constant 80 : index
        %get3A_1626 = tpu.vector_load %arg14[%get3A_1623, %get3A_1624, %get3A_1625] {strides = array<i32>} : memref<2x80x128xf32, #tpu.memory_space<vmem>>, vector<16xf32>,
        %mul3A_1627 = arith.mulf %get3A_1626, %gather3A_1613 : vector<16xf32>
        %swap3A_1628 = arith.index_cast %rem3A_716 : i32 to index
        %swap3A_1629 = arith.index_cast %add3A_1552 : i32 to index
        %swap3A_1630 = arith.constant 80 : index
        %swap3A_1631 = tpu.vector_load %arg15[%swap3A_1628, %swap3A_1629, %swap3A_1630] {strides = array<i32>} : memref<2x80x128xf32, #tpu.memory_space<vmem>>, vector<16xf32>,
        tpu.vector_store %arg15[%swap3A_1628, %swap3A_1629, %swap3A_1630], %mul3A_1627 {strides = array<i32>} : memref<2x80x128xf32, #tpu.memory_space<vmem>>, vector<16xf32>,
        %broadcast_in_dim3A_1632 = arith.constant 3 : i32
        %broadcast_in_dim3A_1633 = vector.broadcast %broadcast_in_dim3A_1632 : i32 to vector<16xi32>
        %gather3A_1634 = arith.constant 0 : i32
        %gather3A_1635 = arith.constant 0 : i32
        %gather3A_1636 = tpu.memref_slice %arg16[%rem3A_716, %gather3A_1634, %gather3A_1635] : memref<2x80x8xf32, #tpu.memory_space<vmem>> -> memref<1x80x8xf32, #tpu.memory_space<vmem>>
        %gather3A_1637 = tpu.memref_squeeze %gather3A_1636 : memref<1x80x8xf32, #tpu.memory_space<vmem>> -> memref<80x8xf32, #tpu.memory_space<vmem>>
        %gather3A_1638 = tpu.vector_load_idx %gather3A_1637[%add3A_1556, %broadcast_in_dim3A_1633] : memref<80x8xf32, #tpu.memory_space<vmem>>[vector<16xi32>, vector<16xi32>], vector<16xf32>,
        %get3A_1639 = arith.index_cast %rem3A_716 : i32 to index
        %get3A_1640 = arith.index_cast %add3A_1552 : i32 to index
        %get3A_1641 = arith.constant 96 : index
        %get3A_1642 = tpu.vector_load %arg14[%get3A_1639, %get3A_1640, %get3A_1641] {strides = array<i32>} : memref<2x80x128xf32, #tpu.memory_space<vmem>>, vector<16xf32>,
        %mul3A_1643 = arith.mulf %get3A_1642, %gather3A_1638 : vector<16xf32>
        %swap3A_1644 = arith.index_cast %rem3A_716 : i32 to index
        %swap3A_1645 = arith.index_cast %add3A_1552 : i32 to index
        %swap3A_1646 = arith.constant 96 : index
        %swap3A_1647 = tpu.vector_load %arg15[%swap3A_1644, %swap3A_1645, %swap3A_1646] {strides = array<i32>} : memref<2x80x128xf32, #tpu.memory_space<vmem>>, vector<16xf32>,
        tpu.vector_store %arg15[%swap3A_1644, %swap3A_1645, %swap3A_1646], %mul3A_1643 {strides = array<i32>} : memref<2x80x128xf32, #tpu.memory_space<vmem>>, vector<16xf32>,
        %get3A_1648 = arith.index_cast %rem3A_716 : i32 to index
        %get3A_1649 = arith.index_cast %add3A_1552 : i32 to index
        %get3A_1650 = arith.constant 112 : index
        %get3A_1651 = tpu.vector_load %arg14[%get3A_1648, %get3A_1649, %get3A_1650] {strides = array<i32>} : memref<2x80x128xf32, #tpu.memory_space<vmem>>, vector<16xf32>,
        %mul3A_1652 = arith.mulf %get3A_1651, %gather3A_1638 : vector<16xf32>
        %swap3A_1653 = arith.index_cast %rem3A_716 : i32 to index
        %swap3A_1654 = arith.index_cast %add3A_1552 : i32 to index
        %swap3A_1655 = arith.constant 112 : index
        %swap3A_1656 = tpu.vector_load %arg15[%swap3A_1653, %swap3A_1654, %swap3A_1655] {strides = array<i32>} : memref<2x80x128xf32, #tpu.memory_space<vmem>>, vector<16xf32>,
        tpu.vector_store %arg15[%swap3A_1653, %swap3A_1654, %swap3A_1655], %mul3A_1652 {strides = array<i32>} : memref<2x80x128xf32, #tpu.memory_space<vmem>>, vector<16xf32>,
      }
      %scan3A_1196 = arith.constant 80 : i32
      %dma_start3A_1197 = arith.constant 0 : i32
      %dma_start3A_1198 = arith.constant 0 : i32
      %dma_start3A_1199 = arith.constant 0 : i32
      %dma_start3A_1200 = tpu.memref_slice %arg15[%rem3A_716, %dma_start3A_1198, %dma_start3A_1199] : memref<2x80x128xf32, #tpu.memory_space<vmem>> -> memref<1x80x128xf32, #tpu.memory_space<vmem>>
      %dma_start3A_1201 = tpu.memref_squeeze %dma_start3A_1200 : memref<1x80x128xf32, #tpu.memory_space<vmem>> -> memref<80x128xf32, #tpu.memory_space<vmem>>
      %dma_start3A_1202 = arith.constant 0 : i32
      %dma_start3A_1203 = tpu.memref_slice %arg11[%rem3A_718, %dma_start3A_1197, %dma_start3A_1202] : memref<4x1x80xi32, #tpu.memory_space<vmem>> -> memref<1x1x80xi32, #tpu.memory_space<vmem>>
      %dma_start3A_1204 = tpu.memref_squeeze %dma_start3A_1203 : memref<1x1x80xi32, #tpu.memory_space<vmem>> -> memref<80xi32, #tpu.memory_space<vmem>>
      %dma_start3A_1205 = arith.constant 0 : i32
      %dma_start3A_1206 = arith.constant 0 : i32
      %dma_start3A_1207 = tpu.memref_slice %arg8[%dma_start3A_1205, %dma_start3A_1206] : memref<10000x128xf32, #tpu.memory_space<vmem_shared>> -> memref<10000x128xf32, #tpu.memory_space<vmem_shared>>
      tpu.enqueue_indirect_dma source(%dma_start3A_1201 : memref<80x128xf32, #tpu.memory_space<vmem>>) target(%dma_start3A_1207 : memref<10000x128xf32, #tpu.memory_space<vmem_shared>>) offsets(%dma_start3A_1204 : memref<80xi32, #tpu.memory_space<vmem>>) semaphore(%arg21 : memref<!tpu.dma_semaphore, #tpu.memory_space<semaphore_mem>>) {add = true}
      %dma_start3A_1208 = arith.constant 0 : i32
      %dma_start3A_1209 = arith.constant 0 : i32
      %dma_start3A_1210 = arith.constant 0 : i32
      %dma_start3A_1211 = tpu.memref_slice %arg16[%rem3A_716, %dma_start3A_1209, %dma_start3A_1210] : memref<2x80x8xf32, #tpu.memory_space<vmem>> -> memref<1x80x8xf32, #tpu.memory_space<vmem>>
      %dma_start3A_1212 = tpu.memref_squeeze %dma_start3A_1211 : memref<1x80x8xf32, #tpu.memory_space<vmem>> -> memref<80x8xf32, #tpu.memory_space<vmem>>
      %dma_start3A_1213 = arith.constant 0 : i32
      %dma_start3A_1214 = tpu.memref_slice %arg11[%rem3A_718, %dma_start3A_1208, %dma_start3A_1213] : memref<4x1x80xi32, #tpu.memory_space<vmem>> -> memref<1x1x80xi32, #tpu.memory_space<vmem>>
      %dma_start3A_1215 = tpu.memref_squeeze %dma_start3A_1214 : memref<1x1x80xi32, #tpu.memory_space<vmem>> -> memref<80xi32, #tpu.memory_space<vmem>>
      %dma_start3A_1216 = arith.constant 0 : i32
      %dma_start3A_1217 = arith.constant 0 : i32
      %dma_start3A_1218 = tpu.memref_slice %arg9[%dma_start3A_1216, %dma_start3A_1217] : memref<10000x8xf32, #tpu.memory_space<vmem_shared>> -> memref<10000x8xf32, #tpu.memory_space<vmem_shared>>
      tpu.enqueue_indirect_dma source(%dma_start3A_1212 : memref<80x8xf32, #tpu.memory_space<vmem>>) target(%dma_start3A_1218 : memref<10000x8xf32, #tpu.memory_space<vmem_shared>>) offsets(%dma_start3A_1215 : memref<80xi32, #tpu.memory_space<vmem>>) semaphore(%arg21 : memref<!tpu.dma_semaphore, #tpu.memory_space<semaphore_mem>>) {add = true}
    }
    %scan3A_648 = arith.constant 125 : i32
    %dma_wait3A_649 = arith.constant 1 : i32
    %dma_wait3A_650 = arith.constant 3 : i32
    %dma_wait3A_651 = arith.constant 0 : i32
    %dma_wait3A_652 = arith.constant 0 : i32
    %dma_wait3A_653 = arith.constant 0 : i32
    %dma_wait3A_654 = tpu.memref_slice %arg15[%dma_wait3A_649, %dma_wait3A_652, %dma_wait3A_653] : memref<2x80x128xf32, #tpu.memory_space<vmem>> -> memref<1x80x128xf32, #tpu.memory_space<vmem>>
    %dma_wait3A_655 = tpu.memref_squeeze %dma_wait3A_654 : memref<1x80x128xf32, #tpu.memory_space<vmem>> -> memref<80x128xf32, #tpu.memory_space<vmem>>
    %dma_wait3A_656 = arith.constant 0 : i32
    %dma_wait3A_657 = tpu.memref_slice %arg11[%dma_wait3A_650, %dma_wait3A_651, %dma_wait3A_656] : memref<4x1x80xi32, #tpu.memory_space<vmem>> -> memref<1x1x80xi32, #tpu.memory_space<vmem>>
    %dma_wait3A_658 = tpu.memref_squeeze %dma_wait3A_657 : memref<1x1x80xi32, #tpu.memory_space<vmem>> -> memref<80xi32, #tpu.memory_space<vmem>>
    %dma_wait3A_659 = arith.constant 0 : i32
    %dma_wait3A_660 = arith.constant 0 : i32
    %dma_wait3A_661 = tpu.memref_slice %arg8[%dma_wait3A_659, %dma_wait3A_660] : memref<10000x128xf32, #tpu.memory_space<vmem_shared>> -> memref<10000x128xf32, #tpu.memory_space<vmem_shared>>
    tpu.wait_indirect_dma semaphore(%arg21 : memref<!tpu.dma_semaphore, #tpu.memory_space<semaphore_mem>>) src(%dma_wait3A_655 : memref<80x128xf32, #tpu.memory_space<vmem>>) dst(%dma_wait3A_661 : memref<10000x128xf32, #tpu.memory_space<vmem_shared>>)
    %dma_wait3A_662 = arith.constant 1 : i32
    %dma_wait3A_663 = arith.constant 3 : i32
    %dma_wait3A_664 = arith.constant 0 : i32
    %dma_wait3A_665 = arith.constant 0 : i32
    %dma_wait3A_666 = arith.constant 0 : i32
    %dma_wait3A_667 = tpu.memref_slice %arg16[%dma_wait3A_662, %dma_wait3A_665, %dma_wait3A_666] : memref<2x80x8xf32, #tpu.memory_space<vmem>> -> memref<1x80x8xf32, #tpu.memory_space<vmem>>
    %dma_wait3A_668 = tpu.memref_squeeze %dma_wait3A_667 : memref<1x80x8xf32, #tpu.memory_space<vmem>> -> memref<80x8xf32, #tpu.memory_space<vmem>>
    %dma_wait3A_669 = arith.constant 0 : i32
    %dma_wait3A_670 = tpu.memref_slice %arg11[%dma_wait3A_663, %dma_wait3A_664, %dma_wait3A_669] : memref<4x1x80xi32, #tpu.memory_space<vmem>> -> memref<1x1x80xi32, #tpu.memory_space<vmem>>
    %dma_wait3A_671 = tpu.memref_squeeze %dma_wait3A_670 : memref<1x1x80xi32, #tpu.memory_space<vmem>> -> memref<80xi32, #tpu.memory_space<vmem>>
    %dma_wait3A_672 = arith.constant 0 : i32
    %dma_wait3A_673 = arith.constant 0 : i32
    %dma_wait3A_674 = tpu.memref_slice %arg9[%dma_wait3A_672, %dma_wait3A_673] : memref<10000x8xf32, #tpu.memory_space<vmem_shared>> -> memref<10000x8xf32, #tpu.memory_space<vmem_shared>>
    tpu.wait_indirect_dma semaphore(%arg21 : memref<!tpu.dma_semaphore, #tpu.memory_space<semaphore_mem>>) src(%dma_wait3A_668 : memref<80x8xf32, #tpu.memory_space<vmem>>) dst(%dma_wait3A_674 : memref<10000x8xf32, #tpu.memory_space<vmem_shared>>)
    %dma_wait3A_675 = arith.constant 0 : i32
    %dma_wait3A_676 = arith.constant 0 : i32
    %dma_wait3A_677 = arith.constant 0 : i32
    %dma_wait3A_678 = arith.constant 0 : i32
    %dma_wait3A_679 = arith.constant 0 : i32
    %dma_wait3A_680 = tpu.memref_slice %arg15[%dma_wait3A_675, %dma_wait3A_678, %dma_wait3A_679] : memref<2x80x128xf32, #tpu.memory_space<vmem>> -> memref<1x80x128xf32, #tpu.memory_space<vmem>>
    %dma_wait3A_681 = tpu.memref_squeeze %dma_wait3A_680 : memref<1x80x128xf32, #tpu.memory_space<vmem>> -> memref<80x128xf32, #tpu.memory_space<vmem>>
    %dma_wait3A_682 = arith.constant 0 : i32
    %dma_wait3A_683 = tpu.memref_slice %arg11[%dma_wait3A_676, %dma_wait3A_677, %dma_wait3A_682] : memref<4x1x80xi32, #tpu.memory_space<vmem>> -> memref<1x1x80xi32, #tpu.memory_space<vmem>>
    %dma_wait3A_684 = tpu.memref_squeeze %dma_wait3A_683 : memref<1x1x80xi32, #tpu.memory_space<vmem>> -> memref<80xi32, #tpu.memory_space<vmem>>
    %dma_wait3A_685 = arith.constant 0 : i32
    %dma_wait3A_686 = arith.constant 0 : i32
    %dma_wait3A_687 = tpu.memref_slice %arg8[%dma_wait3A_685, %dma_wait3A_686] : memref<10000x128xf32, #tpu.memory_space<vmem_shared>> -> memref<10000x128xf32, #tpu.memory_space<vmem_shared>>
    tpu.wait_indirect_dma semaphore(%arg21 : memref<!tpu.dma_semaphore, #tpu.memory_space<semaphore_mem>>) src(%dma_wait3A_681 : memref<80x128xf32, #tpu.memory_space<vmem>>) dst(%dma_wait3A_687 : memref<10000x128xf32, #tpu.memory_space<vmem_shared>>)
    %dma_wait3A_688 = arith.constant 0 : i32
    %dma_wait3A_689 = arith.constant 0 : i32
    %dma_wait3A_690 = arith.constant 0 : i32
    %dma_wait3A_691 = arith.constant 0 : i32
    %dma_wait3A_692 = arith.constant 0 : i32
    %dma_wait3A_693 = tpu.memref_slice %arg16[%dma_wait3A_688, %dma_wait3A_691, %dma_wait3A_692] : memref<2x80x8xf32, #tpu.memory_space<vmem>> -> memref<1x80x8xf32, #tpu.memory_space<vmem>>
    %dma_wait3A_694 = tpu.memref_squeeze %dma_wait3A_693 : memref<1x80x8xf32, #tpu.memory_space<vmem>> -> memref<80x8xf32, #tpu.memory_space<vmem>>
    %dma_wait3A_695 = arith.constant 0 : i32
    %dma_wait3A_696 = tpu.memref_slice %arg11[%dma_wait3A_689, %dma_wait3A_690, %dma_wait3A_695] : memref<4x1x80xi32, #tpu.memory_space<vmem>> -> memref<1x1x80xi32, #tpu.memory_space<vmem>>
    %dma_wait3A_697 = tpu.memref_squeeze %dma_wait3A_696 : memref<1x1x80xi32, #tpu.memory_space<vmem>> -> memref<80xi32, #tpu.memory_space<vmem>>
    %dma_wait3A_698 = arith.constant 0 : i32
    %dma_wait3A_699 = arith.constant 0 : i32
    %dma_wait3A_700 = tpu.memref_slice %arg9[%dma_wait3A_698, %dma_wait3A_699] : memref<10000x8xf32, #tpu.memory_space<vmem_shared>> -> memref<10000x8xf32, #tpu.memory_space<vmem_shared>>
    tpu.wait_indirect_dma semaphore(%arg21 : memref<!tpu.dma_semaphore, #tpu.memory_space<semaphore_mem>>) src(%dma_wait3A_694 : memref<80x8xf32, #tpu.memory_space<vmem>>) dst(%dma_wait3A_700 : memref<10000x8xf32, #tpu.memory_space<vmem_shared>>)
    %barrier3A_701 = arith.constant 0 : index
    tpu.barrier barrier_id(%barrier3A_701)
    %mul3A_702 = arith.constant 625 : i32
    %mul3A_703 = arith.muli %arg1, %mul3A_702 : i32
    %mul3A_704 = arith.constant 625 : i32
    %mul3A_705 = arith.muli %arg1, %mul3A_704 : i32
    "tpu.region"() ({
      %run_scoped3A = tpu.sem_alloc : memref<!tpu.dma_semaphore, #tpu.memory_space<semaphore_mem>>
      %dma_start3A_710 = arith.constant 0 : i32
      %dma_start3A_711 = tpu.memref_slice %arg6[%arg0, %mul3A_705, %dma_start3A_710] : memref<2x10000x128xf32, #tpu.memory_space<hbm>> -> memref<1x625x128xf32, #tpu.memory_space<hbm>>
      %dma_start3A_712 = tpu.memref_squeeze %dma_start3A_711 : memref<1x625x128xf32, #tpu.memory_space<hbm>> -> memref<625x128xf32, #tpu.memory_space<hbm>>
      %dma_start3A_713 = arith.constant 0 : i32
      %dma_start3A_714 = tpu.memref_slice %arg8[%mul3A_703, %dma_start3A_713] : memref<10000x128xf32, #tpu.memory_space<vmem_shared>> -> memref<625x128xf32, #tpu.memory_space<vmem_shared>>
      tpu.enqueue_dma source(%dma_start3A_714 : memref<625x128xf32, #tpu.memory_space<vmem_shared>>) target(%dma_start3A_712 : memref<625x128xf32, #tpu.memory_space<hbm>>) target_semaphore(%run_scoped3A : memref<!tpu.dma_semaphore, #tpu.memory_space<semaphore_mem>>)
      %dma_wait3A_715 = arith.constant 0 : i32
      %dma_wait3A_716 = tpu.memref_slice %arg6[%arg0, %mul3A_705, %dma_wait3A_715] : memref<2x10000x128xf32, #tpu.memory_space<hbm>> -> memref<1x625x128xf32, #tpu.memory_space<hbm>>
      %dma_wait3A_717 = tpu.memref_squeeze %dma_wait3A_716 : memref<1x625x128xf32, #tpu.memory_space<hbm>> -> memref<625x128xf32, #tpu.memory_space<hbm>>
      %dma_wait3A_718 = arith.constant 0 : i32
      %dma_wait3A_719 = tpu.memref_slice %arg8[%mul3A_703, %dma_wait3A_718] : memref<10000x128xf32, #tpu.memory_space<vmem_shared>> -> memref<625x128xf32, #tpu.memory_space<vmem_shared>>
      tpu.wait_dma2 semaphore(%run_scoped3A : memref<!tpu.dma_semaphore, #tpu.memory_space<semaphore_mem>>) src(%dma_wait3A_719 : memref<625x128xf32, #tpu.memory_space<vmem_shared>>) dst(%dma_wait3A_717 : memref<625x128xf32, #tpu.memory_space<hbm>>)
      tpu.yield
    }) : () -> ()
    %mul3A_706 = arith.constant 625 : i32
    %mul3A_707 = arith.muli %arg1, %mul3A_706 : i32
    %mul3A_708 = arith.constant 625 : i32
    %mul3A_709 = arith.muli %arg1, %mul3A_708 : i32
    "tpu.region"() ({
      %run_scoped3A = tpu.sem_alloc : memref<!tpu.dma_semaphore, #tpu.memory_space<semaphore_mem>>
      %dma_start3A_710 = arith.constant 0 : i32
      %dma_start3A_711 = tpu.memref_slice %arg7[%arg0, %mul3A_709, %dma_start3A_710] : memref<2x10000x8xf32, #tpu.memory_space<hbm>> -> memref<1x625x8xf32, #tpu.memory_space<hbm>>
      %dma_start3A_712 = tpu.memref_squeeze %dma_start3A_711 : memref<1x625x8xf32, #tpu.memory_space<hbm>> -> memref<625x8xf32, #tpu.memory_space<hbm>>
      %dma_start3A_713 = arith.constant 0 : i32
      %dma_start3A_714 = tpu.memref_slice %arg9[%mul3A_707, %dma_start3A_713] : memref<10000x8xf32, #tpu.memory_space<vmem_shared>> -> memref<625x8xf32, #tpu.memory_space<vmem_shared>>
      tpu.enqueue_dma source(%dma_start3A_714 : memref<625x8xf32, #tpu.memory_space<vmem_shared>>) target(%dma_start3A_712 : memref<625x8xf32, #tpu.memory_space<hbm>>) target_semaphore(%run_scoped3A : memref<!tpu.dma_semaphore, #tpu.memory_space<semaphore_mem>>)
      %dma_wait3A_715 = arith.constant 0 : i32
      %dma_wait3A_716 = tpu.memref_slice %arg7[%arg0, %mul3A_709, %dma_wait3A_715] : memref<2x10000x8xf32, #tpu.memory_space<hbm>> -> memref<1x625x8xf32, #tpu.memory_space<hbm>>
      %dma_wait3A_717 = tpu.memref_squeeze %dma_wait3A_716 : memref<1x625x8xf32, #tpu.memory_space<hbm>> -> memref<625x8xf32, #tpu.memory_space<hbm>>
      %dma_wait3A_718 = arith.constant 0 : i32
      %dma_wait3A_719 = tpu.memref_slice %arg9[%mul3A_707, %dma_wait3A_718] : memref<10000x8xf32, #tpu.memory_space<vmem_shared>> -> memref<625x8xf32, #tpu.memory_space<vmem_shared>>
      tpu.wait_dma2 semaphore(%run_scoped3A : memref<!tpu.dma_semaphore, #tpu.memory_space<semaphore_mem>>) src(%dma_wait3A_719 : memref<625x8xf32, #tpu.memory_space<vmem_shared>>) dst(%dma_wait3A_717 : memref<625x8xf32, #tpu.memory_space<hbm>>)
      tpu.yield
    }) : () -> ()
    return
  }
}

module attributes {stable_mosaic.version = 14 : i64} {
  func.func @_tc_head(%arg0: i32, %arg1: memref<1000x128xf32, #tpu.memory_space<vmem>>, %arg2: memref<1000x128xf32, #tpu.memory_space<vmem>>, %arg3: memref<128x128xf32, #tpu.memory_space<vmem>>, %arg4: memref<128x128xf32, #tpu.memory_space<vmem>>, %arg5: memref<128x8xf32, #tpu.memory_space<vmem>>, %arg6: memref<1000x128xf32, #tpu.memory_space<vmem>>, %arg7: memref<1000x8xf32, #tpu.memory_space<vmem>>) attributes {dimension_semantics = [#tpu.dimension_semantics<arbitrary>], iteration_bounds = array<i64: 10>, scalar_prefetch = 0 : i64, scratch_operands = 0 : i64, tpu.core_type = #tpu.core_type<tc>, window_params = [{transform_indices = @transform_0, window_bounds = array<i64: 1000, 128>}, {transform_indices = @transform_1, window_bounds = array<i64: 1000, 128>}, {pipeline_mode = #tpu.pipeline_mode<synchronous>, transform_indices = @transform_2, window_bounds = array<i64: 128, 128>}, {pipeline_mode = #tpu.pipeline_mode<synchronous>, transform_indices = @transform_3, window_bounds = array<i64: 128, 128>}, {pipeline_mode = #tpu.pipeline_mode<synchronous>, transform_indices = @transform_4, window_bounds = array<i64: 128, 8>}, {transform_indices = @transform_5, window_bounds = array<i64: 1000, 128>}, {transform_indices = @transform_6, window_bounds = array<i64: 1000, 8>}]} {
    %get3A = arith.constant 0 : index
    %get3A_0 = arith.constant 0 : index
    %get3A_1 = vector.load %arg1[%get3A, %get3A_0] : memref<1000x128xf32, #tpu.memory_space<vmem>>, vector<1000x128xf32>
    %get3A_2 = arith.constant 0 : index
    %get3A_3 = arith.constant 0 : index
    %get3A_4 = vector.load %arg3[%get3A_2, %get3A_3] : memref<128x128xf32, #tpu.memory_space<vmem>>, vector<128x128xf32>
    %dot_general3A = arith.constant dense<0.000000e+00> : vector<1000x128xf32>
    %dot_general3A_5 = tpu.matmul %get3A_1, %get3A_4, %dot_general3A {dimension_numbers = #tpu.dot_dimension_numbers<[1], [0], [0], [1], [0, 0, 1, 1], [], []>, transpose_lhs_hint = false} : vector<1000x128xf32>, vector<128x128xf32>, vector<1000x128xf32> -> vector<1000x128xf32>
    %get3A_6 = arith.constant 0 : index
    %get3A_7 = arith.constant 0 : index
    %get3A_8 = vector.load %arg2[%get3A_6, %get3A_7] : memref<1000x128xf32, #tpu.memory_space<vmem>>, vector<1000x128xf32>
    %get3A_9 = arith.constant 0 : index
    %get3A_10 = arith.constant 0 : index
    %get3A_11 = vector.load %arg4[%get3A_9, %get3A_10] : memref<128x128xf32, #tpu.memory_space<vmem>>, vector<128x128xf32>
    %dot_general3A_12 = arith.constant dense<0.000000e+00> : vector<1000x128xf32>
    %dot_general3A_13 = tpu.matmul %get3A_8, %get3A_11, %dot_general3A_12 {dimension_numbers = #tpu.dot_dimension_numbers<[1], [0], [0], [1], [0, 0, 1, 1], [], []>, transpose_lhs_hint = false} : vector<1000x128xf32>, vector<128x128xf32>, vector<1000x128xf32> -> vector<1000x128xf32>
    %add3A = arith.addf %dot_general3A_5, %dot_general3A_13 : vector<1000x128xf32>
    %swap3A = arith.constant 0 : index
    %swap3A_14 = arith.constant 0 : index
    %swap3A_15 = vector.load %arg6[%swap3A, %swap3A_14] : memref<1000x128xf32, #tpu.memory_space<vmem>>, vector<1000x128xf32>
    tpu.vector_store %arg6[%swap3A, %swap3A_14], %add3A {strides = array<i32>} : memref<1000x128xf32, #tpu.memory_space<vmem>>, vector<1000x128xf32>,
    %get3A_16 = arith.constant 0 : index
    %get3A_17 = arith.constant 0 : index
    %get3A_18 = vector.load %arg5[%get3A_16, %get3A_17] : memref<128x8xf32, #tpu.memory_space<vmem>>, vector<128x8xf32>
    %dot_general3A_19 = arith.constant dense<0.000000e+00> : vector<1000x8xf32>
    %dot_general3A_20 = tpu.matmul %add3A, %get3A_18, %dot_general3A_19 {dimension_numbers = #tpu.dot_dimension_numbers<[1], [0], [0], [1], [0, 0, 1, 1], [], []>, transpose_lhs_hint = false} : vector<1000x128xf32>, vector<128x8xf32>, vector<1000x8xf32> -> vector<1000x8xf32>
    %swap3A_21 = arith.constant 0 : index
    %swap3A_22 = arith.constant 0 : index
    %swap3A_23 = vector.load %arg7[%swap3A_21, %swap3A_22] : memref<1000x8xf32, #tpu.memory_space<vmem>>, vector<1000x8xf32>
    tpu.vector_store %arg7[%swap3A_21, %swap3A_22], %dot_general3A_20 {strides = array<i32>} : memref<1000x8xf32, #tpu.memory_space<vmem>>, vector<1000x8xf32>,
    return
  }
  func.func @transform_0(%arg0: i32) -> (i32, i32) {
    %c0_i32 = arith.constant 0 : i32
    %c0_i32_0 = arith.constant 0 : i32
    return %arg0, %c0_i32 : i32, i32
  }
  func.func @transform_1(%arg0: i32) -> (i32, i32) {
    %c0_i32 = arith.constant 0 : i32
    %c0_i32_0 = arith.constant 0 : i32
    return %arg0, %c0_i32 : i32, i32
  }
  func.func @transform_2(%arg0: i32) -> (i32, i32) {
    %c0_i32 = arith.constant 0 : i32
    %c0_i32_0 = arith.constant 0 : i32
    %c0_i32_1 = arith.constant 0 : i32
    return %c0_i32, %c0_i32_0 : i32, i32
  }
  func.func @transform_3(%arg0: i32) -> (i32, i32) {
    %c0_i32 = arith.constant 0 : i32
    %c0_i32_0 = arith.constant 0 : i32
    %c0_i32_1 = arith.constant 0 : i32
    return %c0_i32, %c0_i32_0 : i32, i32
  }
  func.func @transform_4(%arg0: i32) -> (i32, i32) {
    %c0_i32 = arith.constant 0 : i32
    %c0_i32_0 = arith.constant 0 : i32
    %c0_i32_1 = arith.constant 0 : i32
    return %c0_i32, %c0_i32_0 : i32, i32
  }
  func.func @transform_5(%arg0: i32) -> (i32, i32) {
    %c0_i32 = arith.constant 0 : i32
    %c0_i32_0 = arith.constant 0 : i32
    return %arg0, %c0_i32 : i32, i32
  }
  func.func @transform_6(%arg0: i32) -> (i32, i32) {
    %c0_i32 = arith.constant 0 : i32
    %c0_i32_0 = arith.constant 0 : i32
    return %arg0, %c0_i32 : i32, i32
  }
}

module attributes {stable_mosaic.version = 14 : i64} {
  func.func @_tc_tail(%arg0: i32, %arg1: memref<2x1000x128xf32, #tpu.memory_space<vmem>>, %arg2: memref<2x1000x8xf32, #tpu.memory_space<vmem>>, %arg3: memref<1000x128xf32, #tpu.memory_space<vmem>>, %arg4: memref<1000x128xf32, #tpu.memory_space<vmem>>) attributes {dimension_semantics = [#tpu.dimension_semantics<arbitrary>], iteration_bounds = array<i64: 10>, scalar_prefetch = 0 : i64, scratch_operands = 0 : i64, tpu.core_type = #tpu.core_type<tc>, window_params = [{transform_indices = @transform_0, window_bounds = array<i64: 2, 1000, 128>}, {transform_indices = @transform_1, window_bounds = array<i64: 2, 1000, 8>}, {transform_indices = @transform_2, window_bounds = array<i64: 1000, 128>}, {transform_indices = @transform_3, window_bounds = array<i64: 1000, 128>}]} {
    %get3A = arith.constant 0 : index
    %get3A_0 = arith.constant 0 : index
    %get3A_1 = arith.constant 0 : index
    %get3A_2 = vector.load %arg1[%get3A, %get3A_0, %get3A_1] : memref<2x1000x128xf32, #tpu.memory_space<vmem>>, vector<1x1000x128xf32>
    %get3A_3 = vector.shape_cast %get3A_2 : vector<1x1000x128xf32> to vector<1000x128xf32>
    %get3A_4 = arith.constant 1 : index
    %get3A_5 = arith.constant 0 : index
    %get3A_6 = arith.constant 0 : index
    %get3A_7 = vector.load %arg1[%get3A_4, %get3A_5, %get3A_6] : memref<2x1000x128xf32, #tpu.memory_space<vmem>>, vector<1x1000x128xf32>
    %get3A_8 = vector.shape_cast %get3A_7 : vector<1x1000x128xf32> to vector<1000x128xf32>
    %add3A = arith.addf %get3A_3, %get3A_8 : vector<1000x128xf32>
    %get3A_9 = arith.constant 0 : index
    %get3A_10 = arith.constant 0 : index
    %get3A_11 = arith.constant 0 : index
    %get3A_12 = vector.load %arg2[%get3A_9, %get3A_10, %get3A_11] : memref<2x1000x8xf32, #tpu.memory_space<vmem>>, vector<1x1000x8xf32>
    %get3A_13 = vector.shape_cast %get3A_12 : vector<1x1000x8xf32> to vector<1000x8xf32>
    %get3A_14 = arith.constant 1 : index
    %get3A_15 = arith.constant 0 : index
    %get3A_16 = arith.constant 0 : index
    %get3A_17 = vector.load %arg2[%get3A_14, %get3A_15, %get3A_16] : memref<2x1000x8xf32, #tpu.memory_space<vmem>>, vector<1x1000x8xf32>
    %get3A_18 = vector.shape_cast %get3A_17 : vector<1x1000x8xf32> to vector<1000x8xf32>
    %add3A_19 = arith.addf %get3A_13, %get3A_18 : vector<1000x8xf32>
    %slice3A = vector.extract_strided_slice %add3A {offsets = [0, 0], sizes = [1000, 32], strides = [1, 1]} : vector<1000x128xf32> to vector<1000x32xf32>
    %slice3A_20 = vector.extract_strided_slice %add3A_19 {offsets = [0, 0], sizes = [1000, 1], strides = [1, 1]} : vector<1000x8xf32> to vector<1000x1xf32>
    %squeeze3A = vector.shape_cast %slice3A_20 : vector<1000x1xf32> to vector<1000xf32>
    %broadcast_in_dim3A = vector.shape_cast %squeeze3A : vector<1000xf32> to vector<1000x1xf32>
    %add3A_21 = arith.constant 9.99999996E-13 : f32
    %add3A_22 = vector.broadcast %add3A_21 : f32 to vector<1000x1xf32>
    %add3A_23 = arith.addf %broadcast_in_dim3A, %add3A_22 : vector<1000x1xf32>
    %div3A = vector.broadcast %add3A_23 : vector<1000x1xf32> to vector<1000x32xf32>
    %div3A_24 = arith.divf %slice3A, %div3A : vector<1000x32xf32>
    %slice3A_25 = vector.extract_strided_slice %add3A {offsets = [0, 32], sizes = [1000, 32], strides = [1, 1]} : vector<1000x128xf32> to vector<1000x32xf32>
    %slice3A_26 = vector.extract_strided_slice %add3A_19 {offsets = [0, 1], sizes = [1000, 1], strides = [1, 1]} : vector<1000x8xf32> to vector<1000x1xf32>
    %squeeze3A_27 = vector.shape_cast %slice3A_26 : vector<1000x1xf32> to vector<1000xf32>
    %broadcast_in_dim3A_28 = vector.shape_cast %squeeze3A_27 : vector<1000xf32> to vector<1000x1xf32>
    %add3A_29 = arith.constant 9.99999996E-13 : f32
    %add3A_30 = vector.broadcast %add3A_29 : f32 to vector<1000x1xf32>
    %add3A_31 = arith.addf %broadcast_in_dim3A_28, %add3A_30 : vector<1000x1xf32>
    %div3A_32 = vector.broadcast %add3A_31 : vector<1000x1xf32> to vector<1000x32xf32>
    %div3A_33 = arith.divf %slice3A_25, %div3A_32 : vector<1000x32xf32>
    %slice3A_34 = vector.extract_strided_slice %add3A {offsets = [0, 64], sizes = [1000, 32], strides = [1, 1]} : vector<1000x128xf32> to vector<1000x32xf32>
    %slice3A_35 = vector.extract_strided_slice %add3A_19 {offsets = [0, 2], sizes = [1000, 1], strides = [1, 1]} : vector<1000x8xf32> to vector<1000x1xf32>
    %squeeze3A_36 = vector.shape_cast %slice3A_35 : vector<1000x1xf32> to vector<1000xf32>
    %broadcast_in_dim3A_37 = vector.shape_cast %squeeze3A_36 : vector<1000xf32> to vector<1000x1xf32>
    %add3A_38 = arith.constant 9.99999996E-13 : f32
    %add3A_39 = vector.broadcast %add3A_38 : f32 to vector<1000x1xf32>
    %add3A_40 = arith.addf %broadcast_in_dim3A_37, %add3A_39 : vector<1000x1xf32>
    %div3A_41 = vector.broadcast %add3A_40 : vector<1000x1xf32> to vector<1000x32xf32>
    %div3A_42 = arith.divf %slice3A_34, %div3A_41 : vector<1000x32xf32>
    %slice3A_43 = vector.extract_strided_slice %add3A {offsets = [0, 96], sizes = [1000, 32], strides = [1, 1]} : vector<1000x128xf32> to vector<1000x32xf32>
    %slice3A_44 = vector.extract_strided_slice %add3A_19 {offsets = [0, 3], sizes = [1000, 1], strides = [1, 1]} : vector<1000x8xf32> to vector<1000x1xf32>
    %squeeze3A_45 = vector.shape_cast %slice3A_44 : vector<1000x1xf32> to vector<1000xf32>
    %broadcast_in_dim3A_46 = vector.shape_cast %squeeze3A_45 : vector<1000xf32> to vector<1000x1xf32>
    %add3A_47 = arith.constant 9.99999996E-13 : f32
    %add3A_48 = vector.broadcast %add3A_47 : f32 to vector<1000x1xf32>
    %add3A_49 = arith.addf %broadcast_in_dim3A_46, %add3A_48 : vector<1000x1xf32>
    %div3A_50 = vector.broadcast %add3A_49 : vector<1000x1xf32> to vector<1000x32xf32>
    %div3A_51 = arith.divf %slice3A_43, %div3A_50 : vector<1000x32xf32>
    %concatenate3A = tpu.concatenate %div3A_24, %div3A_33, %div3A_42, %div3A_51 in 1 : vector<1000x32xf32>, vector<1000x32xf32>, vector<1000x32xf32>, vector<1000x32xf32> -> vector<1000x128xf32>
    %get3A_52 = arith.constant 0 : index
    %get3A_53 = arith.constant 0 : index
    %get3A_54 = vector.load %arg3[%get3A_52, %get3A_53] : memref<1000x128xf32, #tpu.memory_space<vmem>>, vector<1000x128xf32>
    %add3A_55 = arith.addf %concatenate3A, %get3A_54 : vector<1000x128xf32>
    %gt3A = arith.constant 0.000000e+00 : f32
    %gt3A_56 = vector.broadcast %gt3A : f32 to vector<1000x128xf32>
    %gt3A_57 = arith.cmpf ogt, %add3A_55, %gt3A_56 : vector<1000x128xf32>
    %min3A = arith.constant 0.000000e+00 : f32
    %min3A_58 = vector.broadcast %min3A : f32 to vector<1000x128xf32>
    %min3A_59 = arith.minimumf %add3A_55, %min3A_58 : vector<1000x128xf32>
    %exp3A = math.exp %min3A_59 : vector<1000x128xf32>
    %sub3A = arith.constant 1.000000e+00 : f32
    %sub3A_60 = vector.broadcast %sub3A : f32 to vector<1000x128xf32>
    %sub3A_61 = arith.subf %exp3A, %sub3A_60 : vector<1000x128xf32>
    %select_n3A = arith.select %gt3A_57, %add3A_55, %sub3A_61 : vector<1000x128xi1>, vector<1000x128xf32>
    %swap3A = arith.constant 0 : index
    %swap3A_62 = arith.constant 0 : index
    %swap3A_63 = vector.load %arg4[%swap3A, %swap3A_62] : memref<1000x128xf32, #tpu.memory_space<vmem>>, vector<1000x128xf32>
    tpu.vector_store %arg4[%swap3A, %swap3A_62], %select_n3A {strides = array<i32>} : memref<1000x128xf32, #tpu.memory_space<vmem>>, vector<1000x128xf32>,
    return
  }
  func.func @transform_0(%arg0: i32) -> (i32, i32, i32) {
    %c0_i32 = arith.constant 0 : i32
    %c0_i32_0 = arith.constant 0 : i32
    %c0_i32_1 = arith.constant 0 : i32
    return %c0_i32, %arg0, %c0_i32_0 : i32, i32, i32
  }
  func.func @transform_1(%arg0: i32) -> (i32, i32, i32) {
    %c0_i32 = arith.constant 0 : i32
    %c0_i32_0 = arith.constant 0 : i32
    %c0_i32_1 = arith.constant 0 : i32
    return %c0_i32, %arg0, %c0_i32_0 : i32, i32, i32
  }
  func.func @transform_2(%arg0: i32) -> (i32, i32) {
    %c0_i32 = arith.constant 0 : i32
    %c0_i32_0 = arith.constant 0 : i32
    return %arg0, %c0_i32 : i32, i32
  }
  func.func @transform_3(%arg0: i32) -> (i32, i32) {
    %c0_i32 = arith.constant 0 : i32
    %c0_i32_0 = arith.constant 0 : i32
    return %arg0, %c0_i32 : i32, i32
  }
}

</mosaic_0001>

<sc_bundles>
// kernel: kernel.5.cloned.1.call-start
scs
__scs_entry_jumppad:
0x0: {  	(pc) =	sbr.rel $0x88, $3  }
0x1: {  	(tag) =	ssettag $0x0;
	lr =	simm.s32 $0x1  }
0x2: {  	[smem:$0x3F9B] =	sst lr;
	_ =	strace $0xD0000000  }
0x3: {  	_ = 	snop  }
0x4: {  	_ = 	snop  }
0x5: {  	_ = 	snop  }
0x6: {  	_ = 	snop  }
0x7: {  	_ = 	snop  }
__scs_overlays_trampoline_lowered:
0x8: {  	[smem:$0x3FAA] =	sst s0  }
0x9: {  	[smem:$0x3FAB] =	sst s1  }
0xa: {  	[smem:$0x3FAC] =	sst s2  }
0xb: {  	[smem:$0x3FAD] =	sst s3  }
0xc: {  	[smem:$0x3FAE] =	sst s4  }
0xd: {  	[smem:$0x3FAF] =	sst s5  }
0xe: {  	[smem:$0x3FB0] =	sst s6  }
0xf: {  	[smem:$0x3FB1] =	sst s7  }
0x10: {  	[smem:$0x3FB2] =	sst s8  }
0x11: {  	[smem:$0x3FB3] =	sst s9;
	s0 =	simm.s32 @!p0 $0x0  }
0x12: {  	s1 =	sld [smem:$0x3F99];
	s0 =	simm.s32 @p0 $0x1  }
0x13: {  	[smem:$0x3FB4] =	sst s0;
	s0 =	simm.s32 @!p1 $0x0  }
0x14: {  	s2 =	sld [smem:$0x3F98];
	s0 =	simm.s32 @p1 $0x1  }
0x15: {  	[smem:$0x3FB5] =	sst s0;
	s0 =	simm.s32 @!p2 $0x0  }
0x16: {  	s3 =	sld [smem:$0x3FDB];
	s0 =	simm.s32 @p2 $0x1  }
0x17: {  	s4 =	simm.s32 $0x1BF5;
	[smem:$0x3FB7] =	sst s0  }
0x18: {  	s0 =	sld [smem:$0x3F9A];
	_ =	swait.ge [sflag:s4], $0x0  }
0x19: {  	s7 =	sld [smem:$0x3F9B]  }
0x1a: {  	s8 =	sadd.s32 $0xFFFFE003, lr  }
0x1b: {  	s9 =	sadd.s32 $0xFFFFFEF7, lr;
	s5 =	simm.s32 $0xFFFFFFFF;
	p2 =	slt.u32 s8, $0xFFFFF086  }
0x1c: {  	p1 =	slt.u32 s9, $0xF7A;
	s5 =	simm.s32 @!p2 $0x0  }
0x1d: {  	s5 =	simm.s32 @p1 $0x1;
	p0 =	seq.s32 s7, s2  }
0x1e: {  	s7 =	smul.u32 @!p0 $0xF7A, s2;
	p2 =	seq.s32 @!p0 s5, $0x0  }
0x1f: {  	s9 =	smul.u32 $0xF7A, s1;
	s8 =	simm.s32 @!p0 $0x1BF5;
	p2 =	por !p2, p0  }
0x20: {  	[sflag:s8] =	ssyncset.s32 @!p0 $0xFFFFF086;
	s6 =	sadd.s32 @!p0 s3, s7;
	s7 =	simm.s32 @!p0 $0x108  }
0x21: {  	s3 =	sadd.s32 s3, s9;
	s6 =	sadd.s32 @!p0 $0x88, s6;
	s7 =	simm.s32 @p2 $0x1082  }
0x22: {  	[simem:s7], [sflag:s8] =	dma.local @!p0 [hbm:s6], $0xF7A  }
0x23: {  	s9 =	sor.u32 $0xD0000000, s2;
	s6 =	simm.s32 $0x108;
	_ =	swait.ge @!p0 [sflag:s8], $0x0  }
0x24: {  	s3 =	sadd.s32 $0x88, s3;
	s6 =	simm.s32 @!p1 $0x1082;
	[sflag:s4] =	ssyncset.s32 $0xFFFFF086  }
0x25: {  	[simem:s6], [sflag:s4] =	dma.local [hbm:s3], $0xF7A  }
0x26: {  	[smem:$0x3F9B] =	sst s1;
	(tag) =	ssettag s2;
	_ =	strace s9  }
0x27: {  	s1 =	sld [smem:$0x3FAB]  }
0x28: {  	s2 =	sld [smem:$0x3FAC]  }
0x29: {  	s4 =	sld [smem:$0x3FAE]  }
0x2a: {  	p0 =	seq.s32 s5, $0x0;
	s5 =	sld [smem:$0x3FAF]  }
0x2b: {  	s6 =	sld [smem:$0x3FB0]  }
0x2c: {  	s7 =	sld [smem:$0x3FB1]  }
0x2d: {  	s3 =	simm.s32 $0x108;
	s8 =	sld [smem:$0x3FB2]  }
0x2e: {  	s3 =	simm.s32 @!p0 $0x1082;
	s9 =	sld [smem:$0x3FB3]  }
0x2f: {  	lr =	sadd.s32 s0, s3;
	s0 =	sld [smem:$0x3FAA]  }
0x30: {  	s3 =	sld [smem:$0x3FAD]  }
0x31: {  	[smem:$0x3FB6] =	sst s10  }
0x32: {  	s10 =	sld [smem:$0x3FB4];
	_ =	sdelay $0x3  }
0x33: {  	p0 =	seq.s32 s10, $0x1;
	s10 =	sld [smem:$0x3FB6];
	_ =	sdelay $0x3  }
0x34: {  	[smem:$0x3FB6] =	sst s10  }
0x35: {  	s10 =	sld [smem:$0x3FB5];
	_ =	sdelay $0x3  }
0x36: {  	p1 =	seq.s32 s10, $0x1;
	s10 =	sld [smem:$0x3FB6];
	_ =	sdelay $0x3  }
0x37: {  	[smem:$0x3FB6] =	sst s10  }
0x38: {  	s10 =	sld [smem:$0x3FB7]  }
0x39: {  	_ = 	snop;
	(pc) =	sbr.ind lr, $3  }
0x3a: {  	_ = 	snop  }
0x3b: {  	_ = 	snop  }
0x3c: {  	p2 =	seq.s32 s10, $0x1;
	s10 =	sld [smem:$0x3FB6]  }
0x3d: {  	_ =	shalt  }
0x3e: {  	_ =	shalt  }
0x3f: {  	_ =	shalt  }
0x40: {  	_ =	shalt  }
0x41: {  	_ =	shalt  }
0x42: {  	_ =	shalt  }
0x43: {  	_ =	shalt  }
0x44: {  	_ =	shalt  }
0x45: {  	_ =	shalt  }
0x46: {  	_ =	shalt  }
0x47: {  	_ =	shalt  }
0x48: {  	_ =	shalt  }
0x49: {  	_ =	shalt  }
0x4a: {  	_ =	shalt  }
0x4b: {  	_ =	shalt  }
0x4c: {  	_ =	shalt  }
0x4d: {  	_ =	shalt  }
0x4e: {  	_ =	shalt  }
0x4f: {  	_ =	shalt  }
0x50: {  	_ =	shalt  }
0x51: {  	_ =	shalt  }
0x52: {  	_ =	shalt  }
0x53: {  	_ =	shalt  }
0x54: {  	_ =	shalt  }
0x55: {  	_ =	shalt  }
0x56: {  	_ =	shalt  }
0x57: {  	_ =	shalt  }
0x58: {  	_ =	shalt  }
0x59: {  	_ =	shalt  }
0x5a: {  	_ =	shalt  }
0x5b: {  	_ =	shalt  }
0x5c: {  	_ =	shalt  }
0x5d: {  	_ =	shalt  }
0x5e: {  	_ =	shalt  }
0x5f: {  	_ =	shalt  }
0x60: {  	_ =	shalt  }
0x61: {  	_ =	shalt  }
0x62: {  	_ =	shalt  }
0x63: {  	_ =	shalt  }
0x64: {  	_ =	shalt  }
0x65: {  	_ =	shalt  }
0x66: {  	_ =	shalt  }
0x67: {  	_ =	shalt  }
0x68: {  	_ =	shalt  }
0x69: {  	_ =	shalt  }
0x6a: {  	_ =	shalt  }
0x6b: {  	_ =	shalt  }
0x6c: {  	_ =	shalt  }
0x6d: {  	_ =	shalt  }
0x6e: {  	_ =	shalt  }
0x6f: {  	_ =	shalt  }
0x70: {  	_ =	shalt  }
0x71: {  	_ =	shalt  }
0x72: {  	_ =	shalt  }
0x73: {  	_ =	shalt  }
0x74: {  	_ =	shalt  }
0x75: {  	_ =	shalt  }
0x76: {  	_ =	shalt  }
0x77: {  	_ =	shalt  }
0x78: {  	_ =	shalt  }
0x79: {  	_ =	shalt  }
0x7a: {  	_ =	shalt  }
0x7b: {  	_ =	shalt  }
0x7c: {  	_ =	shalt  }
0x7d: {  	_ =	shalt  }
0x7e: {  	_ =	shalt  }
0x7f: {  	_ =	shalt  }
0x80: {  	_ =	shalt  }
0x81: {  	_ =	shalt  }
0x82: {  	_ =	shalt  }
0x83: {  	_ =	shalt  }
0x84: {  	_ =	shalt  }
0x85: {  	_ =	shalt  }
0x86: {  	_ =	shalt  }
0x87: {  	_ =	shalt  }
.Lfunc_end0:
.L_simem_size_0:
called_computation_lowered:
.L_overlay_start_0:
0x88: {  	s2 =	sld [smem:$0x3FD9]  }
0x89: {  	s3 =	sld [smem:$0x3FFE];
	_ =	sdelay $0x1  }
0x8a: {  	s1 =	srdreg.scid  }
0x8b: {  	s0 =	sand.u32 $0x1, s1  }
0x8c: {  	s17 =	sshll.u32 s0, $0xA;
	s2 =	sadd.s32 s3, s2  }
0x8d: {  	s2 =	sadd.s32 s2, s17  }
0x8e: {  	[smem:$0x3FC2] =	sst s2  }
0x8f: {  	_ = 	snop  }
0x90: {  	s2 =	sld [smem:$0x3FD0];
	(tm) =	ssettm $0x1  }
0x91: {  	s18 =	sld [smem:$0x3FFB];
	_ =	sdelay $0x3  }
0x92: {  	_ =	strace s18  }
0x93: {  	s3 =	sld [smem:$0x3FFC];
	_ =	sdelay $0x3  }
0x94: {  	_ =	strace s3  }
0x95: {  	s3 =	sld [smem:$0x3FFD];
	_ =	sdelay $0x3  }
0x96: {  	_ =	strace s3  }
0x97: {  	_ =	strace $0x8FFFFFFF  }
0x98: {  	s19 =	sld [smem:$0x3FDB];
	_ =	sdelay $0x1  }
0x99: {  	s4 =	simm.s32 $_scs_section_size  }
0x9a: {  	s5 =	simm.s32 $_size__tile_overlayer_lowered;
	s6 =	simm.s32 $_tile_overlayer_lowered  }
0x9b: {  	s22 =	simm.s32 $0x1BFF;
	s21 =	sshll.u32 s6, $0x1;
	s3 =	sadd.s32 s4, s19  }
0x9c: {  	s7 =	simm.s32 $0x0;
	s20 =	sshll.u32 s5, $0x1;
	s5 =	sadd.s32 s21, s3  }
0x9d: {  	[timem:s7], [sflag:s22] =	dma.local [hbm:s5], s20  }
0x9e: {  	_ =	swait.ge [sflag:s22], s20  }
0x9f: {  	s4 =	ssub.s32 $0x0, s20;
	[sflag:s22] =	ssyncset.done $0x0  }
0xa0: {  	[sflag:s22] =	ssyncadd.s32 s4;
	_ =	sdelay $0x1  }
0xa1: {  	s23 =	simm.s32 $0x1B8B  }
0xa2: {  	_ =	swait.ge [sflag:s23], $0x1  }
0xa3: {  	[sflag:s23] =	ssyncset.done $0x0  }
0xa4: {  	s25 =	simm.s32 $0x1B8E;
	s24 =	sld [smem:$0x3FFE];
	[sflag:s23] =	ssyncadd.s32 $0xFFFFFFFF  }
0xa5: {  	s26 =	simm.s32 $execute0_lowered;
	[smem:$0x3FD2] =	sst s25  }
0xa6: {  	s5 =	sshll.u32 s26, $0x1;
	_ =	strace $0x80000046;
	[dreg:$0x1] =	wrdreg $0xFFFFFFFF  }
0xa7: {  	s28 =	simm.s32 $_size_execute0_lowered;
	s3 =	sadd.s32 s3, s5;
	[dreg:$0x0] =	wrdreg $0x0  }
0xa8: {  	s5 =	sshll.u32 s28, $0x1;
	[dreg:$0x2] =	wrdreg s3  }
0xa9: {  	[dreg:$0x3] =	wrdreg s5  }
0xaa: {  	[dreg:$0x4] =	wrdreg $0xC0  }
0xab: {  	_ =	task [dreg:s7], $0x5FFFF  }
0xac: {  	[dreg:$0x1] =	wrdreg $0xFFFFFFFF  }
0xad: {  	[dreg:$0x0] =	wrdreg $0x60  }
0xae: {  	[dreg:$0x2] =	wrdreg s2  }
0xaf: {  	[dreg:$0x3] =	wrdreg s24  }
0xb0: {  	[dreg:$0x4] =	wrdreg $0x0  }
0xb1: {  	[dreg:$0x5] =	wrdreg $0x138800  }
0xb2: {  	[dreg:$0x6] =	wrdreg $0x9  }
0xb3: {  	_ =	task.clear_ibuf [dreg:s7], $0x7FFFF;
	_ =	strace $0x90000046  }
0xb4: {  	s29 =	simm.s32 $0x9;
	_ =	strace $0x80000048  }
0xb5: {  	_ =	swait.ge [sflag:s29], $0x1  }
0xb6: {  	[sflag:s29] =	ssyncadd.s32 $0xFFFFFFFF  }
0xb7: {  	_ =	strace $0x90000048  }
0xb8: {  	_ =	sfence  }
0xb9: {  	s30 =	sld [smem:$0x0];
	_ =	sdelay $0x2  }
0xba: {  	s31 =	sshll.u32 s1, $0xD;
	s1 =	sshrl.u32 s1, $0x2  }
0xbb: {  	s3 =	sand.u32 $0x4000, s31;
	s1 =	sadd.s32 s1, s30  }
0xbc: {  	s0 =	sor.u32 s3, s0;
	s1 =	sshll.u32 s1, $0x11  }
0xbd: {  	s0 =	sor.u32 s1, s0  }
0xbe: {  	s0 =	sadd.s32 $0x8F2B, s0  }
0xbf: {  	[sflag:s0] =	ssyncadd.remote.s32 $0x1  }
0xc0: {  	_ =	sfence.sel $0xFFFF  }
0xc1: {  	[dreg:$0x0] =	wrdreg $0xFFFFFFFF;
	(pc) =	sbr.abs _section_cstart, $3  }
0xc2: {  	[dreg:$0x1] =	wrdreg $0xFFFFFFFF  }
0xc3: {  	_ =	task.clear_ibuf [dreg:s7], $0x2FFFF;
	_ =	strace $0x9FFFFFFF  }
0xc4: {  	(tm) =	ssettm $0x7FFFFFFF  }
0xc5: {  	_ =	shalt  }
tec
execute0_lowered:
.L_overlay_start_1:
0x0: {  	(tag) =	ssettag $0x1  }
0x1: {  	s1 =	rddreg [dreg:$0x0]  }
0x2: {  	s0 =	rddreg [dreg:$0x1]  }
0x3: {  	s2 =	rddreg [dreg:$0x2];
	s5 =	simm.s32 $0x0;
	s17 =	stileid.u32  }
0x4: {  	s4 =	srdreg.scid;
	s19 =	simm.s32 $0x1FB08;
	s10 =	smul.u32 $0x13880, s17  }
0x5: {  	s29 =	simm.s32 $0x14E88;
	s30 =	simm.s32 $0x15108;
	s12 =	smul.u32 $0x1388, s17  }
0x6: {  	[smem:$0x7FF] =	sst s5;
	s4 =	sand.u32 $0x1, s4;
	s22 =	smul.u32 $0x4E200, s17  }
0x7: {  	s6 =	sadd.s32 $0x15200, s0;
	s7 =	sadd.s32 $0xB400, s0;
	s24 =	smul.u32 $0x4E20, s17  }
0x8: {  	s3 =	rddreg [dreg:$0x3];
	s8 =	smul.u32 $0x138800, s4;
	_ =	strace $0x80000047  }
0x9: {  	v0 =	vlaneseq.u32;
	s9 =	smul.u32 $0x13880, s4;
	s13 =	sshll.u32 s4, $0x4;
	s4 =	ssub.s32 $0x2, s4  }
0xa: {  	v0 =	vmul.u32 $0x8, v0;
	s13 =	sor.u32 s17, s13;
	s15 =	sshrl.u32 s4, $0x1;
	s25 =	sadd.s32 s12, s3  }
0xb: {  	v1 =	vimm.f32 $0.0e+00;
	s26 =	sshrl.u32 s22, $0x2;
	s28 =	sshrl.u32 s24, $0x2;
	s22 =	simm.s32 $0x1F888  }
0xc: {  	v2 =	vor.u32 $0x1, v0;
	v3 =	vor.u32 $0x2, v0;
	v4 =	vor.u32 $0x3, v0;
	s11 =	sadd.s32 s10, s8;
	s8 =	sadd.s32 $0x1600, s0;
	s14 =	smul.u32 $0x4E2, s13  }
0xd: {  	v5 =	vor.u32 $0x4, v0;
	v6 =	vor.u32 $0x5, v0;
	v7 =	vor.u32 $0x6, v0;
	s9 =	sadd.s32 s12, s9;
	s16 =	smul.u32 $0x2710, s13;
	s4 =	ssub.s32 s4, s15  }
0xe: {  	v8 =	vor.u32 $0x7, v0;
	v9 =	vor.u32 $0x84, v0;
	v10 =	vor.u32 $0x85, v0;
	s10 =	sadd.s32 s10, s2;
	s17 =	sadd.s32 s26, s2;
	s18 =	sadd.s32 s28, s3  }
0xf: {  	v11 =	vor.u32 $0x86, v0;
	v12 =	vor.u32 $0x87, v0;
	v13 =	vor.u32 $0x104, v0;
	s11 =	sshrl.u32 s11, $0x3;
	s9 =	sshrl.u32 s9, $0x3;
	s4 =	smax.u32 s4, $0x1  }
0x10: {  	v14 =	vor.u32 $0x105, v0;
	v15 =	vor.u32 $0x106, v0;
	v16 =	vor.u32 $0x107, v0;
	s31 =	sshrl.u32 s10, $0x3;
	s11 =	sadd.s32 s11, s0;
	[dreg:$0xb] =	wrdreg s4  }
0x11: {  	v17 =	vor.u32 $0x184, v0;
	v18 =	vor.u32 $0x185, v0;
	v19 =	vor.u32 $0x186, v0;
	s0 =	sadd.s32 s9, s0;
	s20 =	sadd.s32 s7, s14;
	[dreg:$0xc] =	wrdreg s31  }
0x12: {  	v20 =	vor.u32 $0x187, v0;
	v21 =	vor.u32 $0x204, v0;
	v22 =	vor.u32 $0x205, v0;
	s9 =	smul.u32 $0x7D, s13;
	s14 =	sadd.s32 s8, s14;
	[dreg:$0x5] =	wrdreg s20  }
0x13: {  	v23 =	vor.u32 $0x206, v0;
	v24 =	vor.u32 $0x207, v0;
	v25 =	vor.u32 $0x80, v0;
	s21 =	sshrl.u32 s16, $0x3;
	[dreg:$0x6] =	wrdreg s14;
	s11 =	sadd.s32 $0x1CA00, s11  }
0x14: {  	v26 =	vor.u32 $0x81, v0;
	v27 =	vor.u32 $0x82, v0;
	v28 =	vor.u32 $0x83, v0;
	s13 =	sadd.s32 $0xA, s21;
	s0 =	sadd.s32 $0x17A00, s0;
	[dreg:$0x9] =	wrdreg s11  }
0x15: {  	v29 =	vor.u32 $0x100, v0;
	v30 =	vor.u32 $0x101, v0;
	v31 =	vor.u32 $0x102, v0;
	s4 =	simm.s32 $0x2;
	s23 =	sadd.s32 s7, s13;
	[dreg:$0xa] =	wrdreg s0  }
0x16: {  	v32 =	vor.u32 $0x103, v0;
	v33 =	vor.u32 $0x180, v0;
	v34 =	vor.u32 $0x181, v0;
	s20 =	simm.s32 $0x1F388;
	s13 =	sadd.s32 s8, s13;
	[dreg:$0x7] =	wrdreg s23  }
0x17: {  	v35 =	vor.u32 $0x182, v0;
	v36 =	vor.u32 $0x183, v0;
	v37 =	vor.u32 $0x200, v0;
	s21 =	simm.s32 $0x1F608;
	s0 =	sshrl.u32 s25, $0x3;
	[dreg:$0x8] =	wrdreg s13  }
0x18: {  	v38 =	vor.u32 $0x201, v0;
	v39 =	vor.u32 $0x202, v0;
	v40 =	vor.u32 $0x203, v0;
	s23 =	simm.s32 $0x4;
	[dreg:$0xd] =	wrdreg s0;
	s0 =	simm.s32 $0x50  }
.LBB2_1:
0x19: {  	[tilespmem:$0x1F888] =	vst v1  }
0x1a: {  	[tilespmem:$0x1F898] =	vst v1  }
0x1b: {  	[tilespmem:$0x1F8A8] =	vst v1  }
0x1c: {  	[tilespmem:$0x1F8B8] =	vst v1  }
0x1d: {  	[tilespmem:$0x1F8C8] =	vst v1  }
0x1e: {  	[tilespmem:$0x1F8D8] =	vst v1  }
0x1f: {  	[tilespmem:$0x1F8E8] =	vst v1  }
0x20: {  	[tilespmem:$0x1F8F8] =	vst v1  }
0x21: {  	[tilespmem:$0x1F908] =	vst v1  }
0x22: {  	[tilespmem:$0x1F918] =	vst v1  }
0x23: {  	[tilespmem:$0x1F928] =	vst v1  }
0x24: {  	[tilespmem:$0x1F938] =	vst v1  }
0x25: {  	[tilespmem:$0x1F948] =	vst v1  }
0x26: {  	[tilespmem:$0x1F958] =	vst v1  }
0x27: {  	[tilespmem:$0x1F968] =	vst v1  }
0x28: {  	[tilespmem:$0x1F978] =	vst v1  }
0x29: {  	[tilespmem:$0x1F988] =	vst v1  }
0x2a: {  	[tilespmem:$0x1F998] =	vst v1  }
0x2b: {  	[tilespmem:$0x1F9A8] =	vst v1  }
0x2c: {  	[tilespmem:$0x1F9B8] =	vst v1  }
0x2d: {  	[tilespmem:$0x1F9C8] =	vst v1  }
0x2e: {  	[tilespmem:$0x1F9D8] =	vst v1  }
0x2f: {  	[tilespmem:$0x1F9E8] =	vst v1  }
0x30: {  	[tilespmem:$0x1F9F8] =	vst v1  }
0x31: {  	[tilespmem:$0x1FA08] =	vst v1  }
0x32: {  	[tilespmem:$0x1FA18] =	vst v1  }
0x33: {  	[tilespmem:$0x1FA28] =	vst v1  }
0x34: {  	[tilespmem:$0x1FA38] =	vst v1  }
0x35: {  	[tilespmem:$0x1FA48] =	vst v1  }
0x36: {  	[tilespmem:$0x1FA58] =	vst v1  }
0x37: {  	[tilespmem:$0x1FA68] =	vst v1  }
0x38: {  	[tilespmem:$0x1FA78] =	vst v1  }
0x39: {  	[tilespmem:$0x1FA88] =	vst v1  }
0x3a: {  	[tilespmem:$0x1FA98] =	vst v1  }
0x3b: {  	[tilespmem:$0x1FAA8] =	vst v1  }
0x3c: {  	[tilespmem:$0x1FAB8] =	vst v1  }
0x3d: {  	[tilespmem:$0x1FAC8] =	vst v1  }
0x3e: {  	[tilespmem:$0x1FAD8] =	vst v1  }
0x3f: {  	[tilespmem:$0x1FAE8] =	vst v1  }
0x40: {  	[tilespmem:$0x1FAF8] =	vst v1  }
0x41: {  	[tilespmem:v0+s19+$0x0] =	vst.idx.msk $0xffff, v1  }
0x42: {  	[tilespmem:v2+s19+$0x0] =	vst.idx.msk $0xffff, v1  }
0x43: {  	[tilespmem:v3+s19+$0x0] =	vst.idx.msk $0xffff, v1  }
0x44: {  	[tilespmem:v4+s19+$0x0] =	vst.idx.msk $0xffff, v1  }
0x45: {  	[tilespmem:v5+s19+$0x0] =	vst.idx.msk $0xffff, v1  }
0x46: {  	[tilespmem:v6+s19+$0x0] =	vst.idx.msk $0xffff, v1  }
0x47: {  	[tilespmem:v7+s19+$0x0] =	vst.idx.msk $0xffff, v1  }
0x48: {  	[tilespmem:v8+s19+$0x0] =	vst.idx.msk $0xffff, v1  }
0x49: {  	[tilespmem:v5+s20+$0x0] =	vst.idx.msk $0xffff, v1  }
0x4a: {  	[tilespmem:v6+s20+$0x0] =	vst.idx.msk $0xffff, v1  }
0x4b: {  	[tilespmem:v7+s20+$0x0] =	vst.idx.msk $0xffff, v1  }
0x4c: {  	[tilespmem:v8+s20+$0x0] =	vst.idx.msk $0xffff, v1  }
0x4d: {  	[tilespmem:v9+s20+$0x0] =	vst.idx.msk $0xffff, v1  }
0x4e: {  	[tilespmem:v10+s20+$0x0] =	vst.idx.msk $0xffff, v1  }
0x4f: {  	[tilespmem:v11+s20+$0x0] =	vst.idx.msk $0xffff, v1  }
0x50: {  	[tilespmem:v12+s20+$0x0] =	vst.idx.msk $0xffff, v1  }
0x51: {  	[tilespmem:v13+s20+$0x0] =	vst.idx.msk $0xffff, v1  }
0x52: {  	[tilespmem:v14+s20+$0x0] =	vst.idx.msk $0xffff, v1  }
0x53: {  	[tilespmem:v15+s20+$0x0] =	vst.idx.msk $0xffff, v1  }
0x54: {  	[tilespmem:v16+s20+$0x0] =	vst.idx.msk $0xffff, v1  }
0x55: {  	[tilespmem:v17+s20+$0x0] =	vst.idx.msk $0xffff, v1  }
0x56: {  	[tilespmem:v18+s20+$0x0] =	vst.idx.msk $0xffff, v1  }
0x57: {  	[tilespmem:v19+s20+$0x0] =	vst.idx.msk $0xffff, v1  }
0x58: {  	[tilespmem:v20+s20+$0x0] =	vst.idx.msk $0xffff, v1  }
0x59: {  	[tilespmem:v21+s20+$0x0] =	vst.idx.msk $0xffff, v1  }
0x5a: {  	[tilespmem:v22+s20+$0x0] =	vst.idx.msk $0xffff, v1  }
0x5b: {  	[tilespmem:v23+s20+$0x0] =	vst.idx.msk $0xffff, v1  }
0x5c: {  	[tilespmem:v24+s20+$0x0] =	vst.idx.msk $0xffff, v1  }
0x5d: {  	[tilespmem:v5+s21+$0x0] =	vst.idx.msk $0xffff, v1  }
0x5e: {  	[tilespmem:v6+s21+$0x0] =	vst.idx.msk $0xffff, v1  }
0x5f: {  	[tilespmem:v7+s21+$0x0] =	vst.idx.msk $0xffff, v1  }
0x60: {  	[tilespmem:v8+s21+$0x0] =	vst.idx.msk $0xffff, v1  }
0x61: {  	[tilespmem:v9+s21+$0x0] =	vst.idx.msk $0xffff, v1  }
0x62: {  	[tilespmem:v10+s21+$0x0] =	vst.idx.msk $0xffff, v1  }
0x63: {  	[tilespmem:v11+s21+$0x0] =	vst.idx.msk $0xffff, v1  }
0x64: {  	[tilespmem:v12+s21+$0x0] =	vst.idx.msk $0xffff, v1  }
0x65: {  	[tilespmem:v13+s21+$0x0] =	vst.idx.msk $0xffff, v1  }
0x66: {  	[tilespmem:v14+s21+$0x0] =	vst.idx.msk $0xffff, v1  }
0x67: {  	[tilespmem:v15+s21+$0x0] =	vst.idx.msk $0xffff, v1  }
0x68: {  	[tilespmem:v16+s21+$0x0] =	vst.idx.msk $0xffff, v1  }
0x69: {  	[tilespmem:v17+s21+$0x0] =	vst.idx.msk $0xffff, v1  }
0x6a: {  	[tilespmem:v18+s21+$0x0] =	vst.idx.msk $0xffff, v1  }
0x6b: {  	[tilespmem:v19+s21+$0x0] =	vst.idx.msk $0xffff, v1  }
0x6c: {  	[tilespmem:v20+s21+$0x0] =	vst.idx.msk $0xffff, v1  }
0x6d: {  	[tilespmem:v21+s21+$0x0] =	vst.idx.msk $0xffff, v1  }
0x6e: {  	[tilespmem:v22+s21+$0x0] =	vst.idx.msk $0xffff, v1  }
0x6f: {  	[tilespmem:v23+s21+$0x0] =	vst.idx.msk $0xffff, v1  }
0x70: {  	s10 =	sadd.s32 $0x0, s17;
	[tilespmem:v24+s21+$0x0] =	vst.idx.msk $0xffff, v1  }
0x71: {  	[spmem:s10] =	stream.linear.scatter [tilespmem:s22], [sflag:$0x4], $0x280, $0x38;
	[tilespmem:$0x1FB88] =	vst v63  }
0x72: {  	s11 =	simm.s32 $0xA00;
	_ =	swait.ge [sflag:s23], $0x280  }
.LBB2_2:
0x73: {  	s10 =	sshra.s32 s11, $0x2;
	[sflag:s23] =	ssyncset.done $0x0;
	p0 =	sne.s32 s11, $0x4D800  }
.Ltmp0:
0x74: {  	s10 =	sadd.s32 s10, s17;
	[sflag:s23] =	ssyncadd.s32 $0xFFFFFD80;
	(pc) =	sbr.rel @p0 .LBB2_2-.Ltmp0, $3  }
0x75: {  	[spmem:s10] =	stream.linear.scatter [tilespmem:s22], [sflag:$0x4], $0x280, $0x38;
	[tilespmem:$0x1FB88] =	vst v63  }
0x76: {  	s11 =	sadd.s32 $0xA00, s11;
	_ =	sdelay $0x1  }
0x77: {  	_ =	swait.ge [sflag:s23], $0x280  }
0x78: {  	[sflag:s23] =	ssyncset.done $0x0  }
0x79: {  	s10 =	sadd.s32 $0x0, s18;
	[sflag:s23] =	ssyncadd.s32 $0xFFFFFD80  }
0x7a: {  	[spmem:s10] =	stream.linear.scatter [tilespmem:s19], [sflag:$0x4], $0x80, $0x38;
	[tilespmem:$0x1FB88] =	vst v63  }
0x7b: {  	_ =	swait.ge [sflag:s23], $0x80  }
0x7c: {  	[sflag:s23] =	ssyncset.done $0x0  }
0x7d: {  	s10 =	sadd.s32 $0x80, s10;
	[sflag:s23] =	ssyncadd.s32 $0xFFFFFF80  }
0x7e: {  	[spmem:s10] =	stream.linear.scatter [tilespmem:s19], [sflag:$0x4], $0x48, $0x38;
	[tilespmem:$0x1FB88] =	vst v63  }
0x7f: {  	_ =	swait.ge [sflag:s23], $0x48  }
0x80: {  	s11 =	simm.s32 $0xC8;
	s10 =	simm.s32 $0x640;
	[sflag:s23] =	ssyncset.done $0x0  }
.LBB2_4:
0x81: {  	s11 =	sadd.s32 s11, s18  }
0x82: {  	[sflag:s23] =	ssyncadd.s32 $0xFFFFFFB8;
	s12 =	smov.u32 s10;
	s13 =	sadd.s32 $0x320, s10  }
0x83: {  	[spmem:s11] =	stream.linear.scatter [tilespmem:s19], [sflag:$0x4], $0x80, $0x38;
	[tilespmem:$0x1FB88] =	vst v63  }
0x84: {  	p0 =	sne.s32 s10, $0x4B00;
	_ =	swait.ge [sflag:s23], $0x80  }
.Ltmp1:
0x85: {  	[sflag:s23] =	ssyncset.done $0x0;
	(pc) =	sbr.rel @p0 .LBB2_4-.Ltmp1, $4  }
0x86: {  	s10 =	sadd.s32 $0x80, s11;
	[sflag:s23] =	ssyncadd.s32 $0xFFFFFF80  }
0x87: {  	[spmem:s10] =	stream.linear.scatter [tilespmem:s19], [sflag:$0x4], $0x48, $0x38;
	[tilespmem:$0x1FB88] =	vst v63  }
0x88: {  	_ =	swait.ge [sflag:s23], $0x48  }
0x89: {  	s11 =	sshra.s32 s12, $0x2;
	s10 =	smov.u32 s13;
	[sflag:s23] =	ssyncset.done $0x0  }
0x8a: {  	s10 =	sadd.s32 s11, s18;
	[sflag:s23] =	ssyncadd.s32 $0xFFFFFFB8  }
0x8b: {  	[spmem:s10] =	stream.linear.scatter [tilespmem:s19], [sflag:$0x4], $0x80, $0x38;
	[tilespmem:$0x1FB88] =	vst v63  }
0x8c: {  	_ =	swait.ge [sflag:s23], $0x80  }
0x8d: {  	[sflag:s23] =	ssyncset.done $0x0  }
0x8e: {  	s10 =	sadd.s32 $0x80, s10;
	[sflag:s23] =	ssyncadd.s32 $0xFFFFFF80  }
0x8f: {  	[spmem:s10] =	stream.linear.scatter [tilespmem:s19], [sflag:$0x4], $0x48, $0x38;
	[tilespmem:$0x1FB88] =	vst v63  }
0x90: {  	_ =	swait.ge [sflag:s23], $0x48  }
0x91: {  	[sflag:s23] =	ssyncset.done $0x0  }
0x92: {  	[sflag:s23] =	ssyncadd.s32 $0xFFFFFFB8  }
0x93: {  	[bflag:$0x0] =	sbarrier.arrive $0xFFFF  }
0x94: {  	s11 =	simm.s32 $0x0;
	s12 =	simm.s32 $0x14C08;
	s15 =	rddreg [dreg:$0x5]  }
0x95: {  	[tilespmem:s12], [sflag:$0x1] =	stream.linear.gather [hbm4b:s15+s11], $0x50, $0x38;
	[tilespmem:$0x1FB88] =	vst v63  }
0x96: {  	s13 =	simm.s32 $0x14D48;
	s16 =	rddreg [dreg:$0x6]  }
0x97: {  	[tilespmem:s13], [sflag:$0x1] =	stream.linear.gather [hbm4b:s16+s11], $0x50, $0x38;
	[tilespmem:$0x1FB88] =	vst v63  }
0x98: {  	s14 =	simm.s32 $0x14C58;
	s24 =	rddreg [dreg:$0x7]  }
0x99: {  	[tilespmem:s14], [sflag:$0x1] =	stream.linear.gather [hbm4b:s24+s11], $0x50, $0x38;
	[tilespmem:$0x1FB88] =	vst v63  }
0x9a: {  	s26 =	simm.s32 $0x14D98;
	s28 =	simm.s32 $0x1;
	s25 =	rddreg [dreg:$0x8]  }
0x9b: {  	[tilespmem:s26], [sflag:$0x1] =	stream.linear.gather [hbm4b:s25+s11], $0x50, $0x38;
	[tilespmem:$0x1FB88] =	vst v63  }
0x9c: {  	_ =	swait.ge [sflag:s28], $0x50  }
0x9d: {  	[sflag:s28] =	ssyncset.done $0x0  }
0x9e: {  	[sflag:s28] =	ssyncadd.s32 $0xFFFFFFB0  }
0x9f: {  	_ =	swait.ge [sflag:s28], $0x50  }
0xa0: {  	[sflag:s28] =	ssyncset.done $0x0  }
0xa1: {  	[sflag:s28] =	ssyncadd.s32 $0xFFFFFFB0  }
0xa2: {  	[tilespmem:s29], [sflag:$0x2] =	stream.indirect.gather [hbm4b:s6+s0], $0x8, s12, s0, $0xb8;
	[tilespmem:$0x1FB88] =	vst v63  }
0xa3: {  	_ = 	snop  }
0xa4: {  	[tilespmem:s30], [sflag:$0x2] =	stream.indirect.gather [hbm4b:s6+s0], $0x8, s13, s0, $0xb8;
	[tilespmem:$0x1FB88] =	vst v63  }
0xa5: {  	s31 =	simm.s32 $0x15388;
	p0 =	por $0x0, $0x0  }
0xa6: {  	[tilespmem:s31], [sflag:$0x2] =	stream.indirect.gather [hbm4b:s1+s0], $0x80, s12, s0, $0xb8;
	[tilespmem:$0x1FB88] =	vst v63  }
.LBB2_6:
0xa7: {  	_ =	swait.ge [sflag:s4], $0x280  }
0xa8: {  	[sflag:s4] =	ssyncset.done $0x0  }
0xa9: {  	[sflag:s4] =	ssyncadd.s32 $0xFFFFFD80  }
0xaa: {  	_ =	swait.ge [sflag:s4], $0x280  }
0xab: {  	[sflag:s4] =	ssyncset.done $0x0  }
0xac: {  	[sflag:s4] =	ssyncadd.s32 $0xFFFFFD80  }
0xad: {  	_ =	swait.ge [sflag:s4], $0x2800  }
0xae: {  	p1 =	slt.u32 s11, $0x2;
	[sflag:s4] =	ssyncset.done $0x0  }
0xaf: {  	s10 =	simm.s32 @!p1 $0x3;
	[sflag:s4] =	ssyncadd.s32 $0xFFFFD800  }
0xb0: {  	_ =	swait.ge @!p1 [sflag:s10], $0x2800  }
0xb1: {  	[sflag:s10] =	ssyncset.done @!p1 $0x0  }
0xb2: {  	[sflag:s10] =	ssyncadd.s32 @!p1 $0xFFFFD800  }
0xb3: {  	_ =	swait.ge @!p1 [sflag:s10], $0x280  }
0xb4: {  	[sflag:s10] =	ssyncset.done @!p1 $0x0  }
0xb5: {  	[sflag:s10] =	ssyncadd.s32 @!p1 $0xFFFFFD80  }
0xb6: {  	v41 =	vld.idx.msk [tilespmem:v0+s29+$0x0], $0xffff  }
0xb7: {  	v42 =	vld.idx.msk [tilespmem:v5+s30+$0x0], $0xffff;
	_ =	sdelay $0x4  }
0xb8: {  	v41 =	vadd.f32 v42, v41;
	_ =	sdelay $0x1  }
0xb9: {  	v42 =	vmul.f32 $2.000000030e-01, v41  }
0xba: {  	vm0 =	vge.f32 v41, $0.0e+00  }
0xbb: {  	v41 =	vsel vm0, v41, v42  }
0xbc: {  	v41 =	vmul.f32 $1.442695020e+00, v41;
	_ =	sdelay $0x1  }
0xbd: {  	(erf) = vpow2.f32 v41;
	_ =	sdelay $0x5  }
0xbe: {  	s12 =	sand.u32 $0x1, s11  }
0xbf: {  	s15 =	smul.u32 $0xA00, s12;
	_ =	sdelay $0x1  }
0xc0: {  	s13 =	sshrl.u32 s15, $0x2;
	v41 =	vpop (erf)  }
0xc1: {  	[tilespmem:v0+s13+$0x1F388] =	vst.idx.msk $0xffff, v41  }
0xc2: {  	v41 =	vld.idx.msk [tilespmem:v2+s29+$0x0], $0xffff  }
0xc3: {  	v54 =	vld.idx.msk [tilespmem:v6+s30+$0x0], $0xffff;
	_ =	sdelay $0x4  }
0xc4: {  	v41 =	vadd.f32 v54, v41;
	_ =	sdelay $0x1  }
0xc5: {  	v42 =	vmul.f32 $2.000000030e-01, v41  }
0xc6: {  	vm9 =	vge.f32 v41, $0.0e+00  }
0xc7: {  	v41 =	vsel vm9, v41, v42  }
0xc8: {  	v41 =	vmul.f32 $1.442695020e+00, v41;
	_ =	sdelay $0x1  }
0xc9: {  	(erf) = vpow2.f32 v41;
	_ =	sdelay $0x8  }
0xca: {  	v41 =	vpop (erf)  }
0xcb: {  	[tilespmem:v2+s13+$0x1F388] =	vst.idx.msk $0xffff, v41  }
0xcc: {  	v41 =	vld.idx.msk [tilespmem:v3+s29+$0x0], $0xffff  }
0xcd: {  	v55 =	vld.idx.msk [tilespmem:v7+s30+$0x0], $0xffff;
	_ =	sdelay $0x4  }
0xce: {  	v41 =	vadd.f32 v55, v41;
	_ =	sdelay $0x1  }
0xcf: {  	v42 =	vmul.f32 $2.000000030e-01, v41  }
0xd0: {  	vm10 =	vge.f32 v41, $0.0e+00  }
0xd1: {  	v41 =	vsel vm10, v41, v42  }
0xd2: {  	v41 =	vmul.f32 $1.442695020e+00, v41;
	_ =	sdelay $0x1  }
0xd3: {  	(erf) = vpow2.f32 v41;
	_ =	sdelay $0x8  }
0xd4: {  	v41 =	vpop (erf)  }
0xd5: {  	[tilespmem:v3+s13+$0x1F388] =	vst.idx.msk $0xffff, v41  }
0xd6: {  	v41 =	vld.idx.msk [tilespmem:v4+s29+$0x0], $0xffff  }
0xd7: {  	v56 =	vld.idx.msk [tilespmem:v8+s30+$0x0], $0xffff;
	_ =	sdelay $0x4  }
0xd8: {  	v41 =	vadd.f32 v56, v41;
	_ =	sdelay $0x1  }
0xd9: {  	v42 =	vmul.f32 $2.000000030e-01, v41  }
0xda: {  	vm11 =	vge.f32 v41, $0.0e+00  }
0xdb: {  	v41 =	vsel vm11, v41, v42  }
0xdc: {  	v41 =	vmul.f32 $1.442695020e+00, v41;
	_ =	sdelay $0x1  }
0xdd: {  	(erf) = vpow2.f32 v41;
	_ =	sdelay $0x8  }
0xde: {  	v41 =	vpop (erf)  }
0xdf: {  	[tilespmem:v4+s13+$0x1F388] =	vst.idx.msk $0xffff, v41  }
0xe0: {  	v41 =	vld.idx.msk [tilespmem:v25+s29+$0x0], $0xffff  }
0xe1: {  	v57 =	vld.idx.msk [tilespmem:v9+s30+$0x0], $0xffff;
	_ =	sdelay $0x4  }
0xe2: {  	v41 =	vadd.f32 v57, v41;
	_ =	sdelay $0x1  }
0xe3: {  	v42 =	vmul.f32 $2.000000030e-01, v41  }
0xe4: {  	vm12 =	vge.f32 v41, $0.0e+00  }
0xe5: {  	v41 =	vsel vm12, v41, v42  }
0xe6: {  	v41 =	vmul.f32 $1.442695020e+00, v41;
	_ =	sdelay $0x1  }
0xe7: {  	(erf) = vpow2.f32 v41;
	_ =	sdelay $0x8  }
0xe8: {  	v41 =	vpop (erf)  }
0xe9: {  	[tilespmem:v25+s13+$0x1F388] =	vst.idx.msk $0xffff, v41  }
0xea: {  	v41 =	vld.idx.msk [tilespmem:v26+s29+$0x0], $0xffff  }
0xeb: {  	v58 =	vld.idx.msk [tilespmem:v10+s30+$0x0], $0xffff;
	_ =	sdelay $0x4  }
0xec: {  	v41 =	vadd.f32 v58, v41;
	_ =	sdelay $0x1  }
0xed: {  	v42 =	vmul.f32 $2.000000030e-01, v41  }
0xee: {  	vm13 =	vge.f32 v41, $0.0e+00  }
0xef: {  	v41 =	vsel vm13, v41, v42  }
0xf0: {  	v41 =	vmul.f32 $1.442695020e+00, v41;
	_ =	sdelay $0x1  }
0xf1: {  	(erf) = vpow2.f32 v41;
	_ =	sdelay $0x8  }
0xf2: {  	v41 =	vpop (erf)  }
0xf3: {  	[tilespmem:v26+s13+$0x1F388] =	vst.idx.msk $0xffff, v41  }
0xf4: {  	v41 =	vld.idx.msk [tilespmem:v27+s29+$0x0], $0xffff  }
0xf5: {  	v59 =	vld.idx.msk [tilespmem:v11+s30+$0x0], $0xffff;
	_ =	sdelay $0x4  }
0xf6: {  	v41 =	vadd.f32 v59, v41;
	_ =	sdelay $0x1  }
0xf7: {  	v42 =	vmul.f32 $2.000000030e-01, v41  }
0xf8: {  	vm14 =	vge.f32 v41, $0.0e+00  }
0xf9: {  	v41 =	vsel vm14, v41, v42  }
0xfa: {  	v41 =	vmul.f32 $1.442695020e+00, v41;
	_ =	sdelay $0x1  }
0xfb: {  	(erf) = vpow2.f32 v41;
	_ =	sdelay $0x8  }
0xfc: {  	v41 =	vpop (erf)  }
0xfd: {  	[tilespmem:v27+s13+$0x1F388] =	vst.idx.msk $0xffff, v41  }
0xfe: {  	v41 =	vld.idx.msk [tilespmem:v28+s29+$0x0], $0xffff  }
0xff: {  	v60 =	vld.idx.msk [tilespmem:v12+s30+$0x0], $0xffff;
	_ =	sdelay $0x4  }
0x100: {  	v41 =	vadd.f32 v60, v41;
	_ =	sdelay $0x1  }
0x101: {  	v42 =	vmul.f32 $2.000000030e-01, v41  }
0x102: {  	vm15 =	vge.f32 v41, $0.0e+00  }
0x103: {  	v41 =	vsel vm15, v41, v42  }
0x104: {  	v41 =	vmul.f32 $1.442695020e+00, v41;
	_ =	sdelay $0x1  }
0x105: {  	(erf) = vpow2.f32 v41;
	_ =	sdelay $0x8  }
0x106: {  	v41 =	vpop (erf)  }
0x107: {  	[tilespmem:v28+s13+$0x1F388] =	vst.idx.msk $0xffff, v41  }
0x108: {  	v41 =	vld.idx.msk [tilespmem:v29+s29+$0x0], $0xffff  }
0x109: {  	v61 =	vld.idx.msk [tilespmem:v13+s30+$0x0], $0xffff;
	_ =	sdelay $0x4  }
0x10a: {  	v41 =	vadd.f32 v61, v41;
	_ =	sdelay $0x1  }
0x10b: {  	v42 =	vmul.f32 $2.000000030e-01, v41  }
0x10c: {  	vm4 =	vge.f32 v41, $0.0e+00  }
0x10d: {  	v41 =	vsel vm4, v41, v42  }
0x10e: {  	v41 =	vmul.f32 $1.442695020e+00, v41;
	_ =	sdelay $0x1  }
0x10f: {  	(erf) = vpow2.f32 v41;
	_ =	sdelay $0x8  }
0x110: {  	v41 =	vpop (erf)  }
0x111: {  	[tilespmem:v29+s13+$0x1F388] =	vst.idx.msk $0xffff, v41  }
0x112: {  	v41 =	vld.idx.msk [tilespmem:v30+s29+$0x0], $0xffff  }
0x113: {  	v62 =	vld.idx.msk [tilespmem:v14+s30+$0x0], $0xffff;
	_ =	sdelay $0x4  }
0x114: {  	v41 =	vadd.f32 v62, v41;
	_ =	sdelay $0x1  }
0x115: {  	v42 =	vmul.f32 $2.000000030e-01, v41  }
0x116: {  	vm5 =	vge.f32 v41, $0.0e+00  }
0x117: {  	v41 =	vsel vm5, v41, v42  }
0x118: {  	v41 =	vmul.f32 $1.442695020e+00, v41;
	_ =	sdelay $0x1  }
0x119: {  	(erf) = vpow2.f32 v41;
	_ =	sdelay $0x8  }
0x11a: {  	v41 =	vpop (erf)  }
0x11b: {  	[tilespmem:v30+s13+$0x1F388] =	vst.idx.msk $0xffff, v41  }
0x11c: {  	v41 =	vld.idx.msk [tilespmem:v31+s29+$0x0], $0xffff  }
0x11d: {  	v63 =	vld.idx.msk [tilespmem:v15+s30+$0x0], $0xffff;
	_ =	sdelay $0x4  }
0x11e: {  	v41 =	vadd.f32 v63, v41;
	_ =	sdelay $0x1  }
0x11f: {  	v42 =	vmul.f32 $2.000000030e-01, v41  }
0x120: {  	vm6 =	vge.f32 v41, $0.0e+00  }
0x121: {  	v41 =	vsel vm6, v41, v42  }
0x122: {  	v41 =	vmul.f32 $1.442695020e+00, v41;
	_ =	sdelay $0x1  }
0x123: {  	(erf) = vpow2.f32 v41;
	_ =	sdelay $0x8  }
0x124: {  	v41 =	vpop (erf)  }
0x125: {  	[tilespmem:v31+s13+$0x1F388] =	vst.idx.msk $0xffff, v41  }
0x126: {  	v41 =	vld.idx.msk [tilespmem:v32+s29+$0x0], $0xffff  }
0x127: {  	v45 =	vld.idx.msk [tilespmem:v16+s30+$0x0], $0xffff;
	_ =	sdelay $0x4  }
0x128: {  	v41 =	vadd.f32 v45, v41;
	_ =	sdelay $0x1  }
0x129: {  	v42 =	vmul.f32 $2.000000030e-01, v41  }
0x12a: {  	vm7 =	vge.f32 v41, $0.0e+00  }
0x12b: {  	v41 =	vsel vm7, v41, v42  }
0x12c: {  	v41 =	vmul.f32 $1.442695020e+00, v41;
	_ =	sdelay $0x1  }
0x12d: {  	(erf) = vpow2.f32 v41;
	_ =	sdelay $0x8  }
0x12e: {  	v41 =	vpop (erf)  }
0x12f: {  	[tilespmem:v32+s13+$0x1F388] =	vst.idx.msk $0xffff, v41  }
0x130: {  	v41 =	vld.idx.msk [tilespmem:v33+s29+$0x0], $0xffff  }
0x131: {  	v46 =	vld.idx.msk [tilespmem:v17+s30+$0x0], $0xffff;
	_ =	sdelay $0x4  }
0x132: {  	v41 =	vadd.f32 v46, v41;
	_ =	sdelay $0x1  }
0x133: {  	v42 =	vmul.f32 $2.000000030e-01, v41  }
0x134: {  	vm8 =	vge.f32 v41, $0.0e+00  }
0x135: {  	v41 =	vsel vm8, v41, v42  }
0x136: {  	v41 =	vmul.f32 $1.442695020e+00, v41;
	_ =	sdelay $0x1  }
0x137: {  	(erf) = vpow2.f32 v41;
	_ =	sdelay $0x8  }
0x138: {  	v41 =	vpop (erf)  }
0x139: {  	[tilespmem:v33+s13+$0x1F388] =	vst.idx.msk $0xffff, v41  }
0x13a: {  	v41 =	vld.idx.msk [tilespmem:v34+s29+$0x0], $0xffff  }
0x13b: {  	v47 =	vld.idx.msk [tilespmem:v18+s30+$0x0], $0xffff;
	_ =	sdelay $0x4  }
0x13c: {  	v41 =	vadd.f32 v47, v41;
	_ =	sdelay $0x1  }
0x13d: {  	v42 =	vmul.f32 $2.000000030e-01, v41  }
0x13e: {  	vm9 =	vge.f32 v41, $0.0e+00  }
0x13f: {  	v41 =	vsel vm9, v41, v42  }
0x140: {  	v41 =	vmul.f32 $1.442695020e+00, v41;
	_ =	sdelay $0x1  }
0x141: {  	(erf) = vpow2.f32 v41;
	_ =	sdelay $0x8  }
0x142: {  	v41 =	vpop (erf)  }
0x143: {  	[tilespmem:v34+s13+$0x1F388] =	vst.idx.msk $0xffff, v41  }
0x144: {  	v41 =	vld.idx.msk [tilespmem:v35+s29+$0x0], $0xffff  }
0x145: {  	v48 =	vld.idx.msk [tilespmem:v19+s30+$0x0], $0xffff;
	_ =	sdelay $0x4  }
0x146: {  	v41 =	vadd.f32 v48, v41;
	_ =	sdelay $0x1  }
0x147: {  	v42 =	vmul.f32 $2.000000030e-01, v41  }
0x148: {  	vm10 =	vge.f32 v41, $0.0e+00  }
0x149: {  	v41 =	vsel vm10, v41, v42  }
0x14a: {  	v41 =	vmul.f32 $1.442695020e+00, v41;
	_ =	sdelay $0x1  }
0x14b: {  	(erf) = vpow2.f32 v41;
	_ =	sdelay $0x8  }
0x14c: {  	v41 =	vpop (erf)  }
0x14d: {  	[tilespmem:v35+s13+$0x1F388] =	vst.idx.msk $0xffff, v41  }
0x14e: {  	v41 =	vld.idx.msk [tilespmem:v36+s29+$0x0], $0xffff  }
0x14f: {  	v49 =	vld.idx.msk [tilespmem:v20+s30+$0x0], $0xffff;
	_ =	sdelay $0x4  }
0x150: {  	v41 =	vadd.f32 v49, v41;
	_ =	sdelay $0x1  }
0x151: {  	v42 =	vmul.f32 $2.000000030e-01, v41  }
0x152: {  	vm11 =	vge.f32 v41, $0.0e+00  }
0x153: {  	v41 =	vsel vm11, v41, v42  }
0x154: {  	v41 =	vmul.f32 $1.442695020e+00, v41;
	_ =	sdelay $0x1  }
0x155: {  	(erf) = vpow2.f32 v41;
	_ =	sdelay $0x8  }
0x156: {  	v41 =	vpop (erf)  }
0x157: {  	[tilespmem:v36+s13+$0x1F388] =	vst.idx.msk $0xffff, v41  }
0x158: {  	v41 =	vld.idx.msk [tilespmem:v37+s29+$0x0], $0xffff  }
0x159: {  	v50 =	vld.idx.msk [tilespmem:v21+s30+$0x0], $0xffff;
	_ =	sdelay $0x4  }
0x15a: {  	v41 =	vadd.f32 v50, v41;
	_ =	sdelay $0x1  }
0x15b: {  	v42 =	vmul.f32 $2.000000030e-01, v41  }
0x15c: {  	vm12 =	vge.f32 v41, $0.0e+00  }
0x15d: {  	v41 =	vsel vm12, v41, v42  }
0x15e: {  	v41 =	vmul.f32 $1.442695020e+00, v41;
	_ =	sdelay $0x1  }
0x15f: {  	(erf) = vpow2.f32 v41;
	_ =	sdelay $0x8  }
0x160: {  	v41 =	vpop (erf)  }
0x161: {  	[tilespmem:v37+s13+$0x1F388] =	vst.idx.msk $0xffff, v41  }
0x162: {  	v41 =	vld.idx.msk [tilespmem:v38+s29+$0x0], $0xffff  }
0x163: {  	v51 =	vld.idx.msk [tilespmem:v22+s30+$0x0], $0xffff;
	_ =	sdelay $0x4  }
0x164: {  	v41 =	vadd.f32 v51, v41;
	_ =	sdelay $0x1  }
0x165: {  	v42 =	vmul.f32 $2.000000030e-01, v41  }
0x166: {  	vm13 =	vge.f32 v41, $0.0e+00  }
0x167: {  	v41 =	vsel vm13, v41, v42  }
0x168: {  	v41 =	vmul.f32 $1.442695020e+00, v41;
	_ =	sdelay $0x1  }
0x169: {  	(erf) = vpow2.f32 v41;
	_ =	sdelay $0x8  }
0x16a: {  	v41 =	vpop (erf)  }
0x16b: {  	[tilespmem:v38+s13+$0x1F388] =	vst.idx.msk $0xffff, v41  }
0x16c: {  	v41 =	vld.idx.msk [tilespmem:v39+s29+$0x0], $0xffff  }
0x16d: {  	v52 =	vld.idx.msk [tilespmem:v23+s30+$0x0], $0xffff;
	_ =	sdelay $0x4  }
0x16e: {  	v41 =	vadd.f32 v52, v41;
	_ =	sdelay $0x1  }
0x16f: {  	v42 =	vmul.f32 $2.000000030e-01, v41  }
0x170: {  	vm14 =	vge.f32 v41, $0.0e+00  }
0x171: {  	v41 =	vsel vm14, v41, v42  }
0x172: {  	v41 =	vmul.f32 $1.442695020e+00, v41;
	_ =	sdelay $0x1  }
0x173: {  	(erf) = vpow2.f32 v41;
	_ =	sdelay $0x8  }
0x174: {  	v41 =	vpop (erf)  }
0x175: {  	[tilespmem:v39+s13+$0x1F388] =	vst.idx.msk $0xffff, v41  }
0x176: {  	v41 =	vld.idx.msk [tilespmem:v40+s29+$0x0], $0xffff  }
0x177: {  	v53 =	vld.idx.msk [tilespmem:v24+s30+$0x0], $0xffff;
	_ =	sdelay $0x4  }
0x178: {  	v41 =	vadd.f32 v53, v41;
	_ =	sdelay $0x1  }
0x179: {  	v42 =	vmul.f32 $2.000000030e-01, v41  }
0x17a: {  	vm15 =	vge.f32 v41, $0.0e+00  }
0x17b: {  	v41 =	vsel vm15, v41, v42  }
0x17c: {  	v41 =	vmul.f32 $1.442695020e+00, v41;
	_ =	sdelay $0x1  }
0x17d: {  	(erf) = vpow2.f32 v41;
	_ =	sdelay $0x8  }
0x17e: {  	p1 =	seq.s32 s11, $0x7C;
	v41 =	vpop (erf)  }
0x17f: {  	s10 =	simm.s32 @!p1 $0x1;
	[tilespmem:v40+s13+$0x1F388] =	vst.idx.msk $0xffff, v41  }
0x180: {  	s14 =	sadd.s32 @!p1 $0x1, s11;
	s24 =	simm.s32 @!p1 $0x14E88;
	_ =	swait.ge @!p1 [sflag:s10], $0x50  }
0x181: {  	p2 =	sgt.u32 @!p1 s11, $0x7A;
	s15 =	sand.u32 @!p1 $0x3, s14;
	[sflag:s10] =	ssyncset.done @!p1 $0x0  }
0x182: {  	s14 =	sand.u32 @!p1 $0x1, s14;
	p2 =	por p2, p1;
	[sflag:s10] =	ssyncadd.s32 @!p1 $0xFFFFFFB0  }
0x183: {  	s15 =	smul.u32 @!p1 $0x50, s15;
	p3 =	seq.s32 @!p1 s14, $0x1;
	_ =	swait.ge @!p1 [sflag:s10], $0x50  }
0x184: {  	s14 =	sadd.s32 @!p2 $0x2, s11;
	p3 =	por !p3, p1;
	[sflag:s10] =	ssyncset.done @!p1 $0x0  }
0x185: {  	s16 =	sor.u32 @!p1 $0x14C08, s15;
	[sflag:s10] =	ssyncadd.s32 @!p1 $0xFFFFFFB0;
	s10 =	simm.s32 @!p1 $0x50  }
0x186: {  	[tilespmem:s24], [sflag:$0x2] =	stream.indirect.gather @!p1 [hbm4b:s6+s10], $0x8, s16, s10, $0xb8;
	[tilespmem:$0x1FB88] =	vst v63  }
0x187: {  	s25 =	sand.u32 @!p2 $0x3, s14;
	s15 =	sadd.s32 @!p1 $0x14D48, s15;
	s24 =	simm.s32 @!p1 $0x15108  }
0x188: {  	[tilespmem:s24], [sflag:$0x2] =	stream.indirect.gather @!p1 [hbm4b:s6+s10], $0x8, s15, s10, $0xb8;
	[tilespmem:$0x1FB88] =	vst v63  }
0x189: {  	s14 =	sadd.s32 @!p2 s9, s14;
	s25 =	smul.u32 @!p2 $0x50, s25;
	s15 =	simm.s32 $0x1  }
0x18a: {  	s14 =	smul.u32 @!p2 $0xA, s14;
	s24 =	simm.s32 @!p1 $0x17B88;
	s15 =	simm.s32 @!p0 $0x0  }
0x18b: {  	s24 =	simm.s32 @p3 $0x15388;
	s15 =	smul.u32 $0xA000, s15  }
0x18c: {  	[tilespmem:s24], [sflag:$0x2] =	stream.indirect.gather @!p1 [hbm4b:s1+s10], $0x80, s16, s10, $0xb8;
	[tilespmem:$0x1FB88] =	vst v63  }
0x18d: {  	s26 =	sshrl.u32 s15, $0x2;
	s15 =	simm.s32 $0x0  }
0x18e: {  	s10 =	sor.u32 @!p2 $0x14C08, s25;
	s16 =	simm.s32 @!p2 $0x0;
	v54 =	vmov s15;
	s15 =	sadd.s32 @!p2 s7, s14  }
0x18f: {  	[tilespmem:s10], [sflag:$0x1] =	stream.linear.gather @!p2 [hbm4b:s15+s16], $0x50, $0x38;
	[tilespmem:$0x1FB88] =	vst v63  }
0x190: {  	s14 =	sadd.s32 @!p2 s8, s14;
	s10 =	sadd.s32 @!p2 $0x14D48, s25;
	s15 =	sadd.s32 $0x15488, s26  }
0x191: {  	[tilespmem:s10], [sflag:$0x1] =	stream.linear.gather @!p2 [hbm4b:s14+s16], $0x50, $0x38;
	[tilespmem:$0x1FB88] =	vst v63  }
0x192: {  	s13 =	sadd.s32 $0x1F388, s13;
	v43 =	vld [tilespmem:s15+$0xFFFFFF00]  }
0x193: {  	v55 =	vld.idx.msk [tilespmem:v54+s13+$0x0], $0xffff;
	_ =	sdelay $0x4  }
0x194: {  	v43 =	vmul.f32 v43, v55  }
0x195: {  	s14 =	sadd.s32 $0x1A488, s26  }
0x196: {  	[tilespmem:s14+$0xFFFFFF00] =	vst v43  }
0x197: {  	v43 =	vld [tilespmem:s15+$0xFFFFFF10];
	_ =	sdelay $0x2  }
0x198: {  	v44 =	vor.u32 $0x1, v54;
	_ =	sdelay $0x1  }
0x199: {  	v42 =	vmul.f32 v43, v55;
	_ =	sdelay $0x1  }
0x19a: {  	[tilespmem:s14+$0xFFFFFF10] =	vst v42  }
0x19b: {  	v42 =	vld.idx.msk [tilespmem:v44+s13+$0x0], $0xffff  }
0x19c: {  	v56 =	vld [tilespmem:s15+$0xFFFFFF20];
	_ =	sdelay $0x4  }
0x19d: {  	v43 =	vmul.f32 v56, v42;
	_ =	sdelay $0x1  }
0x19e: {  	[tilespmem:s14+$0xFFFFFF20] =	vst v43  }
0x19f: {  	v43 =	vld [tilespmem:s15+$0xFFFFFF30];
	_ =	sdelay $0x2  }
0x1a0: {  	v57 =	vor.u32 $0x2, v54;
	_ =	sdelay $0x1  }
0x1a1: {  	v42 =	vmul.f32 v43, v42;
	_ =	sdelay $0x1  }
0x1a2: {  	[tilespmem:s14+$0xFFFFFF30] =	vst v42  }
0x1a3: {  	v42 =	vld.idx.msk [tilespmem:v57+s13+$0x0], $0xffff  }
0x1a4: {  	v58 =	vld [tilespmem:s15+$0xFFFFFF40];
	_ =	sdelay $0x4  }
0x1a5: {  	v43 =	vmul.f32 v58, v42;
	_ =	sdelay $0x1  }
0x1a6: {  	[tilespmem:s14+$0xFFFFFF40] =	vst v43  }
0x1a7: {  	v43 =	vld [tilespmem:s15+$0xFFFFFF50];
	_ =	sdelay $0x2  }
0x1a8: {  	v41 =	vor.u32 $0x3, v54;
	_ =	sdelay $0x1  }
0x1a9: {  	v42 =	vmul.f32 v43, v42;
	_ =	sdelay $0x1  }
0x1aa: {  	[tilespmem:s14+$0xFFFFFF50] =	vst v42  }
0x1ab: {  	v41 =	vld.idx.msk [tilespmem:v41+s13+$0x0], $0xffff  }
0x1ac: {  	v42 =	vld [tilespmem:s15+$0xFFFFFF60];
	_ =	sdelay $0x4  }
0x1ad: {  	v42 =	vmul.f32 v42, v41;
	_ =	sdelay $0x1  }
0x1ae: {  	[tilespmem:s14+$0xFFFFFF60] =	vst v42  }
0x1af: {  	v42 =	vld [tilespmem:s15+$0xFFFFFF70];
	_ =	sdelay $0x1  }
0x1b0: {  	s16 =	simm.s32 $0x8  }
0x1b1: {  	v59 =	vmov s16;
	_ =	sdelay $0x1  }
0x1b2: {  	v41 =	vmul.f32 v42, v41;
	_ =	sdelay $0x1  }
0x1b3: {  	[tilespmem:s14+$0xFFFFFF70] =	vst v41  }
0x1b4: {  	v41 =	vld.idx.msk [tilespmem:v59+s13+$0x0], $0xffff  }
0x1b5: {  	v60 =	vld [tilespmem:s15+$0xFFFFFF80];
	_ =	sdelay $0x4  }
0x1b6: {  	v42 =	vmul.f32 v60, v41;
	_ =	sdelay $0x1  }
0x1b7: {  	[tilespmem:s14+$0xFFFFFF80] =	vst v42  }
0x1b8: {  	v42 =	vld [tilespmem:s15+$0xFFFFFF90];
	_ =	sdelay $0x2  }
0x1b9: {  	v61 =	vor.u32 $0x1, v59;
	_ =	sdelay $0x1  }
0x1ba: {  	v41 =	vmul.f32 v42, v41;
	_ =	sdelay $0x1  }
0x1bb: {  	[tilespmem:s14+$0xFFFFFF90] =	vst v41  }
0x1bc: {  	v41 =	vld.idx.msk [tilespmem:v61+s13+$0x0], $0xffff  }
0x1bd: {  	v62 =	vld [tilespmem:s15+$0xFFFFFFA0];
	_ =	sdelay $0x4  }
0x1be: {  	v42 =	vmul.f32 v62, v41;
	_ =	sdelay $0x1  }
0x1bf: {  	[tilespmem:s14+$0xFFFFFFA0] =	vst v42  }
0x1c0: {  	v42 =	vld [tilespmem:s15+$0xFFFFFFB0];
	_ =	sdelay $0x2  }
0x1c1: {  	v63 =	vor.u32 $0x2, v59;
	_ =	sdelay $0x1  }
0x1c2: {  	v41 =	vmul.f32 v42, v41;
	_ =	sdelay $0x1  }
0x1c3: {  	[tilespmem:s14+$0xFFFFFFB0] =	vst v41  }
0x1c4: {  	v41 =	vld.idx.msk [tilespmem:v63+s13+$0x0], $0xffff  }
0x1c5: {  	v47 =	vld [tilespmem:s15+$0xFFFFFFC0];
	_ =	sdelay $0x4  }
0x1c6: {  	v42 =	vmul.f32 v47, v41;
	_ =	sdelay $0x1  }
0x1c7: {  	[tilespmem:s14+$0xFFFFFFC0] =	vst v42  }
0x1c8: {  	v42 =	vld [tilespmem:s15+$0xFFFFFFD0];
	_ =	sdelay $0x2  }
0x1c9: {  	v43 =	vor.u32 $0x3, v59;
	_ =	sdelay $0x1  }
0x1ca: {  	v41 =	vmul.f32 v42, v41;
	_ =	sdelay $0x1  }
0x1cb: {  	[tilespmem:s14+$0xFFFFFFD0] =	vst v41  }
0x1cc: {  	v41 =	vld.idx.msk [tilespmem:v43+s13+$0x0], $0xffff  }
0x1cd: {  	v48 =	vld [tilespmem:s15+$0xFFFFFFE0];
	_ =	sdelay $0x4  }
0x1ce: {  	v42 =	vmul.f32 v48, v41;
	_ =	sdelay $0x1  }
0x1cf: {  	[tilespmem:s14+$0xFFFFFFE0] =	vst v42  }
0x1d0: {  	v42 =	vld [tilespmem:s15+$0xFFFFFFF0];
	_ =	sdelay $0x1  }
0x1d1: {  	s24 =	simm.s32 $0x10  }
0x1d2: {  	v49 =	vmov s24;
	_ =	sdelay $0x1  }
0x1d3: {  	v41 =	vmul.f32 v42, v41;
	_ =	sdelay $0x1  }
0x1d4: {  	[tilespmem:s14+$0xFFFFFFF0] =	vst v41  }
0x1d5: {  	v41 =	vld.idx.msk [tilespmem:v49+s13+$0x0], $0xffff  }
0x1d6: {  	v50 =	vld [tilespmem:s15+$0x0];
	_ =	sdelay $0x4  }
0x1d7: {  	v42 =	vmul.f32 v50, v41;
	_ =	sdelay $0x1  }
0x1d8: {  	[tilespmem:s14+$0x0] =	vst v42  }
0x1d9: {  	v42 =	vld [tilespmem:s15+$0x10];
	_ =	sdelay $0x2  }
0x1da: {  	v51 =	vor.u32 $0x1, v49;
	_ =	sdelay $0x1  }
0x1db: {  	v41 =	vmul.f32 v42, v41;
	_ =	sdelay $0x1  }
0x1dc: {  	[tilespmem:s14+$0x10] =	vst v41  }
0x1dd: {  	v41 =	vld.idx.msk [tilespmem:v51+s13+$0x0], $0xffff  }
0x1de: {  	v52 =	vld [tilespmem:s15+$0x20];
	_ =	sdelay $0x4  }
0x1df: {  	v42 =	vmul.f32 v52, v41;
	_ =	sdelay $0x1  }
0x1e0: {  	[tilespmem:s14+$0x20] =	vst v42  }
0x1e1: {  	v42 =	vld [tilespmem:s15+$0x30];
	_ =	sdelay $0x2  }
0x1e2: {  	v53 =	vor.u32 $0x2, v49;
	_ =	sdelay $0x1  }
0x1e3: {  	v41 =	vmul.f32 v42, v41;
	_ =	sdelay $0x1  }
0x1e4: {  	[tilespmem:s14+$0x30] =	vst v41  }
0x1e5: {  	v41 =	vld.idx.msk [tilespmem:v53+s13+$0x0], $0xffff  }
0x1e6: {  	v54 =	vld [tilespmem:s15+$0x40];
	_ =	sdelay $0x4  }
0x1e7: {  	v42 =	vmul.f32 v54, v41;
	_ =	sdelay $0x1  }
0x1e8: {  	[tilespmem:s14+$0x40] =	vst v42  }
0x1e9: {  	v42 =	vld [tilespmem:s15+$0x50];
	_ =	sdelay $0x2  }
0x1ea: {  	v43 =	vor.u32 $0x3, v49;
	_ =	sdelay $0x1  }
0x1eb: {  	v41 =	vmul.f32 v42, v41;
	_ =	sdelay $0x1  }
0x1ec: {  	[tilespmem:s14+$0x50] =	vst v41  }
0x1ed: {  	v41 =	vld.idx.msk [tilespmem:v43+s13+$0x0], $0xffff  }
0x1ee: {  	v55 =	vld [tilespmem:s15+$0x60];
	_ =	sdelay $0x4  }
0x1ef: {  	v42 =	vmul.f32 v55, v41;
	_ =	sdelay $0x1  }
0x1f0: {  	[tilespmem:s14+$0x60] =	vst v42  }
0x1f1: {  	v42 =	vld [tilespmem:s15+$0x70];
	_ =	sdelay $0x1  }
0x1f2: {  	s25 =	simm.s32 $0x18  }
0x1f3: {  	v56 =	vmov s25;
	_ =	sdelay $0x1  }
0x1f4: {  	v41 =	vmul.f32 v42, v41;
	_ =	sdelay $0x1  }
0x1f5: {  	[tilespmem:s14+$0x70] =	vst v41  }
0x1f6: {  	v41 =	vld.idx.msk [tilespmem:v56+s13+$0x0], $0xffff  }
0x1f7: {  	v57 =	vld [tilespmem:s15+$0x80];
	_ =	sdelay $0x4  }
0x1f8: {  	v42 =	vmul.f32 v57, v41;
	_ =	sdelay $0x1  }
0x1f9: {  	[tilespmem:s14+$0x80] =	vst v42  }
0x1fa: {  	v42 =	vld [tilespmem:s15+$0x90];
	_ =	sdelay $0x2  }
0x1fb: {  	v58 =	vor.u32 $0x1, v56;
	_ =	sdelay $0x1  }
0x1fc: {  	v41 =	vmul.f32 v42, v41;
	_ =	sdelay $0x1  }
0x1fd: {  	[tilespmem:s14+$0x90] =	vst v41  }
0x1fe: {  	v41 =	vld.idx.msk [tilespmem:v58+s13+$0x0], $0xffff  }
0x1ff: {  	v59 =	vld [tilespmem:s15+$0xA0];
	_ =	sdelay $0x4  }
0x200: {  	v42 =	vmul.f32 v59, v41;
	_ =	sdelay $0x1  }
0x201: {  	[tilespmem:s14+$0xA0] =	vst v42  }
0x202: {  	v42 =	vld [tilespmem:s15+$0xB0];
	_ =	sdelay $0x2  }
0x203: {  	v60 =	vor.u32 $0x2, v56;
	_ =	sdelay $0x1  }
0x204: {  	v41 =	vmul.f32 v42, v41;
	_ =	sdelay $0x1  }
0x205: {  	[tilespmem:s14+$0xB0] =	vst v41  }
0x206: {  	v41 =	vld.idx.msk [tilespmem:v60+s13+$0x0], $0xffff  }
0x207: {  	v61 =	vld [tilespmem:s15+$0xC0];
	_ =	sdelay $0x4  }
0x208: {  	v42 =	vmul.f32 v61, v41;
	_ =	sdelay $0x1  }
0x209: {  	[tilespmem:s14+$0xC0] =	vst v42  }
0x20a: {  	v42 =	vld [tilespmem:s15+$0xD0];
	_ =	sdelay $0x2  }
0x20b: {  	v43 =	vor.u32 $0x3, v56;
	_ =	sdelay $0x1  }
0x20c: {  	v41 =	vmul.f32 v42, v41;
	_ =	sdelay $0x1  }
0x20d: {  	[tilespmem:s14+$0xD0] =	vst v41  }
0x20e: {  	v62 =	vld.idx.msk [tilespmem:v43+s13+$0x0], $0xffff  }
0x20f: {  	v41 =	vld [tilespmem:s15+$0xE0];
	_ =	sdelay $0x4  }
0x210: {  	v41 =	vmul.f32 v41, v62;
	_ =	sdelay $0x1  }
0x211: {  	[tilespmem:s14+$0xE0] =	vst v41  }
0x212: {  	v63 =	vld [tilespmem:s15+$0xF0];
	_ =	sdelay $0x1  }
0x213: {  	s26 =	simm.s32 $0x20  }
0x214: {  	v41 =	vmov s26  }
0x215: {  	s31 =	simm.s32 $0x28;
	s28 =	simm.s32 $0x38  }
0x216: {  	s24 =	simm.s32 $0x8;
	s16 =	sand.u32 $0x3, s11;
	s26 =	simm.s32 $0x30;
	v42 =	vmul.f32 v63, v62  }
.LBB2_7:
0x217: {  	s15 =	sadd.s32 $0x200, s15  }
0x218: {  	s25 =	smov.u32 s24;
	s10 =	sadd.s32 $0x4, s24;
	[tilespmem:s14+$0xF0] =	vst v42;
	s14 =	sadd.s32 $0x200, s14  }
0x219: {  	p1 =	slt.u32 s24, $0x4C;
	v42 =	vld.idx.msk [tilespmem:v41+s13+$0x0], $0xffff  }
0x21a: {  	v43 =	vld [tilespmem:s15+$0xFFFFFF00];
	_ =	sdelay $0x4  }
0x21b: {  	v43 =	vmul.f32 v43, v42;
	_ =	sdelay $0x1  }
0x21c: {  	[tilespmem:s14+$0xFFFFFF00] =	vst v43  }
0x21d: {  	v43 =	vld [tilespmem:s15+$0xFFFFFF10];
	_ =	sdelay $0x2  }
0x21e: {  	v44 =	vor.u32 $0x1, v41;
	_ =	sdelay $0x1  }
0x21f: {  	v42 =	vmul.f32 v43, v42;
	_ =	sdelay $0x1  }
0x220: {  	[tilespmem:s14+$0xFFFFFF10] =	vst v42  }
0x221: {  	v42 =	vld.idx.msk [tilespmem:v44+s13+$0x0], $0xffff  }
0x222: {  	v43 =	vld [tilespmem:s15+$0xFFFFFF20];
	_ =	sdelay $0x4  }
0x223: {  	v43 =	vmul.f32 v43, v42;
	_ =	sdelay $0x1  }
0x224: {  	[tilespmem:s14+$0xFFFFFF20] =	vst v43  }
0x225: {  	v43 =	vld [tilespmem:s15+$0xFFFFFF30];
	_ =	sdelay $0x2  }
0x226: {  	v44 =	vor.u32 $0x2, v41;
	_ =	sdelay $0x1  }
0x227: {  	v42 =	vmul.f32 v43, v42;
	_ =	sdelay $0x1  }
0x228: {  	[tilespmem:s14+$0xFFFFFF30] =	vst v42  }
0x229: {  	v42 =	vld.idx.msk [tilespmem:v44+s13+$0x0], $0xffff  }
0x22a: {  	v43 =	vld [tilespmem:s15+$0xFFFFFF40];
	_ =	sdelay $0x4  }
0x22b: {  	v43 =	vmul.f32 v43, v42;
	_ =	sdelay $0x1  }
0x22c: {  	[tilespmem:s14+$0xFFFFFF40] =	vst v43  }
0x22d: {  	v43 =	vld [tilespmem:s15+$0xFFFFFF50];
	_ =	sdelay $0x2  }
0x22e: {  	v41 =	vor.u32 $0x3, v41;
	_ =	sdelay $0x1  }
0x22f: {  	v42 =	vmul.f32 v43, v42;
	_ =	sdelay $0x1  }
0x230: {  	[tilespmem:s14+$0xFFFFFF50] =	vst v42  }
0x231: {  	v41 =	vld.idx.msk [tilespmem:v41+s13+$0x0], $0xffff  }
0x232: {  	v42 =	vld [tilespmem:s15+$0xFFFFFF60];
	_ =	sdelay $0x4  }
0x233: {  	v42 =	vmul.f32 v42, v41;
	_ =	sdelay $0x1  }
0x234: {  	[tilespmem:s14+$0xFFFFFF60] =	vst v42  }
0x235: {  	v42 =	vld [tilespmem:s15+$0xFFFFFF70];
	_ =	sdelay $0x2  }
0x236: {  	v43 =	vmov s31;
	_ =	sdelay $0x1  }
0x237: {  	v41 =	vmul.f32 v42, v41;
	_ =	sdelay $0x1  }
0x238: {  	[tilespmem:s14+$0xFFFFFF70] =	vst v41  }
0x239: {  	v41 =	vld.idx.msk [tilespmem:v43+s13+$0x0], $0xffff  }
0x23a: {  	v42 =	vld [tilespmem:s15+$0xFFFFFF80];
	_ =	sdelay $0x4  }
0x23b: {  	v42 =	vmul.f32 v42, v41;
	_ =	sdelay $0x1  }
0x23c: {  	[tilespmem:s14+$0xFFFFFF80] =	vst v42  }
0x23d: {  	v42 =	vld [tilespmem:s15+$0xFFFFFF90];
	_ =	sdelay $0x2  }
0x23e: {  	v44 =	vor.u32 $0x1, v43;
	_ =	sdelay $0x1  }
0x23f: {  	v41 =	vmul.f32 v42, v41;
	_ =	sdelay $0x1  }
0x240: {  	[tilespmem:s14+$0xFFFFFF90] =	vst v41  }
0x241: {  	v41 =	vld.idx.msk [tilespmem:v44+s13+$0x0], $0xffff  }
0x242: {  	v42 =	vld [tilespmem:s15+$0xFFFFFFA0];
	_ =	sdelay $0x4  }
0x243: {  	v42 =	vmul.f32 v42, v41;
	_ =	sdelay $0x1  }
0x244: {  	[tilespmem:s14+$0xFFFFFFA0] =	vst v42  }
0x245: {  	v42 =	vld [tilespmem:s15+$0xFFFFFFB0];
	_ =	sdelay $0x2  }
0x246: {  	v44 =	vor.u32 $0x2, v43;
	_ =	sdelay $0x1  }
0x247: {  	v41 =	vmul.f32 v42, v41;
	_ =	sdelay $0x1  }
0x248: {  	[tilespmem:s14+$0xFFFFFFB0] =	vst v41  }
0x249: {  	v41 =	vld.idx.msk [tilespmem:v44+s13+$0x0], $0xffff  }
0x24a: {  	v42 =	vld [tilespmem:s15+$0xFFFFFFC0];
	_ =	sdelay $0x4  }
0x24b: {  	v42 =	vmul.f32 v42, v41;
	_ =	sdelay $0x1  }
0x24c: {  	[tilespmem:s14+$0xFFFFFFC0] =	vst v42  }
0x24d: {  	v42 =	vld [tilespmem:s15+$0xFFFFFFD0];
	_ =	sdelay $0x2  }
0x24e: {  	v43 =	vor.u32 $0x3, v43;
	_ =	sdelay $0x1  }
0x24f: {  	v41 =	vmul.f32 v42, v41;
	_ =	sdelay $0x1  }
0x250: {  	[tilespmem:s14+$0xFFFFFFD0] =	vst v41  }
0x251: {  	v41 =	vld.idx.msk [tilespmem:v43+s13+$0x0], $0xffff  }
0x252: {  	v42 =	vld [tilespmem:s15+$0xFFFFFFE0];
	_ =	sdelay $0x4  }
0x253: {  	v42 =	vmul.f32 v42, v41;
	_ =	sdelay $0x1  }
0x254: {  	[tilespmem:s14+$0xFFFFFFE0] =	vst v42  }
0x255: {  	v42 =	vld [tilespmem:s15+$0xFFFFFFF0];
	_ =	sdelay $0x2  }
0x256: {  	v43 =	vmov s26;
	_ =	sdelay $0x1  }
0x257: {  	v41 =	vmul.f32 v42, v41;
	_ =	sdelay $0x1  }
0x258: {  	[tilespmem:s14+$0xFFFFFFF0] =	vst v41  }
0x259: {  	v41 =	vld.idx.msk [tilespmem:v43+s13+$0x0], $0xffff  }
0x25a: {  	v42 =	vld [tilespmem:s15+$0x0];
	_ =	sdelay $0x4  }
0x25b: {  	v42 =	vmul.f32 v42, v41;
	_ =	sdelay $0x1  }
0x25c: {  	[tilespmem:s14+$0x0] =	vst v42  }
0x25d: {  	v42 =	vld [tilespmem:s15+$0x10];
	_ =	sdelay $0x2  }
0x25e: {  	v44 =	vor.u32 $0x1, v43;
	_ =	sdelay $0x1  }
0x25f: {  	v41 =	vmul.f32 v42, v41;
	_ =	sdelay $0x1  }
0x260: {  	[tilespmem:s14+$0x10] =	vst v41  }
0x261: {  	v41 =	vld.idx.msk [tilespmem:v44+s13+$0x0], $0xffff  }
0x262: {  	v42 =	vld [tilespmem:s15+$0x20];
	_ =	sdelay $0x4  }
0x263: {  	v42 =	vmul.f32 v42, v41;
	_ =	sdelay $0x1  }
0x264: {  	[tilespmem:s14+$0x20] =	vst v42  }
0x265: {  	v42 =	vld [tilespmem:s15+$0x30];
	_ =	sdelay $0x2  }
0x266: {  	v44 =	vor.u32 $0x2, v43;
	_ =	sdelay $0x1  }
0x267: {  	v41 =	vmul.f32 v42, v41;
	_ =	sdelay $0x1  }
0x268: {  	[tilespmem:s14+$0x30] =	vst v41  }
0x269: {  	v41 =	vld.idx.msk [tilespmem:v44+s13+$0x0], $0xffff  }
0x26a: {  	v42 =	vld [tilespmem:s15+$0x40];
	_ =	sdelay $0x4  }
0x26b: {  	v42 =	vmul.f32 v42, v41;
	_ =	sdelay $0x1  }
0x26c: {  	[tilespmem:s14+$0x40] =	vst v42  }
0x26d: {  	v42 =	vld [tilespmem:s15+$0x50];
	_ =	sdelay $0x2  }
0x26e: {  	v43 =	vor.u32 $0x3, v43;
	_ =	sdelay $0x1  }
0x26f: {  	v41 =	vmul.f32 v42, v41;
	_ =	sdelay $0x1  }
0x270: {  	[tilespmem:s14+$0x50] =	vst v41  }
0x271: {  	v41 =	vld.idx.msk [tilespmem:v43+s13+$0x0], $0xffff  }
0x272: {  	v42 =	vld [tilespmem:s15+$0x60];
	_ =	sdelay $0x4  }
0x273: {  	v42 =	vmul.f32 v42, v41;
	_ =	sdelay $0x1  }
0x274: {  	[tilespmem:s14+$0x60] =	vst v42  }
0x275: {  	v42 =	vld [tilespmem:s15+$0x70];
	_ =	sdelay $0x2  }
0x276: {  	v43 =	vmov s28;
	_ =	sdelay $0x1  }
0x277: {  	v41 =	vmul.f32 v42, v41;
	_ =	sdelay $0x1  }
0x278: {  	[tilespmem:s14+$0x70] =	vst v41  }
0x279: {  	v41 =	vld.idx.msk [tilespmem:v43+s13+$0x0], $0xffff  }
0x27a: {  	v42 =	vld [tilespmem:s15+$0x80];
	_ =	sdelay $0x4  }
0x27b: {  	v42 =	vmul.f32 v42, v41;
	_ =	sdelay $0x1  }
0x27c: {  	[tilespmem:s14+$0x80] =	vst v42  }
0x27d: {  	v42 =	vld [tilespmem:s15+$0x90];
	_ =	sdelay $0x2  }
0x27e: {  	v44 =	vor.u32 $0x1, v43;
	_ =	sdelay $0x1  }
0x27f: {  	v41 =	vmul.f32 v42, v41;
	_ =	sdelay $0x1  }
0x280: {  	[tilespmem:s14+$0x90] =	vst v41  }
0x281: {  	v41 =	vld.idx.msk [tilespmem:v44+s13+$0x0], $0xffff  }
0x282: {  	v42 =	vld [tilespmem:s15+$0xA0];
	_ =	sdelay $0x4  }
0x283: {  	v42 =	vmul.f32 v42, v41;
	_ =	sdelay $0x1  }
0x284: {  	[tilespmem:s14+$0xA0] =	vst v42  }
0x285: {  	v42 =	vld [tilespmem:s15+$0xB0];
	_ =	sdelay $0x2  }
0x286: {  	v44 =	vor.u32 $0x2, v43;
	_ =	sdelay $0x1  }
0x287: {  	v41 =	vmul.f32 v42, v41;
	_ =	sdelay $0x1  }
0x288: {  	[tilespmem:s14+$0xB0] =	vst v41  }
0x289: {  	v41 =	vld.idx.msk [tilespmem:v44+s13+$0x0], $0xffff  }
0x28a: {  	v42 =	vld [tilespmem:s15+$0xC0];
	_ =	sdelay $0x4  }
0x28b: {  	v42 =	vmul.f32 v42, v41;
	_ =	sdelay $0x1  }
0x28c: {  	[tilespmem:s14+$0xC0] =	vst v42  }
0x28d: {  	v42 =	vld [tilespmem:s15+$0xD0];
	_ =	sdelay $0x2  }
0x28e: {  	v43 =	vor.u32 $0x3, v43;
	_ =	sdelay $0x1  }
0x28f: {  	v41 =	vmul.f32 v42, v41;
	_ =	sdelay $0x1  }
0x290: {  	[tilespmem:s14+$0xD0] =	vst v41  }
0x291: {  	v42 =	vld.idx.msk [tilespmem:v43+s13+$0x0], $0xffff  }
0x292: {  	v41 =	vld [tilespmem:s15+$0xE0];
	_ =	sdelay $0x4  }
0x293: {  	v41 =	vmul.f32 v41, v42;
	_ =	sdelay $0x1  }
0x294: {  	[tilespmem:s14+$0xE0] =	vst v41  }
0x295: {  	v43 =	vld [tilespmem:s15+$0xF0]  }
.Ltmp2:
0x296: {  	(pc) =	sbr.rel @p1 .LBB2_7-.Ltmp2, $4  }
0x297: {  	s24 =	sshll.u32 s25, $0x3  }
0x298: {  	s31 =	sadd.s32 $0x8, s24;
	s26 =	sadd.s32 $0x10, s24;
	s28 =	sadd.s32 $0x18, s24;
	v41 =	vmov s24  }
0x299: {  	_ = 	snop  }
0x29a: {  	s24 =	smov.u32 s10;
	v42 =	vmul.f32 v43, v42  }
0x29b: {  	_ =	sdelay $0x2  }
0x29c: {  	[tilespmem:s14+$0xF0] =	vst v42  }
0x29d: {  	s15 =	sadd.s32 $0x200, s15;
	v42 =	vld.idx.msk [tilespmem:v41+s13+$0x0], $0xffff  }
0x29e: {  	v43 =	vld [tilespmem:s15+$0xFFFFFF00];
	_ =	sdelay $0x4  }
0x29f: {  	v43 =	vmul.f32 v43, v42  }
0x2a0: {  	s25 =	sadd.s32 $0x200, s14  }
0x2a1: {  	[tilespmem:s25+$0xFFFFFF00] =	vst v43  }
0x2a2: {  	v43 =	vld [tilespmem:s15+$0xFFFFFF10];
	_ =	sdelay $0x2  }
0x2a3: {  	v44 =	vor.u32 $0x1, v41;
	_ =	sdelay $0x1  }
0x2a4: {  	v42 =	vmul.f32 v43, v42;
	_ =	sdelay $0x1  }
0x2a5: {  	[tilespmem:s25+$0xFFFFFF10] =	vst v42  }
0x2a6: {  	v42 =	vld.idx.msk [tilespmem:v44+s13+$0x0], $0xffff  }
0x2a7: {  	v55 =	vld [tilespmem:s15+$0xFFFFFF20];
	_ =	sdelay $0x4  }
0x2a8: {  	v43 =	vmul.f32 v55, v42;
	_ =	sdelay $0x1  }
0x2a9: {  	[tilespmem:s25+$0xFFFFFF20] =	vst v43  }
0x2aa: {  	v43 =	vld [tilespmem:s15+$0xFFFFFF30];
	_ =	sdelay $0x2  }
0x2ab: {  	v56 =	vor.u32 $0x2, v41;
	_ =	sdelay $0x1  }
0x2ac: {  	v42 =	vmul.f32 v43, v42;
	_ =	sdelay $0x1  }
0x2ad: {  	[tilespmem:s25+$0xFFFFFF30] =	vst v42  }
0x2ae: {  	v42 =	vld.idx.msk [tilespmem:v56+s13+$0x0], $0xffff  }
0x2af: {  	v57 =	vld [tilespmem:s15+$0xFFFFFF40];
	_ =	sdelay $0x4  }
0x2b0: {  	v43 =	vmul.f32 v57, v42;
	_ =	sdelay $0x1  }
0x2b1: {  	[tilespmem:s25+$0xFFFFFF40] =	vst v43  }
0x2b2: {  	v43 =	vld [tilespmem:s15+$0xFFFFFF50];
	_ =	sdelay $0x2  }
0x2b3: {  	v58 =	vor.u32 $0x3, v41;
	_ =	sdelay $0x1  }
0x2b4: {  	v42 =	vmul.f32 v43, v42;
	_ =	sdelay $0x1  }
0x2b5: {  	[tilespmem:s25+$0xFFFFFF50] =	vst v42  }
0x2b6: {  	v41 =	vld.idx.msk [tilespmem:v58+s13+$0x0], $0xffff  }
0x2b7: {  	v42 =	vld [tilespmem:s15+$0xFFFFFF60];
	_ =	sdelay $0x4  }
0x2b8: {  	v42 =	vmul.f32 v42, v41;
	_ =	sdelay $0x1  }
0x2b9: {  	[tilespmem:s25+$0xFFFFFF60] =	vst v42  }
0x2ba: {  	v42 =	vld [tilespmem:s15+$0xFFFFFF70];
	_ =	sdelay $0x2  }
0x2bb: {  	v59 =	vmov s31;
	_ =	sdelay $0x1  }
0x2bc: {  	v41 =	vmul.f32 v42, v41;
	_ =	sdelay $0x1  }
0x2bd: {  	[tilespmem:s25+$0xFFFFFF70] =	vst v41  }
0x2be: {  	v41 =	vld.idx.msk [tilespmem:v59+s13+$0x0], $0xffff  }
0x2bf: {  	v60 =	vld [tilespmem:s15+$0xFFFFFF80];
	_ =	sdelay $0x4  }
0x2c0: {  	v42 =	vmul.f32 v60, v41;
	_ =	sdelay $0x1  }
0x2c1: {  	[tilespmem:s25+$0xFFFFFF80] =	vst v42  }
0x2c2: {  	v42 =	vld [tilespmem:s15+$0xFFFFFF90];
	_ =	sdelay $0x2  }
0x2c3: {  	v61 =	vor.u32 $0x1, v59;
	_ =	sdelay $0x1  }
0x2c4: {  	v41 =	vmul.f32 v42, v41;
	_ =	sdelay $0x1  }
0x2c5: {  	[tilespmem:s25+$0xFFFFFF90] =	vst v41  }
0x2c6: {  	v41 =	vld.idx.msk [tilespmem:v61+s13+$0x0], $0xffff  }
0x2c7: {  	v62 =	vld [tilespmem:s15+$0xFFFFFFA0];
	_ =	sdelay $0x4  }
0x2c8: {  	v42 =	vmul.f32 v62, v41;
	_ =	sdelay $0x1  }
0x2c9: {  	[tilespmem:s25+$0xFFFFFFA0] =	vst v42  }
0x2ca: {  	v42 =	vld [tilespmem:s15+$0xFFFFFFB0];
	_ =	sdelay $0x2  }
0x2cb: {  	v63 =	vor.u32 $0x2, v59;
	_ =	sdelay $0x1  }
0x2cc: {  	v41 =	vmul.f32 v42, v41;
	_ =	sdelay $0x1  }
0x2cd: {  	[tilespmem:s25+$0xFFFFFFB0] =	vst v41  }
0x2ce: {  	v41 =	vld.idx.msk [tilespmem:v63+s13+$0x0], $0xffff  }
0x2cf: {  	v48 =	vld [tilespmem:s15+$0xFFFFFFC0];
	_ =	sdelay $0x4  }
0x2d0: {  	v42 =	vmul.f32 v48, v41;
	_ =	sdelay $0x1  }
0x2d1: {  	[tilespmem:s25+$0xFFFFFFC0] =	vst v42  }
0x2d2: {  	v42 =	vld [tilespmem:s15+$0xFFFFFFD0];
	_ =	sdelay $0x2  }
0x2d3: {  	v43 =	vor.u32 $0x3, v59;
	_ =	sdelay $0x1  }
0x2d4: {  	v41 =	vmul.f32 v42, v41;
	_ =	sdelay $0x1  }
0x2d5: {  	[tilespmem:s25+$0xFFFFFFD0] =	vst v41  }
0x2d6: {  	v41 =	vld.idx.msk [tilespmem:v43+s13+$0x0], $0xffff  }
0x2d7: {  	v49 =	vld [tilespmem:s15+$0xFFFFFFE0];
	_ =	sdelay $0x4  }
0x2d8: {  	v42 =	vmul.f32 v49, v41;
	_ =	sdelay $0x1  }
0x2d9: {  	[tilespmem:s25+$0xFFFFFFE0] =	vst v42  }
0x2da: {  	v42 =	vld [tilespmem:s15+$0xFFFFFFF0];
	_ =	sdelay $0x2  }
0x2db: {  	v50 =	vmov s26;
	_ =	sdelay $0x1  }
0x2dc: {  	v41 =	vmul.f32 v42, v41;
	_ =	sdelay $0x1  }
0x2dd: {  	[tilespmem:s25+$0xFFFFFFF0] =	vst v41  }
0x2de: {  	v41 =	vld.idx.msk [tilespmem:v50+s13+$0x0], $0xffff  }
0x2df: {  	v51 =	vld [tilespmem:s15+$0x0];
	_ =	sdelay $0x4  }
0x2e0: {  	v42 =	vmul.f32 v51, v41;
	_ =	sdelay $0x1  }
0x2e1: {  	[tilespmem:s25+$0x0] =	vst v42  }
0x2e2: {  	v42 =	vld [tilespmem:s15+$0x10];
	_ =	sdelay $0x2  }
0x2e3: {  	v52 =	vor.u32 $0x1, v50;
	_ =	sdelay $0x1  }
0x2e4: {  	v41 =	vmul.f32 v42, v41;
	_ =	sdelay $0x1  }
0x2e5: {  	[tilespmem:s25+$0x10] =	vst v41  }
0x2e6: {  	v41 =	vld.idx.msk [tilespmem:v52+s13+$0x0], $0xffff  }
0x2e7: {  	v53 =	vld [tilespmem:s15+$0x20];
	_ =	sdelay $0x4  }
0x2e8: {  	v42 =	vmul.f32 v53, v41;
	_ =	sdelay $0x1  }
0x2e9: {  	[tilespmem:s25+$0x20] =	vst v42  }
0x2ea: {  	v42 =	vld [tilespmem:s15+$0x30];
	_ =	sdelay $0x2  }
0x2eb: {  	v54 =	vor.u32 $0x2, v50;
	_ =	sdelay $0x1  }
0x2ec: {  	v41 =	vmul.f32 v42, v41;
	_ =	sdelay $0x1  }
0x2ed: {  	[tilespmem:s25+$0x30] =	vst v41  }
0x2ee: {  	v41 =	vld.idx.msk [tilespmem:v54+s13+$0x0], $0xffff  }
0x2ef: {  	v55 =	vld [tilespmem:s15+$0x40];
	_ =	sdelay $0x4  }
0x2f0: {  	v42 =	vmul.f32 v55, v41;
	_ =	sdelay $0x1  }
0x2f1: {  	[tilespmem:s25+$0x40] =	vst v42  }
0x2f2: {  	v42 =	vld [tilespmem:s15+$0x50];
	_ =	sdelay $0x2  }
0x2f3: {  	v43 =	vor.u32 $0x3, v50;
	_ =	sdelay $0x1  }
0x2f4: {  	v41 =	vmul.f32 v42, v41;
	_ =	sdelay $0x1  }
0x2f5: {  	[tilespmem:s25+$0x50] =	vst v41  }
0x2f6: {  	v41 =	vld.idx.msk [tilespmem:v43+s13+$0x0], $0xffff  }
0x2f7: {  	v56 =	vld [tilespmem:s15+$0x60];
	_ =	sdelay $0x4  }
0x2f8: {  	v42 =	vmul.f32 v56, v41;
	_ =	sdelay $0x1  }
0x2f9: {  	[tilespmem:s25+$0x60] =	vst v42  }
0x2fa: {  	v42 =	vld [tilespmem:s15+$0x70];
	_ =	sdelay $0x2  }
0x2fb: {  	v57 =	vmov s28;
	_ =	sdelay $0x1  }
0x2fc: {  	v41 =	vmul.f32 v42, v41;
	_ =	sdelay $0x1  }
0x2fd: {  	[tilespmem:s25+$0x70] =	vst v41  }
0x2fe: {  	v41 =	vld.idx.msk [tilespmem:v57+s13+$0x0], $0xffff  }
0x2ff: {  	v58 =	vld [tilespmem:s15+$0x80];
	_ =	sdelay $0x4  }
0x300: {  	v42 =	vmul.f32 v58, v41;
	_ =	sdelay $0x1  }
0x301: {  	[tilespmem:s25+$0x80] =	vst v42  }
0x302: {  	v42 =	vld [tilespmem:s15+$0x90];
	_ =	sdelay $0x2  }
0x303: {  	v59 =	vor.u32 $0x1, v57;
	_ =	sdelay $0x1  }
0x304: {  	v41 =	vmul.f32 v42, v41;
	_ =	sdelay $0x1  }
0x305: {  	[tilespmem:s25+$0x90] =	vst v41  }
0x306: {  	v41 =	vld.idx.msk [tilespmem:v59+s13+$0x0], $0xffff  }
0x307: {  	v60 =	vld [tilespmem:s15+$0xA0];
	_ =	sdelay $0x4  }
0x308: {  	v42 =	vmul.f32 v60, v41;
	_ =	sdelay $0x1  }
0x309: {  	[tilespmem:s25+$0xA0] =	vst v42  }
0x30a: {  	v42 =	vld [tilespmem:s15+$0xB0];
	_ =	sdelay $0x2  }
0x30b: {  	v61 =	vor.u32 $0x2, v57;
	_ =	sdelay $0x1  }
0x30c: {  	v41 =	vmul.f32 v42, v41;
	_ =	sdelay $0x1  }
0x30d: {  	[tilespmem:s25+$0xB0] =	vst v41  }
0x30e: {  	v41 =	vld.idx.msk [tilespmem:v61+s13+$0x0], $0xffff  }
0x30f: {  	v62 =	vld [tilespmem:s15+$0xC0];
	_ =	sdelay $0x4  }
0x310: {  	v42 =	vmul.f32 v62, v41;
	_ =	sdelay $0x1  }
0x311: {  	[tilespmem:s25+$0xC0] =	vst v42  }
0x312: {  	v42 =	vld [tilespmem:s15+$0xD0];
	_ =	sdelay $0x2  }
0x313: {  	v43 =	vor.u32 $0x3, v57;
	_ =	sdelay $0x1  }
0x314: {  	v41 =	vmul.f32 v42, v41;
	_ =	sdelay $0x1  }
0x315: {  	[tilespmem:s25+$0xD0] =	vst v41  }
0x316: {  	v41 =	vld.idx.msk [tilespmem:v43+s13+$0x0], $0xffff  }
0x317: {  	v63 =	vld [tilespmem:s15+$0xE0];
	_ =	sdelay $0x4  }
0x318: {  	v42 =	vmul.f32 v63, v41;
	_ =	sdelay $0x1  }
0x319: {  	[tilespmem:s25+$0xE0] =	vst v42  }
0x31a: {  	v42 =	vld [tilespmem:s15+$0xF0];
	_ =	sdelay $0x2  }
0x31b: {  	s10 =	smul.u32 $0xA000, s12  }
0x31c: {  	s31 =	smul.u32 $0x140, s16;
	s11 =	sadd.s32 $0x1, s11  }
0x31d: {  	p1 =	sne.s32 s11, $0x7D;
	v41 =	vmul.f32 v42, v41  }
.Ltmp3:
0x31e: {  	s10 =	sshrl.u32 s10, $0x2;
	s12 =	sshrl.u32 s31, $0x2;
	(pc) =	sbr.rel @p1 .LBB2_6-.Ltmp3, $4  }
0x31f: {  	s10 =	sadd.s32 $0x1A388, s10;
	s12 =	sadd.s32 $0x14D48, s12;
	[tilespmem:s25+$0xF0] =	vst v41  }
0x320: {  	[spmem:s2] =	stream.indirect.scatter.add.f32 [tilespmem:s10], [sflag:$0x3], $0x80, s12, s0, $0xb8;
	[tilespmem:$0x1FB88] =	vst v63  }
0x321: {  	p0 =	por !p0, !p0  }
0x322: {  	[spmem:s3] =	stream.indirect.scatter.add.f32 [tilespmem:s13], [sflag:$0x3], $0x8, s12, s0, $0xb8;
	[tilespmem:$0x1FB88] =	vst v63  }
0x323: {  	s10 =	simm.s32 $0x3  }
0x324: {  	_ =	swait.ge [sflag:s10], $0x2800  }
0x325: {  	[sflag:s10] =	ssyncset.done $0x0  }
0x326: {  	[sflag:s10] =	ssyncadd.s32 $0xFFFFD800  }
0x327: {  	_ =	swait.ge [sflag:s10], $0x280  }
0x328: {  	[sflag:s10] =	ssyncset.done $0x0  }
0x329: {  	[sflag:s10] =	ssyncadd.s32 $0xFFFFFD80  }
0x32a: {  	_ =	swait.ge [sflag:s10], $0x2800  }
0x32b: {  	[sflag:s10] =	ssyncset.done $0x0  }
0x32c: {  	[sflag:s10] =	ssyncadd.s32 $0xFFFFD800  }
0x32d: {  	_ =	swait.ge [sflag:s10], $0x280  }
0x32e: {  	[sflag:s10] =	ssyncset.done $0x0  }
0x32f: {  	[sflag:s10] =	ssyncadd.s32 $0xFFFFFD80  }
0x330: {  	s25 =	stileid.u32;
	[bflag:$0x0] =	sbarrier.arrive $0xFFFF  }
0x331: {  	s10 =	sshll.u32 s25, $0x6;
	s11 =	rddreg [dreg:$0x9]  }
0x332: {  	s10 =	sor.u32 $0x1C04, s10;
	s12 =	rddreg [dreg:$0xc]  }
0x333: {  	[hbm:s11], [sflag:s10] =	dma.local [spmem:s12], $0x2710  }
0x334: {  	_ =	swait.ge [sflag:s23], $0x2710  }
0x335: {  	[sflag:s23] =	ssyncset.done $0x0;
	s26 =	rddreg [dreg:$0xa]  }
0x336: {  	s28 =	rddreg [dreg:$0xd];
	[sflag:s23] =	ssyncadd.s32 $0xFFFFD8F0  }
0x337: {  	[hbm:s26], [sflag:s10] =	dma.local [spmem:s28], $0x271  }
0x338: {  	_ =	swait.ge [sflag:s23], $0x271  }
0x339: {  	s5 =	sadd.s32 $0x1, s5;
	s31 =	rddreg [dreg:$0xb]  }
0x33a: {  	p0 =	sne.s32 s5, s31  }
.Ltmp4:
0x33b: {  	_ = 	snop;
	(pc) =	sbr.rel @p0 .LBB2_1-.Ltmp4, $3  }
0x33c: {  	_ =	sdelay $0x1  }
0x33d: {  	[sflag:s23] =	ssyncset.done $0x0  }
0x33e: {  	[sflag:s23] =	ssyncadd.s32 $0xFFFFFD8F  }
0x33f: {  	_ =	sfence.sel $0x180000  }
0x340: {  	[bflag:$0x0] =	sbarrier.arrive $0xFFFF  }
0x341: {  	_ =	strace $0x90000047  }
0x342: {  	s0 =	stileid.u32;
	[bflag:$0x2] =	sbarrier.arrive $0xFFFF  }
0x343: {  	p0 =	sne.s32 s0, $0x0;
	s0 =	rddreg [dreg:$0x4]  }
0x344: {  	s0 =	sadd.s32 @!p0 $0x100000, s0  }
0x345: {  	[sflag:s0] =	ssyncadd.tile.s32 @!p0 $0x1;
	_ =	shalt  }
.Lfunc_end2:
_tile_overlayer_lowered:
.L_overlay_start_2:
0x346: {  	(tag) =	ssettag $0x2  }
0x347: {  	s0 =	rddreg [dreg:$0x0];
	s2 =	stileid.u32  }
0x348: {  	s1 =	rddreg [dreg:$0x1];
	p0 =	sne.s32 s2, $0x0  }
0x349: {  	s3 =	rddreg [dreg:$0x2];
	[bflag:$0x3] =	sbarrier.arrive $0xFFFF;
	s2 =	simm.s32 @!p0 $0x1C04  }
0x34a: {  	[timem:s3], [sflag:s2] =	dma.local @!p0 [hbm:s0], s1  }
0x34b: {  	s0 =	simm.s32 @!p0 $0x4  }
0x34c: {  	_ =	swait.ge @!p0 [sflag:s0], s1  }
0x34d: {  	s1 =	ssub.s32 @!p0 $0x0, s1;
	[sflag:s0] =	ssyncset.done @!p0 $0x0  }
0x34e: {  	[sflag:s0] =	ssyncadd.s32 @!p0 s1  }
0x34f: {  	[bflag:$0x3] =	sbarrier.arrive $0xFFFF  }
0x350: {  	_ =	shalt  }

</sc_bundles>
